<compile_context>
chip_gen: v7x
topology: tpu7x:2x2x1
jax: 0.10.2.dev20260603
libtpu: 0.0.44.dev20260713+nightly
codegen_flags: <defaults>
</compile_context>

<pallas_src>
import functools

import jax
import jax.numpy as jnp
from jax import lax
from jax.experimental import pallas as pl
from jax.experimental.pallas import tpu as pltpu
from jax.experimental.pallas import tpu_sc as plsc

NUM_CORES = 2
NUM_SUBCORES = 16
NW = NUM_CORES * NUM_SUBCORES
DIM = 32
CHUNK = 640
NBUF = 4
UNROLL = 8


def _rsqrt_newton(s):
    i = lax.bitcast_convert_type(s, jnp.int32)
    i = jnp.int32(0x5F3759DF) - lax.shift_right_arithmetic(i, 1)
    y = lax.bitcast_convert_type(i, jnp.float32)
    half_s = 0.5 * s
    y = y * (1.5 - half_s * y * y)
    return y


def _lane_sum(s):
    iota = lax.iota(jnp.int32, 16)
    for k in (8, 4, 2, 1):
        s = s + s.at[iota ^ k].get(mode="promise_in_bounds")
    return s


def _make_kernel(B):
    b_per_w = B // NW
    n_chunks = b_per_w // CHUNK
    n_outer = n_chunks // NBUF
    mesh = plsc.VectorSubcoreMesh(core_axis_name="c", subcore_axis_name="s")

    @functools.partial(
        pl.kernel,
        mesh=mesh,
        out_type=jax.ShapeDtypeStruct((B, DIM), jnp.float32),
        scratch_types=[
            pltpu.VMEM((b_per_w,), jnp.int32),
            pltpu.VMEM((NBUF, CHUNK, DIM), jnp.float32),
            pltpu.SemaphoreType.DMA((NBUF,)),
            pltpu.SemaphoreType.DMA((NBUF,)),
        ],
        compiler_params=pltpu.CompilerParams(use_tc_tiling_on_sc=False),
    )
    def emb_kernel(x_hbm, w_hbm, out_hbm, idx_v, rows_v, gsem, osem):
        wid = lax.axis_index("s") * NUM_CORES + lax.axis_index("c")
        base = wid * b_per_w

        def fire_gather(c, b):
            off = pl.multiple_of(c * CHUNK, 8)
            pltpu.async_copy(
                w_hbm.at[idx_v.at[pl.ds(off, CHUNK)]], rows_v.at[b], gsem.at[b]
            )

        def wait_gather(b):
            pltpu.make_async_copy(
                w_hbm.at[pl.ds(0, CHUNK)], rows_v.at[b], gsem.at[b]
            ).wait()

        def fire_scatter(c, b):
            off = pl.multiple_of(base + c * CHUNK, 8)
            pltpu.async_copy(
                rows_v.at[b], out_hbm.at[pl.ds(off, CHUNK)], osem.at[b]
            )

        def wait_scatter(b):
            pltpu.make_async_copy(
                rows_v.at[b], out_hbm.at[pl.ds(0, CHUNK)], osem.at[b]
            ).wait()

        pltpu.sync_copy(x_hbm.at[pl.ds(base, b_per_w)], idx_v)

        for k in range(NBUF - 1):
            fire_gather(jnp.int32(k), k)

        def outer_body(co, _):
            for k in range(NBUF):
                c = co * NBUF + k
                wait_gather(k)

                @plsc.parallel_loop(0, CHUNK, 1, unroll=UNROLL)
                def row_body(r):
                    a = rows_v[k, r, pl.ds(0, 16)]
                    b = rows_v[k, r, pl.ds(16, 16)]
                    ssq = _lane_sum(a * a + b * b)
                    inv = jnp.minimum(_rsqrt_newton(ssq), jnp.float32(1e12))
                    rows_v[k, r, pl.ds(0, 16)] = a * inv
                    rows_v[k, r, pl.ds(16, 16)] = b * inv

                fire_scatter(c, k)
                cf = c + NBUF - 1
                bf = (k + NBUF - 1) % NBUF

                @pl.when(cf < n_chunks)
                def _():
                    @pl.when(c >= 1)
                    def _():
                        wait_scatter(bf)

                    fire_gather(cf, bf)

            return 0

        lax.fori_loop(0, n_outer, outer_body, 0)
        for k in range(NBUF):
            wait_scatter(k)

    return emb_kernel


_kernel_impl = None


def kernel(x, weight):
    global _kernel_impl
    B = x.shape[0] * x.shape[1]
    if _kernel_impl is None:
        _kernel_impl = _make_kernel(B)
    idx = x.reshape(-1).astype(jnp.int32)
    out = _kernel_impl(idx, weight)
    return out.reshape(x.shape[0], x.shape[1], DIM)

# --- scband reference (transcript-rebuilt; emitter-appended) ---
"""Pipeline reference for scband-token-embedding-52922587021515 (READ-ONLY COPY).

The authoritative reference and input builder live on the scoring server;
editing this copy changes nothing except your own understanding.
"""

import jax, jax.numpy as jnp
import numpy as np

NUM_TOKENS = 1000000
DIM = 32

def l2_norm(t, eps=1e-12):
    # mirrors torch.nn.functional.normalize(t, p=2, dim=-1)
    n = jnp.linalg.norm(t, ord=2, axis=-1, keepdims=True)
    n = jnp.maximum(n, eps)
    return t / n

def setup_inputs(seed: int = 0) -> dict:
    key = jax.random.key(seed)
    k1, k2 = jax.random.split(key)
    x = jax.random.randint(k1, (4096, 200), 0, NUM_TOKENS, dtype=jnp.int64)
    # use_l2=True -> weight initialized with normal(std=1e-5)
    weight = jax.random.normal(k2, (NUM_TOKENS, DIM), dtype=jnp.float32) * 1e-5
    return {"x": x, "weight": weight}

def reference(x, weight):
    embedding = jnp.take(weight, x, axis=0)  # [B, L, DIM]
    return l2_norm(embedding)

if __name__ == "__main__":
    import jax
    _d = setup_inputs()
    print(jax.jit(kernel)(*tuple(_d.values())))

</pallas_src>

<mosaic_0001>
#map = affine_map<(d0, d1) -> (0)>
#map1 = affine_map<(d0, d1) -> (0, 0)>
module attributes {stable_mosaic.version = 14 : i64} {
  func.func @emb_kernel(%arg0: i32, %arg1: i32, %arg2: memref<819200xi32, #tpu.memory_space<hbm>>, %arg3: memref<1000000x32xf32, #tpu.memory_space<hbm>>, %arg4: memref<819200x32xf32, #tpu.memory_space<hbm>>, %arg5: memref<25600xi32, #tpu.memory_space<vmem>>, %arg6: memref<4x640x32xf32, #tpu.memory_space<vmem>>, %arg7: memref<4x!tpu.dma_semaphore, #tpu.memory_space<semaphore_mem>>, %arg8: memref<4x!tpu.dma_semaphore, #tpu.memory_space<semaphore_mem>>) attributes {dimension_semantics = [#tpu.dimension_semantics<core_parallel>, #tpu.dimension_semantics<subcore_parallel>], iteration_bounds = array<i64: 2, 16>, scalar_prefetch = 0 : i64, scratch_operands = 4 : i64, tpu.core_type = #tpu.core_type<sc_vector_subcore>, window_params = [{transform_indices = #map}, {transform_indices = #map1}, {transform_indices = #map1}]} {
    %mul3A = arith.constant 2 : i32
    %mul3A_0 = arith.muli %arg1, %mul3A : i32
    %add3A = arith.addi %mul3A_0, %arg0 : i32
    %mul3A_1 = arith.constant 25600 : i32
    %mul3A_2 = arith.muli %add3A, %mul3A_1 : i32
    "tpu.region"() ({
      %run_scoped3A = tpu.sem_alloc : memref<!tpu.dma_semaphore, #tpu.memory_space<semaphore_mem>>
      %dma_start3A_126 = tpu.memref_slice %arg2[%mul3A_2] : memref<819200xi32, #tpu.memory_space<hbm>> -> memref<25600xi32, #tpu.memory_space<hbm>>
      %dma_start3A_127 = tpu.memref_slice %arg2[%mul3A_2] : memref<819200xi32, #tpu.memory_space<hbm>> -> memref<25600xi32, #tpu.memory_space<hbm>>
      tpu.enqueue_dma source(%dma_start3A_127 : memref<25600xi32, #tpu.memory_space<hbm>>) target(%arg5 : memref<25600xi32, #tpu.memory_space<vmem>>) target_semaphore(%run_scoped3A : memref<!tpu.dma_semaphore, #tpu.memory_space<semaphore_mem>>)
      %dma_wait3A_128 = tpu.memref_slice %arg2[%mul3A_2] : memref<819200xi32, #tpu.memory_space<hbm>> -> memref<25600xi32, #tpu.memory_space<hbm>>
      %dma_wait3A_129 = tpu.memref_slice %arg2[%mul3A_2] : memref<819200xi32, #tpu.memory_space<hbm>> -> memref<25600xi32, #tpu.memory_space<hbm>>
      tpu.wait_dma2 semaphore(%run_scoped3A : memref<!tpu.dma_semaphore, #tpu.memory_space<semaphore_mem>>) src(%dma_wait3A_129 : memref<25600xi32, #tpu.memory_space<hbm>>) dst(%arg5 : memref<25600xi32, #tpu.memory_space<vmem>>)
      tpu.yield
    }) : () -> ()
    %mul3A_3 = arith.constant 0 : i32
    %mul3A_4 = arith.constant 640 : i32
    %mul3A_5 = arith.muli %mul3A_3, %mul3A_4 : i32
    %multiple_of3A = tpu.assume_multiple %mul3A_5, 8 : i32
    %dma_start3A = arith.constant 0 : i32
    %dma_start3A_6 = arith.constant 0 : i32
    %dma_start3A_7 = arith.constant 0 : i32
    %dma_start3A_8 = arith.constant 0 : i32
    %dma_start3A_9 = tpu.memref_slice %arg6[%dma_start3A, %dma_start3A_7, %dma_start3A_8] : memref<4x640x32xf32, #tpu.memory_space<vmem>> -> memref<1x640x32xf32, #tpu.memory_space<vmem>>
    %dma_start3A_10 = tpu.memref_squeeze %dma_start3A_9 : memref<1x640x32xf32, #tpu.memory_space<vmem>> -> memref<640x32xf32, #tpu.memory_space<vmem>>
    %dma_start3A_11 = tpu.memref_slice %arg5[%multiple_of3A] : memref<25600xi32, #tpu.memory_space<vmem>> -> memref<640xi32, #tpu.memory_space<vmem>>
    %dma_start3A_12 = arith.constant 0 : i32
    %dma_start3A_13 = arith.constant 0 : i32
    %dma_start3A_14 = tpu.memref_slice %arg3[%dma_start3A_12, %dma_start3A_13] : memref<1000000x32xf32, #tpu.memory_space<hbm>> -> memref<1000000x32xf32, #tpu.memory_space<hbm>>
    %dma_start3A_15 = tpu.memref_slice %arg7[%dma_start3A_6] : memref<4x!tpu.dma_semaphore, #tpu.memory_space<semaphore_mem>> -> memref<1x!tpu.dma_semaphore, #tpu.memory_space<semaphore_mem>>
    %dma_start3A_16 = tpu.memref_squeeze %dma_start3A_15 : memref<1x!tpu.dma_semaphore, #tpu.memory_space<semaphore_mem>> -> memref<!tpu.dma_semaphore, #tpu.memory_space<semaphore_mem>>
    tpu.enqueue_indirect_dma source(%dma_start3A_14 : memref<1000000x32xf32, #tpu.memory_space<hbm>>) target(%dma_start3A_10 : memref<640x32xf32, #tpu.memory_space<vmem>>) offsets(%dma_start3A_11 : memref<640xi32, #tpu.memory_space<vmem>>) semaphore(%dma_start3A_16 : memref<!tpu.dma_semaphore, #tpu.memory_space<semaphore_mem>>)
    %mul3A_17 = arith.constant 1 : i32
    %mul3A_18 = arith.constant 640 : i32
    %mul3A_19 = arith.muli %mul3A_17, %mul3A_18 : i32
    %multiple_of3A_20 = tpu.assume_multiple %mul3A_19, 8 : i32
    %dma_start3A_21 = arith.constant 1 : i32
    %dma_start3A_22 = arith.constant 1 : i32
    %dma_start3A_23 = arith.constant 0 : i32
    %dma_start3A_24 = arith.constant 0 : i32
    %dma_start3A_25 = tpu.memref_slice %arg6[%dma_start3A_21, %dma_start3A_23, %dma_start3A_24] : memref<4x640x32xf32, #tpu.memory_space<vmem>> -> memref<1x640x32xf32, #tpu.memory_space<vmem>>
    %dma_start3A_26 = tpu.memref_squeeze %dma_start3A_25 : memref<1x640x32xf32, #tpu.memory_space<vmem>> -> memref<640x32xf32, #tpu.memory_space<vmem>>
    %dma_start3A_27 = tpu.memref_slice %arg5[%multiple_of3A_20] : memref<25600xi32, #tpu.memory_space<vmem>> -> memref<640xi32, #tpu.memory_space<vmem>>
    %dma_start3A_28 = arith.constant 0 : i32
    %dma_start3A_29 = arith.constant 0 : i32
    %dma_start3A_30 = tpu.memref_slice %arg3[%dma_start3A_28, %dma_start3A_29] : memref<1000000x32xf32, #tpu.memory_space<hbm>> -> memref<1000000x32xf32, #tpu.memory_space<hbm>>
    %dma_start3A_31 = tpu.memref_slice %arg7[%dma_start3A_22] : memref<4x!tpu.dma_semaphore, #tpu.memory_space<semaphore_mem>> -> memref<1x!tpu.dma_semaphore, #tpu.memory_space<semaphore_mem>>
    %dma_start3A_32 = tpu.memref_squeeze %dma_start3A_31 : memref<1x!tpu.dma_semaphore, #tpu.memory_space<semaphore_mem>> -> memref<!tpu.dma_semaphore, #tpu.memory_space<semaphore_mem>>
    tpu.enqueue_indirect_dma source(%dma_start3A_30 : memref<1000000x32xf32, #tpu.memory_space<hbm>>) target(%dma_start3A_26 : memref<640x32xf32, #tpu.memory_space<vmem>>) offsets(%dma_start3A_27 : memref<640xi32, #tpu.memory_space<vmem>>) semaphore(%dma_start3A_32 : memref<!tpu.dma_semaphore, #tpu.memory_space<semaphore_mem>>)
    %mul3A_33 = arith.constant 2 : i32
    %mul3A_34 = arith.constant 640 : i32
    %mul3A_35 = arith.muli %mul3A_33, %mul3A_34 : i32
    %multiple_of3A_36 = tpu.assume_multiple %mul3A_35, 8 : i32
    %dma_start3A_37 = arith.constant 2 : i32
    %dma_start3A_38 = arith.constant 2 : i32
    %dma_start3A_39 = arith.constant 0 : i32
    %dma_start3A_40 = arith.constant 0 : i32
    %dma_start3A_41 = tpu.memref_slice %arg6[%dma_start3A_37, %dma_start3A_39, %dma_start3A_40] : memref<4x640x32xf32, #tpu.memory_space<vmem>> -> memref<1x640x32xf32, #tpu.memory_space<vmem>>
    %dma_start3A_42 = tpu.memref_squeeze %dma_start3A_41 : memref<1x640x32xf32, #tpu.memory_space<vmem>> -> memref<640x32xf32, #tpu.memory_space<vmem>>
    %dma_start3A_43 = tpu.memref_slice %arg5[%multiple_of3A_36] : memref<25600xi32, #tpu.memory_space<vmem>> -> memref<640xi32, #tpu.memory_space<vmem>>
    %dma_start3A_44 = arith.constant 0 : i32
    %dma_start3A_45 = arith.constant 0 : i32
    %dma_start3A_46 = tpu.memref_slice %arg3[%dma_start3A_44, %dma_start3A_45] : memref<1000000x32xf32, #tpu.memory_space<hbm>> -> memref<1000000x32xf32, #tpu.memory_space<hbm>>
    %dma_start3A_47 = tpu.memref_slice %arg7[%dma_start3A_38] : memref<4x!tpu.dma_semaphore, #tpu.memory_space<semaphore_mem>> -> memref<1x!tpu.dma_semaphore, #tpu.memory_space<semaphore_mem>>
    %dma_start3A_48 = tpu.memref_squeeze %dma_start3A_47 : memref<1x!tpu.dma_semaphore, #tpu.memory_space<semaphore_mem>> -> memref<!tpu.dma_semaphore, #tpu.memory_space<semaphore_mem>>
    tpu.enqueue_indirect_dma source(%dma_start3A_46 : memref<1000000x32xf32, #tpu.memory_space<hbm>>) target(%dma_start3A_42 : memref<640x32xf32, #tpu.memory_space<vmem>>) offsets(%dma_start3A_43 : memref<640xi32, #tpu.memory_space<vmem>>) semaphore(%dma_start3A_48 : memref<!tpu.dma_semaphore, #tpu.memory_space<semaphore_mem>>)
    %scan3A = arith.constant 0 : i32
    %scan3A_49 = arith.constant 0 : i32
    %scan3A_50 = arith.constant 10 : i32
    %scan3A_51 = arith.addi %scan3A_49, %scan3A_50 : i32
    %scan3A_52 = arith.constant 1 : i32
    %scan3A_53 = scf.for %scan3A_126 = %scan3A_49 to %scan3A_51 step %scan3A_52 iter_args(%scan3A_127 = %scan3A) -> (i32)  : i32 {
      %mul3A_128 = arith.constant 4 : i32
      %mul3A_129 = arith.muli %scan3A_126, %mul3A_128 : i32
      %add3A_130 = arith.constant 0 : i32
      %add3A_131 = arith.addi %mul3A_129, %add3A_130 : i32
      %dma_wait3A_132 = arith.constant 0 : i32
      %dma_wait3A_133 = arith.constant 0 : i32
      %dma_wait3A_134 = arith.constant 0 : i32
      %dma_wait3A_135 = arith.constant 0 : i32
      %dma_wait3A_136 = tpu.memref_slice %arg6[%dma_wait3A_132, %dma_wait3A_134, %dma_wait3A_135] : memref<4x640x32xf32, #tpu.memory_space<vmem>> -> memref<1x640x32xf32, #tpu.memory_space<vmem>>
      %dma_wait3A_137 = tpu.memref_squeeze %dma_wait3A_136 : memref<1x640x32xf32, #tpu.memory_space<vmem>> -> memref<640x32xf32, #tpu.memory_space<vmem>>
      %dma_wait3A_138 = arith.constant 0 : i32
      %dma_wait3A_139 = arith.constant 0 : i32
      %dma_wait3A_140 = tpu.memref_slice %arg3[%dma_wait3A_138, %dma_wait3A_139] : memref<1000000x32xf32, #tpu.memory_space<hbm>> -> memref<640x32xf32, #tpu.memory_space<hbm>>
      %dma_wait3A_141 = tpu.memref_slice %arg7[%dma_wait3A_133] : memref<4x!tpu.dma_semaphore, #tpu.memory_space<semaphore_mem>> -> memref<1x!tpu.dma_semaphore, #tpu.memory_space<semaphore_mem>>
      %dma_wait3A_142 = tpu.memref_squeeze %dma_wait3A_141 : memref<1x!tpu.dma_semaphore, #tpu.memory_space<semaphore_mem>> -> memref<!tpu.dma_semaphore, #tpu.memory_space<semaphore_mem>>
      %dma_wait3A_143 = arith.constant 0 : i32
      %dma_wait3A_144 = arith.constant 0 : i32
      %dma_wait3A_145 = tpu.memref_slice %arg6[%dma_wait3A_132, %dma_wait3A_143, %dma_wait3A_144] : memref<4x640x32xf32, #tpu.memory_space<vmem>> -> memref<1x640x32xf32, #tpu.memory_space<vmem>>
      %dma_wait3A_146 = tpu.memref_squeeze %dma_wait3A_145 : memref<1x640x32xf32, #tpu.memory_space<vmem>> -> memref<640x32xf32, #tpu.memory_space<vmem>>
      %dma_wait3A_147 = arith.constant 0 : i32
      %dma_wait3A_148 = arith.constant 0 : i32
      %dma_wait3A_149 = tpu.memref_slice %arg3[%dma_wait3A_147, %dma_wait3A_148] : memref<1000000x32xf32, #tpu.memory_space<hbm>> -> memref<640x32xf32, #tpu.memory_space<hbm>>
      tpu.wait_dma2 semaphore(%dma_wait3A_142 : memref<!tpu.dma_semaphore, #tpu.memory_space<semaphore_mem>>) src(%dma_wait3A_149 : memref<640x32xf32, #tpu.memory_space<hbm>>) dst(%dma_wait3A_146 : memref<640x32xf32, #tpu.memory_space<vmem>>)
      %parallel_loop3A = arith.constant 0 : i32
      %parallel_loop3A_150 = arith.constant 640 : i32
      %parallel_loop3A_151 = arith.constant 1 : i32
      scf.for %parallel_loop3A_340 = %parallel_loop3A to %parallel_loop3A_150 step %parallel_loop3A_151  : i32 {
        %parallel_loop3A_341 = arith.constant 0 : i32
        %parallel_loop3A_342 = arith.index_cast %parallel_loop3A_341 : i32 to index
        %parallel_loop3A_343 = arith.index_cast %parallel_loop3A_340 : i32 to index
        %parallel_loop3A_344 = arith.constant 0 : index
        %parallel_loop3A_345 = tpu.vector_load %arg6[%parallel_loop3A_342, %parallel_loop3A_343, %parallel_loop3A_344] {strides = array<i32>} : memref<4x640x32xf32, #tpu.memory_space<vmem>>, vector<1x1x16xf32>,
        %parallel_loop3A_346 = vector.shape_cast %parallel_loop3A_345 : vector<1x1x16xf32> to vector<16xf32>
        %parallel_loop3A_347 = arith.constant 0 : i32
        %parallel_loop3A_348 = arith.index_cast %parallel_loop3A_347 : i32 to index
        %parallel_loop3A_349 = arith.index_cast %parallel_loop3A_340 : i32 to index
        %parallel_loop3A_350 = arith.constant 16 : index
        %parallel_loop3A_351 = tpu.vector_load %arg6[%parallel_loop3A_348, %parallel_loop3A_349, %parallel_loop3A_350] {strides = array<i32>} : memref<4x640x32xf32, #tpu.memory_space<vmem>>, vector<1x1x16xf32>,
        %parallel_loop3A_352 = vector.shape_cast %parallel_loop3A_351 : vector<1x1x16xf32> to vector<16xf32>
        %parallel_loop3A_353 = arith.mulf %parallel_loop3A_346, %parallel_loop3A_346 : vector<16xf32>
        %parallel_loop3A_354 = arith.mulf %parallel_loop3A_352, %parallel_loop3A_352 : vector<16xf32>
        %parallel_loop3A_355 = arith.addf %parallel_loop3A_353, %parallel_loop3A_354 : vector<16xf32>
        %parallel_loop3A_356 = tpu.iota {dimensions = array<i32: 0>} : vector<16xi32>
        %parallel_loop3A_357 = arith.constant 8 : i32
        %parallel_loop3A_358 = vector.broadcast %parallel_loop3A_357 : i32 to vector<16xi32>
        %parallel_loop3A_359 = arith.xori %parallel_loop3A_356, %parallel_loop3A_358 : vector<16xi32>
        %parallel_loop3A_360 = arith.constant 0 : i32
        %parallel_loop3A_361 = vector.broadcast %parallel_loop3A_360 : i32 to vector<16xi32>
        %parallel_loop3A_362 = arith.cmpi slt, %parallel_loop3A_359, %parallel_loop3A_361 : vector<16xi32>
        %parallel_loop3A_363 = arith.constant 16 : i32
        %parallel_loop3A_364 = vector.broadcast %parallel_loop3A_363 : i32 to vector<16xi32>
        %parallel_loop3A_365 = arith.addi %parallel_loop3A_359, %parallel_loop3A_364 : vector<16xi32>
        %parallel_loop3A_366 = arith.select %parallel_loop3A_362, %parallel_loop3A_365, %parallel_loop3A_359 : vector<16xi1>, vector<16xi32>
        %parallel_loop3A_367 = vector.shape_cast %parallel_loop3A_366 : vector<16xi32> to vector<16x1xi32>
        %parallel_loop3A_368 = vector.shape_cast %parallel_loop3A_367 : vector<16x1xi32> to vector<16xi32>
        %parallel_loop3A_369 = tpu.dynamic_gather %parallel_loop3A_355[%parallel_loop3A_368] in [0] : vector<16xf32>, vector<16xi32> -> vector<16xf32>
        %parallel_loop3A_370 = arith.addf %parallel_loop3A_355, %parallel_loop3A_369 : vector<16xf32>
        %parallel_loop3A_371 = arith.constant 4 : i32
        %parallel_loop3A_372 = vector.broadcast %parallel_loop3A_371 : i32 to vector<16xi32>
        %parallel_loop3A_373 = arith.xori %parallel_loop3A_356, %parallel_loop3A_372 : vector<16xi32>
        %parallel_loop3A_374 = arith.constant 0 : i32
        %parallel_loop3A_375 = vector.broadcast %parallel_loop3A_374 : i32 to vector<16xi32>
        %parallel_loop3A_376 = arith.cmpi slt, %parallel_loop3A_373, %parallel_loop3A_375 : vector<16xi32>
        %parallel_loop3A_377 = arith.constant 16 : i32
        %parallel_loop3A_378 = vector.broadcast %parallel_loop3A_377 : i32 to vector<16xi32>
        %parallel_loop3A_379 = arith.addi %parallel_loop3A_373, %parallel_loop3A_378 : vector<16xi32>
        %parallel_loop3A_380 = arith.select %parallel_loop3A_376, %parallel_loop3A_379, %parallel_loop3A_373 : vector<16xi1>, vector<16xi32>
        %parallel_loop3A_381 = vector.shape_cast %parallel_loop3A_380 : vector<16xi32> to vector<16x1xi32>
        %parallel_loop3A_382 = vector.shape_cast %parallel_loop3A_381 : vector<16x1xi32> to vector<16xi32>
        %parallel_loop3A_383 = tpu.dynamic_gather %parallel_loop3A_370[%parallel_loop3A_382] in [0] : vector<16xf32>, vector<16xi32> -> vector<16xf32>
        %parallel_loop3A_384 = arith.addf %parallel_loop3A_370, %parallel_loop3A_383 : vector<16xf32>
        %parallel_loop3A_385 = arith.constant 2 : i32
        %parallel_loop3A_386 = vector.broadcast %parallel_loop3A_385 : i32 to vector<16xi32>
        %parallel_loop3A_387 = arith.xori %parallel_loop3A_356, %parallel_loop3A_386 : vector<16xi32>
        %parallel_loop3A_388 = arith.constant 0 : i32
        %parallel_loop3A_389 = vector.broadcast %parallel_loop3A_388 : i32 to vector<16xi32>
        %parallel_loop3A_390 = arith.cmpi slt, %parallel_loop3A_387, %parallel_loop3A_389 : vector<16xi32>
        %parallel_loop3A_391 = arith.constant 16 : i32
        %parallel_loop3A_392 = vector.broadcast %parallel_loop3A_391 : i32 to vector<16xi32>
        %parallel_loop3A_393 = arith.addi %parallel_loop3A_387, %parallel_loop3A_392 : vector<16xi32>
        %parallel_loop3A_394 = arith.select %parallel_loop3A_390, %parallel_loop3A_393, %parallel_loop3A_387 : vector<16xi1>, vector<16xi32>
        %parallel_loop3A_395 = vector.shape_cast %parallel_loop3A_394 : vector<16xi32> to vector<16x1xi32>
        %parallel_loop3A_396 = vector.shape_cast %parallel_loop3A_395 : vector<16x1xi32> to vector<16xi32>
        %parallel_loop3A_397 = tpu.dynamic_gather %parallel_loop3A_384[%parallel_loop3A_396] in [0] : vector<16xf32>, vector<16xi32> -> vector<16xf32>
        %parallel_loop3A_398 = arith.addf %parallel_loop3A_384, %parallel_loop3A_397 : vector<16xf32>
        %parallel_loop3A_399 = arith.constant 1 : i32
        %parallel_loop3A_400 = vector.broadcast %parallel_loop3A_399 : i32 to vector<16xi32>
        %parallel_loop3A_401 = arith.xori %parallel_loop3A_356, %parallel_loop3A_400 : vector<16xi32>
        %parallel_loop3A_402 = arith.constant 0 : i32
        %parallel_loop3A_403 = vector.broadcast %parallel_loop3A_402 : i32 to vector<16xi32>
        %parallel_loop3A_404 = arith.cmpi slt, %parallel_loop3A_401, %parallel_loop3A_403 : vector<16xi32>
        %parallel_loop3A_405 = arith.constant 16 : i32
        %parallel_loop3A_406 = vector.broadcast %parallel_loop3A_405 : i32 to vector<16xi32>
        %parallel_loop3A_407 = arith.addi %parallel_loop3A_401, %parallel_loop3A_406 : vector<16xi32>
        %parallel_loop3A_408 = arith.select %parallel_loop3A_404, %parallel_loop3A_407, %parallel_loop3A_401 : vector<16xi1>, vector<16xi32>
        %parallel_loop3A_409 = vector.shape_cast %parallel_loop3A_408 : vector<16xi32> to vector<16x1xi32>
        %parallel_loop3A_410 = vector.shape_cast %parallel_loop3A_409 : vector<16x1xi32> to vector<16xi32>
        %parallel_loop3A_411 = tpu.dynamic_gather %parallel_loop3A_398[%parallel_loop3A_410] in [0] : vector<16xf32>, vector<16xi32> -> vector<16xf32>
        %parallel_loop3A_412 = arith.addf %parallel_loop3A_398, %parallel_loop3A_411 : vector<16xf32>
        %parallel_loop3A_413 = tpu.bitcast %parallel_loop3A_412 : vector<16xf32> -> vector<16xi32>
        %parallel_loop3A_414 = arith.constant 1 : i32
        %parallel_loop3A_415 = vector.broadcast %parallel_loop3A_414 : i32 to vector<16xi32>
        %parallel_loop3A_416 = arith.shrsi %parallel_loop3A_413, %parallel_loop3A_415 : vector<16xi32>
        %parallel_loop3A_417 = arith.constant 1597463007 : i32
        %parallel_loop3A_418 = vector.broadcast %parallel_loop3A_417 : i32 to vector<16xi32>
        %parallel_loop3A_419 = arith.subi %parallel_loop3A_418, %parallel_loop3A_416 : vector<16xi32>
        %parallel_loop3A_420 = tpu.bitcast %parallel_loop3A_419 : vector<16xi32> -> vector<16xf32>
        %parallel_loop3A_421 = arith.constant 5.000000e-01 : f32
        %parallel_loop3A_422 = vector.broadcast %parallel_loop3A_421 : f32 to vector<16xf32>
        %parallel_loop3A_423 = arith.mulf %parallel_loop3A_422, %parallel_loop3A_412 : vector<16xf32>
        %parallel_loop3A_424 = arith.mulf %parallel_loop3A_423, %parallel_loop3A_420 : vector<16xf32>
        %parallel_loop3A_425 = arith.mulf %parallel_loop3A_424, %parallel_loop3A_420 : vector<16xf32>
        %parallel_loop3A_426 = arith.constant 1.500000e+00 : f32
        %parallel_loop3A_427 = vector.broadcast %parallel_loop3A_426 : f32 to vector<16xf32>
        %parallel_loop3A_428 = arith.subf %parallel_loop3A_427, %parallel_loop3A_425 : vector<16xf32>
        %parallel_loop3A_429 = arith.mulf %parallel_loop3A_420, %parallel_loop3A_428 : vector<16xf32>
        %parallel_loop3A_430 = arith.constant 9.99999995E+11 : f32
        %parallel_loop3A_431 = vector.broadcast %parallel_loop3A_430 : f32 to vector<16xf32>
        %parallel_loop3A_432 = arith.minimumf %parallel_loop3A_429, %parallel_loop3A_431 : vector<16xf32>
        %parallel_loop3A_433 = arith.mulf %parallel_loop3A_346, %parallel_loop3A_432 : vector<16xf32>
        %parallel_loop3A_434 = arith.constant 0 : i32
        %parallel_loop3A_435 = arith.index_cast %parallel_loop3A_434 : i32 to index
        %parallel_loop3A_436 = arith.index_cast %parallel_loop3A_340 : i32 to index
        %parallel_loop3A_437 = arith.constant 0 : index
        %parallel_loop3A_438 = tpu.vector_load %arg6[%parallel_loop3A_435, %parallel_loop3A_436, %parallel_loop3A_437] {strides = array<i32>} : memref<4x640x32xf32, #tpu.memory_space<vmem>>, vector<1x1x16xf32>,
        %parallel_loop3A_439 = vector.shape_cast %parallel_loop3A_438 : vector<1x1x16xf32> to vector<16xf32>
        %parallel_loop3A_440 = vector.shape_cast %parallel_loop3A_433 : vector<16xf32> to vector<1x1x16xf32>
        tpu.vector_store %arg6[%parallel_loop3A_435, %parallel_loop3A_436, %parallel_loop3A_437], %parallel_loop3A_440 {strides = array<i32>} : memref<4x640x32xf32, #tpu.memory_space<vmem>>, vector<1x1x16xf32>,
        %parallel_loop3A_441 = arith.mulf %parallel_loop3A_352, %parallel_loop3A_432 : vector<16xf32>
        %parallel_loop3A_442 = arith.constant 0 : i32
        %parallel_loop3A_443 = arith.index_cast %parallel_loop3A_442 : i32 to index
        %parallel_loop3A_444 = arith.index_cast %parallel_loop3A_340 : i32 to index
        %parallel_loop3A_445 = arith.constant 16 : index
        %parallel_loop3A_446 = tpu.vector_load %arg6[%parallel_loop3A_443, %parallel_loop3A_444, %parallel_loop3A_445] {strides = array<i32>} : memref<4x640x32xf32, #tpu.memory_space<vmem>>, vector<1x1x16xf32>,
        %parallel_loop3A_447 = vector.shape_cast %parallel_loop3A_446 : vector<1x1x16xf32> to vector<16xf32>
        %parallel_loop3A_448 = vector.shape_cast %parallel_loop3A_441 : vector<16xf32> to vector<1x1x16xf32>
        tpu.vector_store %arg6[%parallel_loop3A_443, %parallel_loop3A_444, %parallel_loop3A_445], %parallel_loop3A_448 {strides = array<i32>} : memref<4x640x32xf32, #tpu.memory_space<vmem>>, vector<1x1x16xf32>,
      } {sc.loop_unroll_factor = 8 : i64, sc.parallel_access}
      %mul3A_152 = arith.constant 640 : i32
      %mul3A_153 = arith.muli %add3A_131, %mul3A_152 : i32
      %add3A_154 = arith.addi %mul3A_2, %mul3A_153 : i32
      %multiple_of3A_155 = tpu.assume_multiple %add3A_154, 8 : i32
      %dma_start3A_156 = arith.constant 0 : i32
      %dma_start3A_157 = arith.constant 0 : i32
      %dma_start3A_158 = arith.constant 0 : i32
      %dma_start3A_159 = arith.constant 0 : i32
      %dma_start3A_160 = tpu.memref_slice %arg6[%dma_start3A_156, %dma_start3A_158, %dma_start3A_159] : memref<4x640x32xf32, #tpu.memory_space<vmem>> -> memref<1x640x32xf32, #tpu.memory_space<vmem>>
      %dma_start3A_161 = tpu.memref_squeeze %dma_start3A_160 : memref<1x640x32xf32, #tpu.memory_space<vmem>> -> memref<640x32xf32, #tpu.memory_space<vmem>>
      %dma_start3A_162 = arith.constant 0 : i32
      %dma_start3A_163 = tpu.memref_slice %arg4[%multiple_of3A_155, %dma_start3A_162] : memref<819200x32xf32, #tpu.memory_space<hbm>> -> memref<640x32xf32, #tpu.memory_space<hbm>>
      %dma_start3A_164 = tpu.memref_slice %arg8[%dma_start3A_157] : memref<4x!tpu.dma_semaphore, #tpu.memory_space<semaphore_mem>> -> memref<1x!tpu.dma_semaphore, #tpu.memory_space<semaphore_mem>>
      %dma_start3A_165 = tpu.memref_squeeze %dma_start3A_164 : memref<1x!tpu.dma_semaphore, #tpu.memory_space<semaphore_mem>> -> memref<!tpu.dma_semaphore, #tpu.memory_space<semaphore_mem>>
      %dma_start3A_166 = arith.constant 0 : i32
      %dma_start3A_167 = tpu.memref_slice %arg4[%multiple_of3A_155, %dma_start3A_166] : memref<819200x32xf32, #tpu.memory_space<hbm>> -> memref<640x32xf32, #tpu.memory_space<hbm>>
      %dma_start3A_168 = arith.constant 0 : i32
      %dma_start3A_169 = arith.constant 0 : i32
      %dma_start3A_170 = tpu.memref_slice %arg6[%dma_start3A_156, %dma_start3A_168, %dma_start3A_169] : memref<4x640x32xf32, #tpu.memory_space<vmem>> -> memref<1x640x32xf32, #tpu.memory_space<vmem>>
      %dma_start3A_171 = tpu.memref_squeeze %dma_start3A_170 : memref<1x640x32xf32, #tpu.memory_space<vmem>> -> memref<640x32xf32, #tpu.memory_space<vmem>>
      tpu.enqueue_dma source(%dma_start3A_171 : memref<640x32xf32, #tpu.memory_space<vmem>>) target(%dma_start3A_167 : memref<640x32xf32, #tpu.memory_space<hbm>>) target_semaphore(%dma_start3A_165 : memref<!tpu.dma_semaphore, #tpu.memory_space<semaphore_mem>>)
      %add3A_172 = arith.constant 4 : i32
      %add3A_173 = arith.addi %add3A_131, %add3A_172 : i32
      %sub3A = arith.constant 1 : i32
      %sub3A_174 = arith.subi %add3A_173, %sub3A : i32
      %lt3A = arith.constant 40 : i32
      %lt3A_175 = arith.cmpi slt, %sub3A_174, %lt3A : i32
      %convert_element_type3A = arith.extui %lt3A_175 : i1 to i32
      %cond3A = arith.constant 0 : i32
      %cond3A_176 = arith.cmpi ne, %convert_element_type3A, %cond3A : i32
      scf.if %cond3A_176 {
        %ge3A = arith.constant 1 : i32
        %ge3A_340 = arith.cmpi sge, %add3A_131, %ge3A : i32
        %convert_element_type3A_341 = arith.extui %ge3A_340 : i1 to i32
        %cond3A_342 = arith.constant 0 : i32
        %cond3A_343 = arith.cmpi ne, %convert_element_type3A_341, %cond3A_342 : i32
        scf.if %cond3A_343 {
          %dma_wait3A_359 = arith.constant 3 : i32
          %dma_wait3A_360 = arith.constant 3 : i32
          %dma_wait3A_361 = arith.constant 0 : i32
          %dma_wait3A_362 = arith.constant 0 : i32
          %dma_wait3A_363 = tpu.memref_slice %arg6[%dma_wait3A_359, %dma_wait3A_361, %dma_wait3A_362] : memref<4x640x32xf32, #tpu.memory_space<vmem>> -> memref<1x640x32xf32, #tpu.memory_space<vmem>>
          %dma_wait3A_364 = tpu.memref_squeeze %dma_wait3A_363 : memref<1x640x32xf32, #tpu.memory_space<vmem>> -> memref<640x32xf32, #tpu.memory_space<vmem>>
          %dma_wait3A_365 = arith.constant 0 : i32
          %dma_wait3A_366 = arith.constant 0 : i32
          %dma_wait3A_367 = tpu.memref_slice %arg4[%dma_wait3A_365, %dma_wait3A_366] : memref<819200x32xf32, #tpu.memory_space<hbm>> -> memref<640x32xf32, #tpu.memory_space<hbm>>
          %dma_wait3A_368 = tpu.memref_slice %arg8[%dma_wait3A_360] : memref<4x!tpu.dma_semaphore, #tpu.memory_space<semaphore_mem>> -> memref<1x!tpu.dma_semaphore, #tpu.memory_space<semaphore_mem>>
          %dma_wait3A_369 = tpu.memref_squeeze %dma_wait3A_368 : memref<1x!tpu.dma_semaphore, #tpu.memory_space<semaphore_mem>> -> memref<!tpu.dma_semaphore, #tpu.memory_space<semaphore_mem>>
          %dma_wait3A_370 = arith.constant 0 : i32
          %dma_wait3A_371 = arith.constant 0 : i32
          %dma_wait3A_372 = tpu.memref_slice %arg4[%dma_wait3A_370, %dma_wait3A_371] : memref<819200x32xf32, #tpu.memory_space<hbm>> -> memref<640x32xf32, #tpu.memory_space<hbm>>
          %dma_wait3A_373 = arith.constant 0 : i32
          %dma_wait3A_374 = arith.constant 0 : i32
          %dma_wait3A_375 = tpu.memref_slice %arg6[%dma_wait3A_359, %dma_wait3A_373, %dma_wait3A_374] : memref<4x640x32xf32, #tpu.memory_space<vmem>> -> memref<1x640x32xf32, #tpu.memory_space<vmem>>
          %dma_wait3A_376 = tpu.memref_squeeze %dma_wait3A_375 : memref<1x640x32xf32, #tpu.memory_space<vmem>> -> memref<640x32xf32, #tpu.memory_space<vmem>>
          tpu.wait_dma2 semaphore(%dma_wait3A_369 : memref<!tpu.dma_semaphore, #tpu.memory_space<semaphore_mem>>) src(%dma_wait3A_376 : memref<640x32xf32, #tpu.memory_space<vmem>>) dst(%dma_wait3A_372 : memref<640x32xf32, #tpu.memory_space<hbm>>)
        } else {
        }
        %mul3A_344 = arith.constant 640 : i32
        %mul3A_345 = arith.muli %sub3A_174, %mul3A_344 : i32
        %multiple_of3A_346 = tpu.assume_multiple %mul3A_345, 8 : i32
        %dma_start3A_347 = arith.constant 3 : i32
        %dma_start3A_348 = arith.constant 3 : i32
        %dma_start3A_349 = arith.constant 0 : i32
        %dma_start3A_350 = arith.constant 0 : i32
        %dma_start3A_351 = tpu.memref_slice %arg6[%dma_start3A_347, %dma_start3A_349, %dma_start3A_350] : memref<4x640x32xf32, #tpu.memory_space<vmem>> -> memref<1x640x32xf32, #tpu.memory_space<vmem>>
        %dma_start3A_352 = tpu.memref_squeeze %dma_start3A_351 : memref<1x640x32xf32, #tpu.memory_space<vmem>> -> memref<640x32xf32, #tpu.memory_space<vmem>>
        %dma_start3A_353 = tpu.memref_slice %arg5[%multiple_of3A_346] : memref<25600xi32, #tpu.memory_space<vmem>> -> memref<640xi32, #tpu.memory_space<vmem>>
        %dma_start3A_354 = arith.constant 0 : i32
        %dma_start3A_355 = arith.constant 0 : i32
        %dma_start3A_356 = tpu.memref_slice %arg3[%dma_start3A_354, %dma_start3A_355] : memref<1000000x32xf32, #tpu.memory_space<hbm>> -> memref<1000000x32xf32, #tpu.memory_space<hbm>>
        %dma_start3A_357 = tpu.memref_slice %arg7[%dma_start3A_348] : memref<4x!tpu.dma_semaphore, #tpu.memory_space<semaphore_mem>> -> memref<1x!tpu.dma_semaphore, #tpu.memory_space<semaphore_mem>>
        %dma_start3A_358 = tpu.memref_squeeze %dma_start3A_357 : memref<1x!tpu.dma_semaphore, #tpu.memory_space<semaphore_mem>> -> memref<!tpu.dma_semaphore, #tpu.memory_space<semaphore_mem>>
        tpu.enqueue_indirect_dma source(%dma_start3A_356 : memref<1000000x32xf32, #tpu.memory_space<hbm>>) target(%dma_start3A_352 : memref<640x32xf32, #tpu.memory_space<vmem>>) offsets(%dma_start3A_353 : memref<640xi32, #tpu.memory_space<vmem>>) semaphore(%dma_start3A_358 : memref<!tpu.dma_semaphore, #tpu.memory_space<semaphore_mem>>)
      } else {
      }
      %mul3A_177 = arith.constant 4 : i32
      %mul3A_178 = arith.muli %scan3A_126, %mul3A_177 : i32
      %add3A_179 = arith.constant 1 : i32
      %add3A_180 = arith.addi %mul3A_178, %add3A_179 : i32
      %dma_wait3A_181 = arith.constant 1 : i32
      %dma_wait3A_182 = arith.constant 1 : i32
      %dma_wait3A_183 = arith.constant 0 : i32
      %dma_wait3A_184 = arith.constant 0 : i32
      %dma_wait3A_185 = tpu.memref_slice %arg6[%dma_wait3A_181, %dma_wait3A_183, %dma_wait3A_184] : memref<4x640x32xf32, #tpu.memory_space<vmem>> -> memref<1x640x32xf32, #tpu.memory_space<vmem>>
      %dma_wait3A_186 = tpu.memref_squeeze %dma_wait3A_185 : memref<1x640x32xf32, #tpu.memory_space<vmem>> -> memref<640x32xf32, #tpu.memory_space<vmem>>
      %dma_wait3A_187 = arith.constant 0 : i32
      %dma_wait3A_188 = arith.constant 0 : i32
      %dma_wait3A_189 = tpu.memref_slice %arg3[%dma_wait3A_187, %dma_wait3A_188] : memref<1000000x32xf32, #tpu.memory_space<hbm>> -> memref<640x32xf32, #tpu.memory_space<hbm>>
      %dma_wait3A_190 = tpu.memref_slice %arg7[%dma_wait3A_182] : memref<4x!tpu.dma_semaphore, #tpu.memory_space<semaphore_mem>> -> memref<1x!tpu.dma_semaphore, #tpu.memory_space<semaphore_mem>>
      %dma_wait3A_191 = tpu.memref_squeeze %dma_wait3A_190 : memref<1x!tpu.dma_semaphore, #tpu.memory_space<semaphore_mem>> -> memref<!tpu.dma_semaphore, #tpu.memory_space<semaphore_mem>>
      %dma_wait3A_192 = arith.constant 0 : i32
      %dma_wait3A_193 = arith.constant 0 : i32
      %dma_wait3A_194 = tpu.memref_slice %arg6[%dma_wait3A_181, %dma_wait3A_192, %dma_wait3A_193] : memref<4x640x32xf32, #tpu.memory_space<vmem>> -> memref<1x640x32xf32, #tpu.memory_space<vmem>>
      %dma_wait3A_195 = tpu.memref_squeeze %dma_wait3A_194 : memref<1x640x32xf32, #tpu.memory_space<vmem>> -> memref<640x32xf32, #tpu.memory_space<vmem>>
      %dma_wait3A_196 = arith.constant 0 : i32
      %dma_wait3A_197 = arith.constant 0 : i32
      %dma_wait3A_198 = tpu.memref_slice %arg3[%dma_wait3A_196, %dma_wait3A_197] : memref<1000000x32xf32, #tpu.memory_space<hbm>> -> memref<640x32xf32, #tpu.memory_space<hbm>>
      tpu.wait_dma2 semaphore(%dma_wait3A_191 : memref<!tpu.dma_semaphore, #tpu.memory_space<semaphore_mem>>) src(%dma_wait3A_198 : memref<640x32xf32, #tpu.memory_space<hbm>>) dst(%dma_wait3A_195 : memref<640x32xf32, #tpu.memory_space<vmem>>)
      %parallel_loop3A_199 = arith.constant 0 : i32
      %parallel_loop3A_200 = arith.constant 640 : i32
      %parallel_loop3A_201 = arith.constant 1 : i32
      scf.for %parallel_loop3A_340 = %parallel_loop3A_199 to %parallel_loop3A_200 step %parallel_loop3A_201  : i32 {
        %parallel_loop3A_341 = arith.constant 1 : i32
        %parallel_loop3A_342 = arith.index_cast %parallel_loop3A_341 : i32 to index
        %parallel_loop3A_343 = arith.index_cast %parallel_loop3A_340 : i32 to index
        %parallel_loop3A_344 = arith.constant 0 : index
        %parallel_loop3A_345 = tpu.vector_load %arg6[%parallel_loop3A_342, %parallel_loop3A_343, %parallel_loop3A_344] {strides = array<i32>} : memref<4x640x32xf32, #tpu.memory_space<vmem>>, vector<1x1x16xf32>,
        %parallel_loop3A_346 = vector.shape_cast %parallel_loop3A_345 : vector<1x1x16xf32> to vector<16xf32>
        %parallel_loop3A_347 = arith.constant 1 : i32
        %parallel_loop3A_348 = arith.index_cast %parallel_loop3A_347 : i32 to index
        %parallel_loop3A_349 = arith.index_cast %parallel_loop3A_340 : i32 to index
        %parallel_loop3A_350 = arith.constant 16 : index
        %parallel_loop3A_351 = tpu.vector_load %arg6[%parallel_loop3A_348, %parallel_loop3A_349, %parallel_loop3A_350] {strides = array<i32>} : memref<4x640x32xf32, #tpu.memory_space<vmem>>, vector<1x1x16xf32>,
        %parallel_loop3A_352 = vector.shape_cast %parallel_loop3A_351 : vector<1x1x16xf32> to vector<16xf32>
        %parallel_loop3A_353 = arith.mulf %parallel_loop3A_346, %parallel_loop3A_346 : vector<16xf32>
        %parallel_loop3A_354 = arith.mulf %parallel_loop3A_352, %parallel_loop3A_352 : vector<16xf32>
        %parallel_loop3A_355 = arith.addf %parallel_loop3A_353, %parallel_loop3A_354 : vector<16xf32>
        %parallel_loop3A_356 = tpu.iota {dimensions = array<i32: 0>} : vector<16xi32>
        %parallel_loop3A_357 = arith.constant 8 : i32
        %parallel_loop3A_358 = vector.broadcast %parallel_loop3A_357 : i32 to vector<16xi32>
        %parallel_loop3A_359 = arith.xori %parallel_loop3A_356, %parallel_loop3A_358 : vector<16xi32>
        %parallel_loop3A_360 = arith.constant 0 : i32
        %parallel_loop3A_361 = vector.broadcast %parallel_loop3A_360 : i32 to vector<16xi32>
        %parallel_loop3A_362 = arith.cmpi slt, %parallel_loop3A_359, %parallel_loop3A_361 : vector<16xi32>
        %parallel_loop3A_363 = arith.constant 16 : i32
        %parallel_loop3A_364 = vector.broadcast %parallel_loop3A_363 : i32 to vector<16xi32>
        %parallel_loop3A_365 = arith.addi %parallel_loop3A_359, %parallel_loop3A_364 : vector<16xi32>
        %parallel_loop3A_366 = arith.select %parallel_loop3A_362, %parallel_loop3A_365, %parallel_loop3A_359 : vector<16xi1>, vector<16xi32>
        %parallel_loop3A_367 = vector.shape_cast %parallel_loop3A_366 : vector<16xi32> to vector<16x1xi32>
        %parallel_loop3A_368 = vector.shape_cast %parallel_loop3A_367 : vector<16x1xi32> to vector<16xi32>
        %parallel_loop3A_369 = tpu.dynamic_gather %parallel_loop3A_355[%parallel_loop3A_368] in [0] : vector<16xf32>, vector<16xi32> -> vector<16xf32>
        %parallel_loop3A_370 = arith.addf %parallel_loop3A_355, %parallel_loop3A_369 : vector<16xf32>
        %parallel_loop3A_371 = arith.constant 4 : i32
        %parallel_loop3A_372 = vector.broadcast %parallel_loop3A_371 : i32 to vector<16xi32>
        %parallel_loop3A_373 = arith.xori %parallel_loop3A_356, %parallel_loop3A_372 : vector<16xi32>
        %parallel_loop3A_374 = arith.constant 0 : i32
        %parallel_loop3A_375 = vector.broadcast %parallel_loop3A_374 : i32 to vector<16xi32>
        %parallel_loop3A_376 = arith.cmpi slt, %parallel_loop3A_373, %parallel_loop3A_375 : vector<16xi32>
        %parallel_loop3A_377 = arith.constant 16 : i32
        %parallel_loop3A_378 = vector.broadcast %parallel_loop3A_377 : i32 to vector<16xi32>
        %parallel_loop3A_379 = arith.addi %parallel_loop3A_373, %parallel_loop3A_378 : vector<16xi32>
        %parallel_loop3A_380 = arith.select %parallel_loop3A_376, %parallel_loop3A_379, %parallel_loop3A_373 : vector<16xi1>, vector<16xi32>
        %parallel_loop3A_381 = vector.shape_cast %parallel_loop3A_380 : vector<16xi32> to vector<16x1xi32>
        %parallel_loop3A_382 = vector.shape_cast %parallel_loop3A_381 : vector<16x1xi32> to vector<16xi32>
        %parallel_loop3A_383 = tpu.dynamic_gather %parallel_loop3A_370[%parallel_loop3A_382] in [0] : vector<16xf32>, vector<16xi32> -> vector<16xf32>
        %parallel_loop3A_384 = arith.addf %parallel_loop3A_370, %parallel_loop3A_383 : vector<16xf32>
        %parallel_loop3A_385 = arith.constant 2 : i32
        %parallel_loop3A_386 = vector.broadcast %parallel_loop3A_385 : i32 to vector<16xi32>
        %parallel_loop3A_387 = arith.xori %parallel_loop3A_356, %parallel_loop3A_386 : vector<16xi32>
        %parallel_loop3A_388 = arith.constant 0 : i32
        %parallel_loop3A_389 = vector.broadcast %parallel_loop3A_388 : i32 to vector<16xi32>
        %parallel_loop3A_390 = arith.cmpi slt, %parallel_loop3A_387, %parallel_loop3A_389 : vector<16xi32>
        %parallel_loop3A_391 = arith.constant 16 : i32
        %parallel_loop3A_392 = vector.broadcast %parallel_loop3A_391 : i32 to vector<16xi32>
        %parallel_loop3A_393 = arith.addi %parallel_loop3A_387, %parallel_loop3A_392 : vector<16xi32>
        %parallel_loop3A_394 = arith.select %parallel_loop3A_390, %parallel_loop3A_393, %parallel_loop3A_387 : vector<16xi1>, vector<16xi32>
        %parallel_loop3A_395 = vector.shape_cast %parallel_loop3A_394 : vector<16xi32> to vector<16x1xi32>
        %parallel_loop3A_396 = vector.shape_cast %parallel_loop3A_395 : vector<16x1xi32> to vector<16xi32>
        %parallel_loop3A_397 = tpu.dynamic_gather %parallel_loop3A_384[%parallel_loop3A_396] in [0] : vector<16xf32>, vector<16xi32> -> vector<16xf32>
        %parallel_loop3A_398 = arith.addf %parallel_loop3A_384, %parallel_loop3A_397 : vector<16xf32>
        %parallel_loop3A_399 = arith.constant 1 : i32
        %parallel_loop3A_400 = vector.broadcast %parallel_loop3A_399 : i32 to vector<16xi32>
        %parallel_loop3A_401 = arith.xori %parallel_loop3A_356, %parallel_loop3A_400 : vector<16xi32>
        %parallel_loop3A_402 = arith.constant 0 : i32
        %parallel_loop3A_403 = vector.broadcast %parallel_loop3A_402 : i32 to vector<16xi32>
        %parallel_loop3A_404 = arith.cmpi slt, %parallel_loop3A_401, %parallel_loop3A_403 : vector<16xi32>
        %parallel_loop3A_405 = arith.constant 16 : i32
        %parallel_loop3A_406 = vector.broadcast %parallel_loop3A_405 : i32 to vector<16xi32>
        %parallel_loop3A_407 = arith.addi %parallel_loop3A_401, %parallel_loop3A_406 : vector<16xi32>
        %parallel_loop3A_408 = arith.select %parallel_loop3A_404, %parallel_loop3A_407, %parallel_loop3A_401 : vector<16xi1>, vector<16xi32>
        %parallel_loop3A_409 = vector.shape_cast %parallel_loop3A_408 : vector<16xi32> to vector<16x1xi32>
        %parallel_loop3A_410 = vector.shape_cast %parallel_loop3A_409 : vector<16x1xi32> to vector<16xi32>
        %parallel_loop3A_411 = tpu.dynamic_gather %parallel_loop3A_398[%parallel_loop3A_410] in [0] : vector<16xf32>, vector<16xi32> -> vector<16xf32>
        %parallel_loop3A_412 = arith.addf %parallel_loop3A_398, %parallel_loop3A_411 : vector<16xf32>
        %parallel_loop3A_413 = tpu.bitcast %parallel_loop3A_412 : vector<16xf32> -> vector<16xi32>
        %parallel_loop3A_414 = arith.constant 1 : i32
        %parallel_loop3A_415 = vector.broadcast %parallel_loop3A_414 : i32 to vector<16xi32>
        %parallel_loop3A_416 = arith.shrsi %parallel_loop3A_413, %parallel_loop3A_415 : vector<16xi32>
        %parallel_loop3A_417 = arith.constant 1597463007 : i32
        %parallel_loop3A_418 = vector.broadcast %parallel_loop3A_417 : i32 to vector<16xi32>
        %parallel_loop3A_419 = arith.subi %parallel_loop3A_418, %parallel_loop3A_416 : vector<16xi32>
        %parallel_loop3A_420 = tpu.bitcast %parallel_loop3A_419 : vector<16xi32> -> vector<16xf32>
        %parallel_loop3A_421 = arith.constant 5.000000e-01 : f32
        %parallel_loop3A_422 = vector.broadcast %parallel_loop3A_421 : f32 to vector<16xf32>
        %parallel_loop3A_423 = arith.mulf %parallel_loop3A_422, %parallel_loop3A_412 : vector<16xf32>
        %parallel_loop3A_424 = arith.mulf %parallel_loop3A_423, %parallel_loop3A_420 : vector<16xf32>
        %parallel_loop3A_425 = arith.mulf %parallel_loop3A_424, %parallel_loop3A_420 : vector<16xf32>
        %parallel_loop3A_426 = arith.constant 1.500000e+00 : f32
        %parallel_loop3A_427 = vector.broadcast %parallel_loop3A_426 : f32 to vector<16xf32>
        %parallel_loop3A_428 = arith.subf %parallel_loop3A_427, %parallel_loop3A_425 : vector<16xf32>
        %parallel_loop3A_429 = arith.mulf %parallel_loop3A_420, %parallel_loop3A_428 : vector<16xf32>
        %parallel_loop3A_430 = arith.constant 9.99999995E+11 : f32
        %parallel_loop3A_431 = vector.broadcast %parallel_loop3A_430 : f32 to vector<16xf32>
        %parallel_loop3A_432 = arith.minimumf %parallel_loop3A_429, %parallel_loop3A_431 : vector<16xf32>
        %parallel_loop3A_433 = arith.mulf %parallel_loop3A_346, %parallel_loop3A_432 : vector<16xf32>
        %parallel_loop3A_434 = arith.constant 1 : i32
        %parallel_loop3A_435 = arith.index_cast %parallel_loop3A_434 : i32 to index
        %parallel_loop3A_436 = arith.index_cast %parallel_loop3A_340 : i32 to index
        %parallel_loop3A_437 = arith.constant 0 : index
        %parallel_loop3A_438 = tpu.vector_load %arg6[%parallel_loop3A_435, %parallel_loop3A_436, %parallel_loop3A_437] {strides = array<i32>} : memref<4x640x32xf32, #tpu.memory_space<vmem>>, vector<1x1x16xf32>,
        %parallel_loop3A_439 = vector.shape_cast %parallel_loop3A_438 : vector<1x1x16xf32> to vector<16xf32>
        %parallel_loop3A_440 = vector.shape_cast %parallel_loop3A_433 : vector<16xf32> to vector<1x1x16xf32>
        tpu.vector_store %arg6[%parallel_loop3A_435, %parallel_loop3A_436, %parallel_loop3A_437], %parallel_loop3A_440 {strides = array<i32>} : memref<4x640x32xf32, #tpu.memory_space<vmem>>, vector<1x1x16xf32>,
        %parallel_loop3A_441 = arith.mulf %parallel_loop3A_352, %parallel_loop3A_432 : vector<16xf32>
        %parallel_loop3A_442 = arith.constant 1 : i32
        %parallel_loop3A_443 = arith.index_cast %parallel_loop3A_442 : i32 to index
        %parallel_loop3A_444 = arith.index_cast %parallel_loop3A_340 : i32 to index
        %parallel_loop3A_445 = arith.constant 16 : index
        %parallel_loop3A_446 = tpu.vector_load %arg6[%parallel_loop3A_443, %parallel_loop3A_444, %parallel_loop3A_445] {strides = array<i32>} : memref<4x640x32xf32, #tpu.memory_space<vmem>>, vector<1x1x16xf32>,
        %parallel_loop3A_447 = vector.shape_cast %parallel_loop3A_446 : vector<1x1x16xf32> to vector<16xf32>
        %parallel_loop3A_448 = vector.shape_cast %parallel_loop3A_441 : vector<16xf32> to vector<1x1x16xf32>
        tpu.vector_store %arg6[%parallel_loop3A_443, %parallel_loop3A_444, %parallel_loop3A_445], %parallel_loop3A_448 {strides = array<i32>} : memref<4x640x32xf32, #tpu.memory_space<vmem>>, vector<1x1x16xf32>,
      } {sc.loop_unroll_factor = 8 : i64, sc.parallel_access}
      %mul3A_202 = arith.constant 640 : i32
      %mul3A_203 = arith.muli %add3A_180, %mul3A_202 : i32
      %add3A_204 = arith.addi %mul3A_2, %mul3A_203 : i32
      %multiple_of3A_205 = tpu.assume_multiple %add3A_204, 8 : i32
      %dma_start3A_206 = arith.constant 1 : i32
      %dma_start3A_207 = arith.constant 1 : i32
      %dma_start3A_208 = arith.constant 0 : i32
      %dma_start3A_209 = arith.constant 0 : i32
      %dma_start3A_210 = tpu.memref_slice %arg6[%dma_start3A_206, %dma_start3A_208, %dma_start3A_209] : memref<4x640x32xf32, #tpu.memory_space<vmem>> -> memref<1x640x32xf32, #tpu.memory_space<vmem>>
      %dma_start3A_211 = tpu.memref_squeeze %dma_start3A_210 : memref<1x640x32xf32, #tpu.memory_space<vmem>> -> memref<640x32xf32, #tpu.memory_space<vmem>>
      %dma_start3A_212 = arith.constant 0 : i32
      %dma_start3A_213 = tpu.memref_slice %arg4[%multiple_of3A_205, %dma_start3A_212] : memref<819200x32xf32, #tpu.memory_space<hbm>> -> memref<640x32xf32, #tpu.memory_space<hbm>>
      %dma_start3A_214 = tpu.memref_slice %arg8[%dma_start3A_207] : memref<4x!tpu.dma_semaphore, #tpu.memory_space<semaphore_mem>> -> memref<1x!tpu.dma_semaphore, #tpu.memory_space<semaphore_mem>>
      %dma_start3A_215 = tpu.memref_squeeze %dma_start3A_214 : memref<1x!tpu.dma_semaphore, #tpu.memory_space<semaphore_mem>> -> memref<!tpu.dma_semaphore, #tpu.memory_space<semaphore_mem>>
      %dma_start3A_216 = arith.constant 0 : i32
      %dma_start3A_217 = tpu.memref_slice %arg4[%multiple_of3A_205, %dma_start3A_216] : memref<819200x32xf32, #tpu.memory_space<hbm>> -> memref<640x32xf32, #tpu.memory_space<hbm>>
      %dma_start3A_218 = arith.constant 0 : i32
      %dma_start3A_219 = arith.constant 0 : i32
      %dma_start3A_220 = tpu.memref_slice %arg6[%dma_start3A_206, %dma_start3A_218, %dma_start3A_219] : memref<4x640x32xf32, #tpu.memory_space<vmem>> -> memref<1x640x32xf32, #tpu.memory_space<vmem>>
      %dma_start3A_221 = tpu.memref_squeeze %dma_start3A_220 : memref<1x640x32xf32, #tpu.memory_space<vmem>> -> memref<640x32xf32, #tpu.memory_space<vmem>>
      tpu.enqueue_dma source(%dma_start3A_221 : memref<640x32xf32, #tpu.memory_space<vmem>>) target(%dma_start3A_217 : memref<640x32xf32, #tpu.memory_space<hbm>>) target_semaphore(%dma_start3A_215 : memref<!tpu.dma_semaphore, #tpu.memory_space<semaphore_mem>>)
      %add3A_222 = arith.constant 4 : i32
      %add3A_223 = arith.addi %add3A_180, %add3A_222 : i32
      %sub3A_224 = arith.constant 1 : i32
      %sub3A_225 = arith.subi %add3A_223, %sub3A_224 : i32
      %lt3A_226 = arith.constant 40 : i32
      %lt3A_227 = arith.cmpi slt, %sub3A_225, %lt3A_226 : i32
      %convert_element_type3A_228 = arith.extui %lt3A_227 : i1 to i32
      %cond3A_229 = arith.constant 0 : i32
      %cond3A_230 = arith.cmpi ne, %convert_element_type3A_228, %cond3A_229 : i32
      scf.if %cond3A_230 {
        %ge3A = arith.constant 1 : i32
        %ge3A_340 = arith.cmpi sge, %add3A_180, %ge3A : i32
        %convert_element_type3A_341 = arith.extui %ge3A_340 : i1 to i32
        %cond3A_342 = arith.constant 0 : i32
        %cond3A_343 = arith.cmpi ne, %convert_element_type3A_341, %cond3A_342 : i32
        scf.if %cond3A_343 {
          %dma_wait3A_359 = arith.constant 0 : i32
          %dma_wait3A_360 = arith.constant 0 : i32
          %dma_wait3A_361 = arith.constant 0 : i32
          %dma_wait3A_362 = arith.constant 0 : i32
          %dma_wait3A_363 = tpu.memref_slice %arg6[%dma_wait3A_359, %dma_wait3A_361, %dma_wait3A_362] : memref<4x640x32xf32, #tpu.memory_space<vmem>> -> memref<1x640x32xf32, #tpu.memory_space<vmem>>
          %dma_wait3A_364 = tpu.memref_squeeze %dma_wait3A_363 : memref<1x640x32xf32, #tpu.memory_space<vmem>> -> memref<640x32xf32, #tpu.memory_space<vmem>>
          %dma_wait3A_365 = arith.constant 0 : i32
          %dma_wait3A_366 = arith.constant 0 : i32
          %dma_wait3A_367 = tpu.memref_slice %arg4[%dma_wait3A_365, %dma_wait3A_366] : memref<819200x32xf32, #tpu.memory_space<hbm>> -> memref<640x32xf32, #tpu.memory_space<hbm>>
          %dma_wait3A_368 = tpu.memref_slice %arg8[%dma_wait3A_360] : memref<4x!tpu.dma_semaphore, #tpu.memory_space<semaphore_mem>> -> memref<1x!tpu.dma_semaphore, #tpu.memory_space<semaphore_mem>>
          %dma_wait3A_369 = tpu.memref_squeeze %dma_wait3A_368 : memref<1x!tpu.dma_semaphore, #tpu.memory_space<semaphore_mem>> -> memref<!tpu.dma_semaphore, #tpu.memory_space<semaphore_mem>>
          %dma_wait3A_370 = arith.constant 0 : i32
          %dma_wait3A_371 = arith.constant 0 : i32
          %dma_wait3A_372 = tpu.memref_slice %arg4[%dma_wait3A_370, %dma_wait3A_371] : memref<819200x32xf32, #tpu.memory_space<hbm>> -> memref<640x32xf32, #tpu.memory_space<hbm>>
          %dma_wait3A_373 = arith.constant 0 : i32
          %dma_wait3A_374 = arith.constant 0 : i32
          %dma_wait3A_375 = tpu.memref_slice %arg6[%dma_wait3A_359, %dma_wait3A_373, %dma_wait3A_374] : memref<4x640x32xf32, #tpu.memory_space<vmem>> -> memref<1x640x32xf32, #tpu.memory_space<vmem>>
          %dma_wait3A_376 = tpu.memref_squeeze %dma_wait3A_375 : memref<1x640x32xf32, #tpu.memory_space<vmem>> -> memref<640x32xf32, #tpu.memory_space<vmem>>
          tpu.wait_dma2 semaphore(%dma_wait3A_369 : memref<!tpu.dma_semaphore, #tpu.memory_space<semaphore_mem>>) src(%dma_wait3A_376 : memref<640x32xf32, #tpu.memory_space<vmem>>) dst(%dma_wait3A_372 : memref<640x32xf32, #tpu.memory_space<hbm>>)
        } else {
        }
        %mul3A_344 = arith.constant 640 : i32
        %mul3A_345 = arith.muli %sub3A_225, %mul3A_344 : i32
        %multiple_of3A_346 = tpu.assume_multiple %mul3A_345, 8 : i32
        %dma_start3A_347 = arith.constant 0 : i32
        %dma_start3A_348 = arith.constant 0 : i32
        %dma_start3A_349 = arith.constant 0 : i32
        %dma_start3A_350 = arith.constant 0 : i32
        %dma_start3A_351 = tpu.memref_slice %arg6[%dma_start3A_347, %dma_start3A_349, %dma_start3A_350] : memref<4x640x32xf32, #tpu.memory_space<vmem>> -> memref<1x640x32xf32, #tpu.memory_space<vmem>>
        %dma_start3A_352 = tpu.memref_squeeze %dma_start3A_351 : memref<1x640x32xf32, #tpu.memory_space<vmem>> -> memref<640x32xf32, #tpu.memory_space<vmem>>
        %dma_start3A_353 = tpu.memref_slice %arg5[%multiple_of3A_346] : memref<25600xi32, #tpu.memory_space<vmem>> -> memref<640xi32, #tpu.memory_space<vmem>>
        %dma_start3A_354 = arith.constant 0 : i32
        %dma_start3A_355 = arith.constant 0 : i32
        %dma_start3A_356 = tpu.memref_slice %arg3[%dma_start3A_354, %dma_start3A_355] : memref<1000000x32xf32, #tpu.memory_space<hbm>> -> memref<1000000x32xf32, #tpu.memory_space<hbm>>
        %dma_start3A_357 = tpu.memref_slice %arg7[%dma_start3A_348] : memref<4x!tpu.dma_semaphore, #tpu.memory_space<semaphore_mem>> -> memref<1x!tpu.dma_semaphore, #tpu.memory_space<semaphore_mem>>
        %dma_start3A_358 = tpu.memref_squeeze %dma_start3A_357 : memref<1x!tpu.dma_semaphore, #tpu.memory_space<semaphore_mem>> -> memref<!tpu.dma_semaphore, #tpu.memory_space<semaphore_mem>>
        tpu.enqueue_indirect_dma source(%dma_start3A_356 : memref<1000000x32xf32, #tpu.memory_space<hbm>>) target(%dma_start3A_352 : memref<640x32xf32, #tpu.memory_space<vmem>>) offsets(%dma_start3A_353 : memref<640xi32, #tpu.memory_space<vmem>>) semaphore(%dma_start3A_358 : memref<!tpu.dma_semaphore, #tpu.memory_space<semaphore_mem>>)
      } else {
      }
      %mul3A_231 = arith.constant 4 : i32
      %mul3A_232 = arith.muli %scan3A_126, %mul3A_231 : i32
      %add3A_233 = arith.constant 2 : i32
      %add3A_234 = arith.addi %mul3A_232, %add3A_233 : i32
      %dma_wait3A_235 = arith.constant 2 : i32
      %dma_wait3A_236 = arith.constant 2 : i32
      %dma_wait3A_237 = arith.constant 0 : i32
      %dma_wait3A_238 = arith.constant 0 : i32
      %dma_wait3A_239 = tpu.memref_slice %arg6[%dma_wait3A_235, %dma_wait3A_237, %dma_wait3A_238] : memref<4x640x32xf32, #tpu.memory_space<vmem>> -> memref<1x640x32xf32, #tpu.memory_space<vmem>>
      %dma_wait3A_240 = tpu.memref_squeeze %dma_wait3A_239 : memref<1x640x32xf32, #tpu.memory_space<vmem>> -> memref<640x32xf32, #tpu.memory_space<vmem>>
      %dma_wait3A_241 = arith.constant 0 : i32
      %dma_wait3A_242 = arith.constant 0 : i32
      %dma_wait3A_243 = tpu.memref_slice %arg3[%dma_wait3A_241, %dma_wait3A_242] : memref<1000000x32xf32, #tpu.memory_space<hbm>> -> memref<640x32xf32, #tpu.memory_space<hbm>>
      %dma_wait3A_244 = tpu.memref_slice %arg7[%dma_wait3A_236] : memref<4x!tpu.dma_semaphore, #tpu.memory_space<semaphore_mem>> -> memref<1x!tpu.dma_semaphore, #tpu.memory_space<semaphore_mem>>
      %dma_wait3A_245 = tpu.memref_squeeze %dma_wait3A_244 : memref<1x!tpu.dma_semaphore, #tpu.memory_space<semaphore_mem>> -> memref<!tpu.dma_semaphore, #tpu.memory_space<semaphore_mem>>
      %dma_wait3A_246 = arith.constant 0 : i32
      %dma_wait3A_247 = arith.constant 0 : i32
      %dma_wait3A_248 = tpu.memref_slice %arg6[%dma_wait3A_235, %dma_wait3A_246, %dma_wait3A_247] : memref<4x640x32xf32, #tpu.memory_space<vmem>> -> memref<1x640x32xf32, #tpu.memory_space<vmem>>
      %dma_wait3A_249 = tpu.memref_squeeze %dma_wait3A_248 : memref<1x640x32xf32, #tpu.memory_space<vmem>> -> memref<640x32xf32, #tpu.memory_space<vmem>>
      %dma_wait3A_250 = arith.constant 0 : i32
      %dma_wait3A_251 = arith.constant 0 : i32
      %dma_wait3A_252 = tpu.memref_slice %arg3[%dma_wait3A_250, %dma_wait3A_251] : memref<1000000x32xf32, #tpu.memory_space<hbm>> -> memref<640x32xf32, #tpu.memory_space<hbm>>
      tpu.wait_dma2 semaphore(%dma_wait3A_245 : memref<!tpu.dma_semaphore, #tpu.memory_space<semaphore_mem>>) src(%dma_wait3A_252 : memref<640x32xf32, #tpu.memory_space<hbm>>) dst(%dma_wait3A_249 : memref<640x32xf32, #tpu.memory_space<vmem>>)
      %parallel_loop3A_253 = arith.constant 0 : i32
      %parallel_loop3A_254 = arith.constant 640 : i32
      %parallel_loop3A_255 = arith.constant 1 : i32
      scf.for %parallel_loop3A_340 = %parallel_loop3A_253 to %parallel_loop3A_254 step %parallel_loop3A_255  : i32 {
        %parallel_loop3A_341 = arith.constant 2 : i32
        %parallel_loop3A_342 = arith.index_cast %parallel_loop3A_341 : i32 to index
        %parallel_loop3A_343 = arith.index_cast %parallel_loop3A_340 : i32 to index
        %parallel_loop3A_344 = arith.constant 0 : index
        %parallel_loop3A_345 = tpu.vector_load %arg6[%parallel_loop3A_342, %parallel_loop3A_343, %parallel_loop3A_344] {strides = array<i32>} : memref<4x640x32xf32, #tpu.memory_space<vmem>>, vector<1x1x16xf32>,
        %parallel_loop3A_346 = vector.shape_cast %parallel_loop3A_345 : vector<1x1x16xf32> to vector<16xf32>
        %parallel_loop3A_347 = arith.constant 2 : i32
        %parallel_loop3A_348 = arith.index_cast %parallel_loop3A_347 : i32 to index
        %parallel_loop3A_349 = arith.index_cast %parallel_loop3A_340 : i32 to index
        %parallel_loop3A_350 = arith.constant 16 : index
        %parallel_loop3A_351 = tpu.vector_load %arg6[%parallel_loop3A_348, %parallel_loop3A_349, %parallel_loop3A_350] {strides = array<i32>} : memref<4x640x32xf32, #tpu.memory_space<vmem>>, vector<1x1x16xf32>,
        %parallel_loop3A_352 = vector.shape_cast %parallel_loop3A_351 : vector<1x1x16xf32> to vector<16xf32>
        %parallel_loop3A_353 = arith.mulf %parallel_loop3A_346, %parallel_loop3A_346 : vector<16xf32>
        %parallel_loop3A_354 = arith.mulf %parallel_loop3A_352, %parallel_loop3A_352 : vector<16xf32>
        %parallel_loop3A_355 = arith.addf %parallel_loop3A_353, %parallel_loop3A_354 : vector<16xf32>
        %parallel_loop3A_356 = tpu.iota {dimensions = array<i32: 0>} : vector<16xi32>
        %parallel_loop3A_357 = arith.constant 8 : i32
        %parallel_loop3A_358 = vector.broadcast %parallel_loop3A_357 : i32 to vector<16xi32>
        %parallel_loop3A_359 = arith.xori %parallel_loop3A_356, %parallel_loop3A_358 : vector<16xi32>
        %parallel_loop3A_360 = arith.constant 0 : i32
        %parallel_loop3A_361 = vector.broadcast %parallel_loop3A_360 : i32 to vector<16xi32>
        %parallel_loop3A_362 = arith.cmpi slt, %parallel_loop3A_359, %parallel_loop3A_361 : vector<16xi32>
        %parallel_loop3A_363 = arith.constant 16 : i32
        %parallel_loop3A_364 = vector.broadcast %parallel_loop3A_363 : i32 to vector<16xi32>
        %parallel_loop3A_365 = arith.addi %parallel_loop3A_359, %parallel_loop3A_364 : vector<16xi32>
        %parallel_loop3A_366 = arith.select %parallel_loop3A_362, %parallel_loop3A_365, %parallel_loop3A_359 : vector<16xi1>, vector<16xi32>
        %parallel_loop3A_367 = vector.shape_cast %parallel_loop3A_366 : vector<16xi32> to vector<16x1xi32>
        %parallel_loop3A_368 = vector.shape_cast %parallel_loop3A_367 : vector<16x1xi32> to vector<16xi32>
        %parallel_loop3A_369 = tpu.dynamic_gather %parallel_loop3A_355[%parallel_loop3A_368] in [0] : vector<16xf32>, vector<16xi32> -> vector<16xf32>
        %parallel_loop3A_370 = arith.addf %parallel_loop3A_355, %parallel_loop3A_369 : vector<16xf32>
        %parallel_loop3A_371 = arith.constant 4 : i32
        %parallel_loop3A_372 = vector.broadcast %parallel_loop3A_371 : i32 to vector<16xi32>
        %parallel_loop3A_373 = arith.xori %parallel_loop3A_356, %parallel_loop3A_372 : vector<16xi32>
        %parallel_loop3A_374 = arith.constant 0 : i32
        %parallel_loop3A_375 = vector.broadcast %parallel_loop3A_374 : i32 to vector<16xi32>
        %parallel_loop3A_376 = arith.cmpi slt, %parallel_loop3A_373, %parallel_loop3A_375 : vector<16xi32>
        %parallel_loop3A_377 = arith.constant 16 : i32
        %parallel_loop3A_378 = vector.broadcast %parallel_loop3A_377 : i32 to vector<16xi32>
        %parallel_loop3A_379 = arith.addi %parallel_loop3A_373, %parallel_loop3A_378 : vector<16xi32>
        %parallel_loop3A_380 = arith.select %parallel_loop3A_376, %parallel_loop3A_379, %parallel_loop3A_373 : vector<16xi1>, vector<16xi32>
        %parallel_loop3A_381 = vector.shape_cast %parallel_loop3A_380 : vector<16xi32> to vector<16x1xi32>
        %parallel_loop3A_382 = vector.shape_cast %parallel_loop3A_381 : vector<16x1xi32> to vector<16xi32>
        %parallel_loop3A_383 = tpu.dynamic_gather %parallel_loop3A_370[%parallel_loop3A_382] in [0] : vector<16xf32>, vector<16xi32> -> vector<16xf32>
        %parallel_loop3A_384 = arith.addf %parallel_loop3A_370, %parallel_loop3A_383 : vector<16xf32>
        %parallel_loop3A_385 = arith.constant 2 : i32
        %parallel_loop3A_386 = vector.broadcast %parallel_loop3A_385 : i32 to vector<16xi32>
        %parallel_loop3A_387 = arith.xori %parallel_loop3A_356, %parallel_loop3A_386 : vector<16xi32>
        %parallel_loop3A_388 = arith.constant 0 : i32
        %parallel_loop3A_389 = vector.broadcast %parallel_loop3A_388 : i32 to vector<16xi32>
        %parallel_loop3A_390 = arith.cmpi slt, %parallel_loop3A_387, %parallel_loop3A_389 : vector<16xi32>
        %parallel_loop3A_391 = arith.constant 16 : i32
        %parallel_loop3A_392 = vector.broadcast %parallel_loop3A_391 : i32 to vector<16xi32>
        %parallel_loop3A_393 = arith.addi %parallel_loop3A_387, %parallel_loop3A_392 : vector<16xi32>
        %parallel_loop3A_394 = arith.select %parallel_loop3A_390, %parallel_loop3A_393, %parallel_loop3A_387 : vector<16xi1>, vector<16xi32>
        %parallel_loop3A_395 = vector.shape_cast %parallel_loop3A_394 : vector<16xi32> to vector<16x1xi32>
        %parallel_loop3A_396 = vector.shape_cast %parallel_loop3A_395 : vector<16x1xi32> to vector<16xi32>
        %parallel_loop3A_397 = tpu.dynamic_gather %parallel_loop3A_384[%parallel_loop3A_396] in [0] : vector<16xf32>, vector<16xi32> -> vector<16xf32>
        %parallel_loop3A_398 = arith.addf %parallel_loop3A_384, %parallel_loop3A_397 : vector<16xf32>
        %parallel_loop3A_399 = arith.constant 1 : i32
        %parallel_loop3A_400 = vector.broadcast %parallel_loop3A_399 : i32 to vector<16xi32>
        %parallel_loop3A_401 = arith.xori %parallel_loop3A_356, %parallel_loop3A_400 : vector<16xi32>
        %parallel_loop3A_402 = arith.constant 0 : i32
        %parallel_loop3A_403 = vector.broadcast %parallel_loop3A_402 : i32 to vector<16xi32>
        %parallel_loop3A_404 = arith.cmpi slt, %parallel_loop3A_401, %parallel_loop3A_403 : vector<16xi32>
        %parallel_loop3A_405 = arith.constant 16 : i32
        %parallel_loop3A_406 = vector.broadcast %parallel_loop3A_405 : i32 to vector<16xi32>
        %parallel_loop3A_407 = arith.addi %parallel_loop3A_401, %parallel_loop3A_406 : vector<16xi32>
        %parallel_loop3A_408 = arith.select %parallel_loop3A_404, %parallel_loop3A_407, %parallel_loop3A_401 : vector<16xi1>, vector<16xi32>
        %parallel_loop3A_409 = vector.shape_cast %parallel_loop3A_408 : vector<16xi32> to vector<16x1xi32>
        %parallel_loop3A_410 = vector.shape_cast %parallel_loop3A_409 : vector<16x1xi32> to vector<16xi32>
        %parallel_loop3A_411 = tpu.dynamic_gather %parallel_loop3A_398[%parallel_loop3A_410] in [0] : vector<16xf32>, vector<16xi32> -> vector<16xf32>
        %parallel_loop3A_412 = arith.addf %parallel_loop3A_398, %parallel_loop3A_411 : vector<16xf32>
        %parallel_loop3A_413 = tpu.bitcast %parallel_loop3A_412 : vector<16xf32> -> vector<16xi32>
        %parallel_loop3A_414 = arith.constant 1 : i32
        %parallel_loop3A_415 = vector.broadcast %parallel_loop3A_414 : i32 to vector<16xi32>
        %parallel_loop3A_416 = arith.shrsi %parallel_loop3A_413, %parallel_loop3A_415 : vector<16xi32>
        %parallel_loop3A_417 = arith.constant 1597463007 : i32
        %parallel_loop3A_418 = vector.broadcast %parallel_loop3A_417 : i32 to vector<16xi32>
        %parallel_loop3A_419 = arith.subi %parallel_loop3A_418, %parallel_loop3A_416 : vector<16xi32>
        %parallel_loop3A_420 = tpu.bitcast %parallel_loop3A_419 : vector<16xi32> -> vector<16xf32>
        %parallel_loop3A_421 = arith.constant 5.000000e-01 : f32
        %parallel_loop3A_422 = vector.broadcast %parallel_loop3A_421 : f32 to vector<16xf32>
        %parallel_loop3A_423 = arith.mulf %parallel_loop3A_422, %parallel_loop3A_412 : vector<16xf32>
        %parallel_loop3A_424 = arith.mulf %parallel_loop3A_423, %parallel_loop3A_420 : vector<16xf32>
        %parallel_loop3A_425 = arith.mulf %parallel_loop3A_424, %parallel_loop3A_420 : vector<16xf32>
        %parallel_loop3A_426 = arith.constant 1.500000e+00 : f32
        %parallel_loop3A_427 = vector.broadcast %parallel_loop3A_426 : f32 to vector<16xf32>
        %parallel_loop3A_428 = arith.subf %parallel_loop3A_427, %parallel_loop3A_425 : vector<16xf32>
        %parallel_loop3A_429 = arith.mulf %parallel_loop3A_420, %parallel_loop3A_428 : vector<16xf32>
        %parallel_loop3A_430 = arith.constant 9.99999995E+11 : f32
        %parallel_loop3A_431 = vector.broadcast %parallel_loop3A_430 : f32 to vector<16xf32>
        %parallel_loop3A_432 = arith.minimumf %parallel_loop3A_429, %parallel_loop3A_431 : vector<16xf32>
        %parallel_loop3A_433 = arith.mulf %parallel_loop3A_346, %parallel_loop3A_432 : vector<16xf32>
        %parallel_loop3A_434 = arith.constant 2 : i32
        %parallel_loop3A_435 = arith.index_cast %parallel_loop3A_434 : i32 to index
        %parallel_loop3A_436 = arith.index_cast %parallel_loop3A_340 : i32 to index
        %parallel_loop3A_437 = arith.constant 0 : index
        %parallel_loop3A_438 = tpu.vector_load %arg6[%parallel_loop3A_435, %parallel_loop3A_436, %parallel_loop3A_437] {strides = array<i32>} : memref<4x640x32xf32, #tpu.memory_space<vmem>>, vector<1x1x16xf32>,
        %parallel_loop3A_439 = vector.shape_cast %parallel_loop3A_438 : vector<1x1x16xf32> to vector<16xf32>
        %parallel_loop3A_440 = vector.shape_cast %parallel_loop3A_433 : vector<16xf32> to vector<1x1x16xf32>
        tpu.vector_store %arg6[%parallel_loop3A_435, %parallel_loop3A_436, %parallel_loop3A_437], %parallel_loop3A_440 {strides = array<i32>} : memref<4x640x32xf32, #tpu.memory_space<vmem>>, vector<1x1x16xf32>,
        %parallel_loop3A_441 = arith.mulf %parallel_loop3A_352, %parallel_loop3A_432 : vector<16xf32>
        %parallel_loop3A_442 = arith.constant 2 : i32
        %parallel_loop3A_443 = arith.index_cast %parallel_loop3A_442 : i32 to index
        %parallel_loop3A_444 = arith.index_cast %parallel_loop3A_340 : i32 to index
        %parallel_loop3A_445 = arith.constant 16 : index
        %parallel_loop3A_446 = tpu.vector_load %arg6[%parallel_loop3A_443, %parallel_loop3A_444, %parallel_loop3A_445] {strides = array<i32>} : memref<4x640x32xf32, #tpu.memory_space<vmem>>, vector<1x1x16xf32>,
        %parallel_loop3A_447 = vector.shape_cast %parallel_loop3A_446 : vector<1x1x16xf32> to vector<16xf32>
        %parallel_loop3A_448 = vector.shape_cast %parallel_loop3A_441 : vector<16xf32> to vector<1x1x16xf32>
        tpu.vector_store %arg6[%parallel_loop3A_443, %parallel_loop3A_444, %parallel_loop3A_445], %parallel_loop3A_448 {strides = array<i32>} : memref<4x640x32xf32, #tpu.memory_space<vmem>>, vector<1x1x16xf32>,
      } {sc.loop_unroll_factor = 8 : i64, sc.parallel_access}
      %mul3A_256 = arith.constant 640 : i32
      %mul3A_257 = arith.muli %add3A_234, %mul3A_256 : i32
      %add3A_258 = arith.addi %mul3A_2, %mul3A_257 : i32
      %multiple_of3A_259 = tpu.assume_multiple %add3A_258, 8 : i32
      %dma_start3A_260 = arith.constant 2 : i32
      %dma_start3A_261 = arith.constant 2 : i32
      %dma_start3A_262 = arith.constant 0 : i32
      %dma_start3A_263 = arith.constant 0 : i32
      %dma_start3A_264 = tpu.memref_slice %arg6[%dma_start3A_260, %dma_start3A_262, %dma_start3A_263] : memref<4x640x32xf32, #tpu.memory_space<vmem>> -> memref<1x640x32xf32, #tpu.memory_space<vmem>>
      %dma_start3A_265 = tpu.memref_squeeze %dma_start3A_264 : memref<1x640x32xf32, #tpu.memory_space<vmem>> -> memref<640x32xf32, #tpu.memory_space<vmem>>
      %dma_start3A_266 = arith.constant 0 : i32
      %dma_start3A_267 = tpu.memref_slice %arg4[%multiple_of3A_259, %dma_start3A_266] : memref<819200x32xf32, #tpu.memory_space<hbm>> -> memref<640x32xf32, #tpu.memory_space<hbm>>
      %dma_start3A_268 = tpu.memref_slice %arg8[%dma_start3A_261] : memref<4x!tpu.dma_semaphore, #tpu.memory_space<semaphore_mem>> -> memref<1x!tpu.dma_semaphore, #tpu.memory_space<semaphore_mem>>
      %dma_start3A_269 = tpu.memref_squeeze %dma_start3A_268 : memref<1x!tpu.dma_semaphore, #tpu.memory_space<semaphore_mem>> -> memref<!tpu.dma_semaphore, #tpu.memory_space<semaphore_mem>>
      %dma_start3A_270 = arith.constant 0 : i32
      %dma_start3A_271 = tpu.memref_slice %arg4[%multiple_of3A_259, %dma_start3A_270] : memref<819200x32xf32, #tpu.memory_space<hbm>> -> memref<640x32xf32, #tpu.memory_space<hbm>>
      %dma_start3A_272 = arith.constant 0 : i32
      %dma_start3A_273 = arith.constant 0 : i32
      %dma_start3A_274 = tpu.memref_slice %arg6[%dma_start3A_260, %dma_start3A_272, %dma_start3A_273] : memref<4x640x32xf32, #tpu.memory_space<vmem>> -> memref<1x640x32xf32, #tpu.memory_space<vmem>>
      %dma_start3A_275 = tpu.memref_squeeze %dma_start3A_274 : memref<1x640x32xf32, #tpu.memory_space<vmem>> -> memref<640x32xf32, #tpu.memory_space<vmem>>
      tpu.enqueue_dma source(%dma_start3A_275 : memref<640x32xf32, #tpu.memory_space<vmem>>) target(%dma_start3A_271 : memref<640x32xf32, #tpu.memory_space<hbm>>) target_semaphore(%dma_start3A_269 : memref<!tpu.dma_semaphore, #tpu.memory_space<semaphore_mem>>)
      %add3A_276 = arith.constant 4 : i32
      %add3A_277 = arith.addi %add3A_234, %add3A_276 : i32
      %sub3A_278 = arith.constant 1 : i32
      %sub3A_279 = arith.subi %add3A_277, %sub3A_278 : i32
      %lt3A_280 = arith.constant 40 : i32
      %lt3A_281 = arith.cmpi slt, %sub3A_279, %lt3A_280 : i32
      %convert_element_type3A_282 = arith.extui %lt3A_281 : i1 to i32
      %cond3A_283 = arith.constant 0 : i32
      %cond3A_284 = arith.cmpi ne, %convert_element_type3A_282, %cond3A_283 : i32
      scf.if %cond3A_284 {
        %ge3A = arith.constant 1 : i32
        %ge3A_340 = arith.cmpi sge, %add3A_234, %ge3A : i32
        %convert_element_type3A_341 = arith.extui %ge3A_340 : i1 to i32
        %cond3A_342 = arith.constant 0 : i32
        %cond3A_343 = arith.cmpi ne, %convert_element_type3A_341, %cond3A_342 : i32
        scf.if %cond3A_343 {
          %dma_wait3A_359 = arith.constant 1 : i32
          %dma_wait3A_360 = arith.constant 1 : i32
          %dma_wait3A_361 = arith.constant 0 : i32
          %dma_wait3A_362 = arith.constant 0 : i32
          %dma_wait3A_363 = tpu.memref_slice %arg6[%dma_wait3A_359, %dma_wait3A_361, %dma_wait3A_362] : memref<4x640x32xf32, #tpu.memory_space<vmem>> -> memref<1x640x32xf32, #tpu.memory_space<vmem>>
          %dma_wait3A_364 = tpu.memref_squeeze %dma_wait3A_363 : memref<1x640x32xf32, #tpu.memory_space<vmem>> -> memref<640x32xf32, #tpu.memory_space<vmem>>
          %dma_wait3A_365 = arith.constant 0 : i32
          %dma_wait3A_366 = arith.constant 0 : i32
          %dma_wait3A_367 = tpu.memref_slice %arg4[%dma_wait3A_365, %dma_wait3A_366] : memref<819200x32xf32, #tpu.memory_space<hbm>> -> memref<640x32xf32, #tpu.memory_space<hbm>>
          %dma_wait3A_368 = tpu.memref_slice %arg8[%dma_wait3A_360] : memref<4x!tpu.dma_semaphore, #tpu.memory_space<semaphore_mem>> -> memref<1x!tpu.dma_semaphore, #tpu.memory_space<semaphore_mem>>
          %dma_wait3A_369 = tpu.memref_squeeze %dma_wait3A_368 : memref<1x!tpu.dma_semaphore, #tpu.memory_space<semaphore_mem>> -> memref<!tpu.dma_semaphore, #tpu.memory_space<semaphore_mem>>
          %dma_wait3A_370 = arith.constant 0 : i32
          %dma_wait3A_371 = arith.constant 0 : i32
          %dma_wait3A_372 = tpu.memref_slice %arg4[%dma_wait3A_370, %dma_wait3A_371] : memref<819200x32xf32, #tpu.memory_space<hbm>> -> memref<640x32xf32, #tpu.memory_space<hbm>>
          %dma_wait3A_373 = arith.constant 0 : i32
          %dma_wait3A_374 = arith.constant 0 : i32
          %dma_wait3A_375 = tpu.memref_slice %arg6[%dma_wait3A_359, %dma_wait3A_373, %dma_wait3A_374] : memref<4x640x32xf32, #tpu.memory_space<vmem>> -> memref<1x640x32xf32, #tpu.memory_space<vmem>>
          %dma_wait3A_376 = tpu.memref_squeeze %dma_wait3A_375 : memref<1x640x32xf32, #tpu.memory_space<vmem>> -> memref<640x32xf32, #tpu.memory_space<vmem>>
          tpu.wait_dma2 semaphore(%dma_wait3A_369 : memref<!tpu.dma_semaphore, #tpu.memory_space<semaphore_mem>>) src(%dma_wait3A_376 : memref<640x32xf32, #tpu.memory_space<vmem>>) dst(%dma_wait3A_372 : memref<640x32xf32, #tpu.memory_space<hbm>>)
        } else {
        }
        %mul3A_344 = arith.constant 640 : i32
        %mul3A_345 = arith.muli %sub3A_279, %mul3A_344 : i32
        %multiple_of3A_346 = tpu.assume_multiple %mul3A_345, 8 : i32
        %dma_start3A_347 = arith.constant 1 : i32
        %dma_start3A_348 = arith.constant 1 : i32
        %dma_start3A_349 = arith.constant 0 : i32
        %dma_start3A_350 = arith.constant 0 : i32
        %dma_start3A_351 = tpu.memref_slice %arg6[%dma_start3A_347, %dma_start3A_349, %dma_start3A_350] : memref<4x640x32xf32, #tpu.memory_space<vmem>> -> memref<1x640x32xf32, #tpu.memory_space<vmem>>
        %dma_start3A_352 = tpu.memref_squeeze %dma_start3A_351 : memref<1x640x32xf32, #tpu.memory_space<vmem>> -> memref<640x32xf32, #tpu.memory_space<vmem>>
        %dma_start3A_353 = tpu.memref_slice %arg5[%multiple_of3A_346] : memref<25600xi32, #tpu.memory_space<vmem>> -> memref<640xi32, #tpu.memory_space<vmem>>
        %dma_start3A_354 = arith.constant 0 : i32
        %dma_start3A_355 = arith.constant 0 : i32
        %dma_start3A_356 = tpu.memref_slice %arg3[%dma_start3A_354, %dma_start3A_355] : memref<1000000x32xf32, #tpu.memory_space<hbm>> -> memref<1000000x32xf32, #tpu.memory_space<hbm>>
        %dma_start3A_357 = tpu.memref_slice %arg7[%dma_start3A_348] : memref<4x!tpu.dma_semaphore, #tpu.memory_space<semaphore_mem>> -> memref<1x!tpu.dma_semaphore, #tpu.memory_space<semaphore_mem>>
        %dma_start3A_358 = tpu.memref_squeeze %dma_start3A_357 : memref<1x!tpu.dma_semaphore, #tpu.memory_space<semaphore_mem>> -> memref<!tpu.dma_semaphore, #tpu.memory_space<semaphore_mem>>
        tpu.enqueue_indirect_dma source(%dma_start3A_356 : memref<1000000x32xf32, #tpu.memory_space<hbm>>) target(%dma_start3A_352 : memref<640x32xf32, #tpu.memory_space<vmem>>) offsets(%dma_start3A_353 : memref<640xi32, #tpu.memory_space<vmem>>) semaphore(%dma_start3A_358 : memref<!tpu.dma_semaphore, #tpu.memory_space<semaphore_mem>>)
      } else {
      }
      %mul3A_285 = arith.constant 4 : i32
      %mul3A_286 = arith.muli %scan3A_126, %mul3A_285 : i32
      %add3A_287 = arith.constant 3 : i32
      %add3A_288 = arith.addi %mul3A_286, %add3A_287 : i32
      %dma_wait3A_289 = arith.constant 3 : i32
      %dma_wait3A_290 = arith.constant 3 : i32
      %dma_wait3A_291 = arith.constant 0 : i32
      %dma_wait3A_292 = arith.constant 0 : i32
      %dma_wait3A_293 = tpu.memref_slice %arg6[%dma_wait3A_289, %dma_wait3A_291, %dma_wait3A_292] : memref<4x640x32xf32, #tpu.memory_space<vmem>> -> memref<1x640x32xf32, #tpu.memory_space<vmem>>
      %dma_wait3A_294 = tpu.memref_squeeze %dma_wait3A_293 : memref<1x640x32xf32, #tpu.memory_space<vmem>> -> memref<640x32xf32, #tpu.memory_space<vmem>>
      %dma_wait3A_295 = arith.constant 0 : i32
      %dma_wait3A_296 = arith.constant 0 : i32
      %dma_wait3A_297 = tpu.memref_slice %arg3[%dma_wait3A_295, %dma_wait3A_296] : memref<1000000x32xf32, #tpu.memory_space<hbm>> -> memref<640x32xf32, #tpu.memory_space<hbm>>
      %dma_wait3A_298 = tpu.memref_slice %arg7[%dma_wait3A_290] : memref<4x!tpu.dma_semaphore, #tpu.memory_space<semaphore_mem>> -> memref<1x!tpu.dma_semaphore, #tpu.memory_space<semaphore_mem>>
      %dma_wait3A_299 = tpu.memref_squeeze %dma_wait3A_298 : memref<1x!tpu.dma_semaphore, #tpu.memory_space<semaphore_mem>> -> memref<!tpu.dma_semaphore, #tpu.memory_space<semaphore_mem>>
      %dma_wait3A_300 = arith.constant 0 : i32
      %dma_wait3A_301 = arith.constant 0 : i32
      %dma_wait3A_302 = tpu.memref_slice %arg6[%dma_wait3A_289, %dma_wait3A_300, %dma_wait3A_301] : memref<4x640x32xf32, #tpu.memory_space<vmem>> -> memref<1x640x32xf32, #tpu.memory_space<vmem>>
      %dma_wait3A_303 = tpu.memref_squeeze %dma_wait3A_302 : memref<1x640x32xf32, #tpu.memory_space<vmem>> -> memref<640x32xf32, #tpu.memory_space<vmem>>
      %dma_wait3A_304 = arith.constant 0 : i32
      %dma_wait3A_305 = arith.constant 0 : i32
      %dma_wait3A_306 = tpu.memref_slice %arg3[%dma_wait3A_304, %dma_wait3A_305] : memref<1000000x32xf32, #tpu.memory_space<hbm>> -> memref<640x32xf32, #tpu.memory_space<hbm>>
      tpu.wait_dma2 semaphore(%dma_wait3A_299 : memref<!tpu.dma_semaphore, #tpu.memory_space<semaphore_mem>>) src(%dma_wait3A_306 : memref<640x32xf32, #tpu.memory_space<hbm>>) dst(%dma_wait3A_303 : memref<640x32xf32, #tpu.memory_space<vmem>>)
      %parallel_loop3A_307 = arith.constant 0 : i32
      %parallel_loop3A_308 = arith.constant 640 : i32
      %parallel_loop3A_309 = arith.constant 1 : i32
      scf.for %parallel_loop3A_340 = %parallel_loop3A_307 to %parallel_loop3A_308 step %parallel_loop3A_309  : i32 {
        %parallel_loop3A_341 = arith.constant 3 : i32
        %parallel_loop3A_342 = arith.index_cast %parallel_loop3A_341 : i32 to index
        %parallel_loop3A_343 = arith.index_cast %parallel_loop3A_340 : i32 to index
        %parallel_loop3A_344 = arith.constant 0 : index
        %parallel_loop3A_345 = tpu.vector_load %arg6[%parallel_loop3A_342, %parallel_loop3A_343, %parallel_loop3A_344] {strides = array<i32>} : memref<4x640x32xf32, #tpu.memory_space<vmem>>, vector<1x1x16xf32>,
        %parallel_loop3A_346 = vector.shape_cast %parallel_loop3A_345 : vector<1x1x16xf32> to vector<16xf32>
        %parallel_loop3A_347 = arith.constant 3 : i32
        %parallel_loop3A_348 = arith.index_cast %parallel_loop3A_347 : i32 to index
        %parallel_loop3A_349 = arith.index_cast %parallel_loop3A_340 : i32 to index
        %parallel_loop3A_350 = arith.constant 16 : index
        %parallel_loop3A_351 = tpu.vector_load %arg6[%parallel_loop3A_348, %parallel_loop3A_349, %parallel_loop3A_350] {strides = array<i32>} : memref<4x640x32xf32, #tpu.memory_space<vmem>>, vector<1x1x16xf32>,
        %parallel_loop3A_352 = vector.shape_cast %parallel_loop3A_351 : vector<1x1x16xf32> to vector<16xf32>
        %parallel_loop3A_353 = arith.mulf %parallel_loop3A_346, %parallel_loop3A_346 : vector<16xf32>
        %parallel_loop3A_354 = arith.mulf %parallel_loop3A_352, %parallel_loop3A_352 : vector<16xf32>
        %parallel_loop3A_355 = arith.addf %parallel_loop3A_353, %parallel_loop3A_354 : vector<16xf32>
        %parallel_loop3A_356 = tpu.iota {dimensions = array<i32: 0>} : vector<16xi32>
        %parallel_loop3A_357 = arith.constant 8 : i32
        %parallel_loop3A_358 = vector.broadcast %parallel_loop3A_357 : i32 to vector<16xi32>
        %parallel_loop3A_359 = arith.xori %parallel_loop3A_356, %parallel_loop3A_358 : vector<16xi32>
        %parallel_loop3A_360 = arith.constant 0 : i32
        %parallel_loop3A_361 = vector.broadcast %parallel_loop3A_360 : i32 to vector<16xi32>
        %parallel_loop3A_362 = arith.cmpi slt, %parallel_loop3A_359, %parallel_loop3A_361 : vector<16xi32>
        %parallel_loop3A_363 = arith.constant 16 : i32
        %parallel_loop3A_364 = vector.broadcast %parallel_loop3A_363 : i32 to vector<16xi32>
        %parallel_loop3A_365 = arith.addi %parallel_loop3A_359, %parallel_loop3A_364 : vector<16xi32>
        %parallel_loop3A_366 = arith.select %parallel_loop3A_362, %parallel_loop3A_365, %parallel_loop3A_359 : vector<16xi1>, vector<16xi32>
        %parallel_loop3A_367 = vector.shape_cast %parallel_loop3A_366 : vector<16xi32> to vector<16x1xi32>
        %parallel_loop3A_368 = vector.shape_cast %parallel_loop3A_367 : vector<16x1xi32> to vector<16xi32>
        %parallel_loop3A_369 = tpu.dynamic_gather %parallel_loop3A_355[%parallel_loop3A_368] in [0] : vector<16xf32>, vector<16xi32> -> vector<16xf32>
        %parallel_loop3A_370 = arith.addf %parallel_loop3A_355, %parallel_loop3A_369 : vector<16xf32>
        %parallel_loop3A_371 = arith.constant 4 : i32
        %parallel_loop3A_372 = vector.broadcast %parallel_loop3A_371 : i32 to vector<16xi32>
        %parallel_loop3A_373 = arith.xori %parallel_loop3A_356, %parallel_loop3A_372 : vector<16xi32>
        %parallel_loop3A_374 = arith.constant 0 : i32
        %parallel_loop3A_375 = vector.broadcast %parallel_loop3A_374 : i32 to vector<16xi32>
        %parallel_loop3A_376 = arith.cmpi slt, %parallel_loop3A_373, %parallel_loop3A_375 : vector<16xi32>
        %parallel_loop3A_377 = arith.constant 16 : i32
        %parallel_loop3A_378 = vector.broadcast %parallel_loop3A_377 : i32 to vector<16xi32>
        %parallel_loop3A_379 = arith.addi %parallel_loop3A_373, %parallel_loop3A_378 : vector<16xi32>
        %parallel_loop3A_380 = arith.select %parallel_loop3A_376, %parallel_loop3A_379, %parallel_loop3A_373 : vector<16xi1>, vector<16xi32>
        %parallel_loop3A_381 = vector.shape_cast %parallel_loop3A_380 : vector<16xi32> to vector<16x1xi32>
        %parallel_loop3A_382 = vector.shape_cast %parallel_loop3A_381 : vector<16x1xi32> to vector<16xi32>
        %parallel_loop3A_383 = tpu.dynamic_gather %parallel_loop3A_370[%parallel_loop3A_382] in [0] : vector<16xf32>, vector<16xi32> -> vector<16xf32>
        %parallel_loop3A_384 = arith.addf %parallel_loop3A_370, %parallel_loop3A_383 : vector<16xf32>
        %parallel_loop3A_385 = arith.constant 2 : i32
        %parallel_loop3A_386 = vector.broadcast %parallel_loop3A_385 : i32 to vector<16xi32>
        %parallel_loop3A_387 = arith.xori %parallel_loop3A_356, %parallel_loop3A_386 : vector<16xi32>
        %parallel_loop3A_388 = arith.constant 0 : i32
        %parallel_loop3A_389 = vector.broadcast %parallel_loop3A_388 : i32 to vector<16xi32>
        %parallel_loop3A_390 = arith.cmpi slt, %parallel_loop3A_387, %parallel_loop3A_389 : vector<16xi32>
        %parallel_loop3A_391 = arith.constant 16 : i32
        %parallel_loop3A_392 = vector.broadcast %parallel_loop3A_391 : i32 to vector<16xi32>
        %parallel_loop3A_393 = arith.addi %parallel_loop3A_387, %parallel_loop3A_392 : vector<16xi32>
        %parallel_loop3A_394 = arith.select %parallel_loop3A_390, %parallel_loop3A_393, %parallel_loop3A_387 : vector<16xi1>, vector<16xi32>
        %parallel_loop3A_395 = vector.shape_cast %parallel_loop3A_394 : vector<16xi32> to vector<16x1xi32>
        %parallel_loop3A_396 = vector.shape_cast %parallel_loop3A_395 : vector<16x1xi32> to vector<16xi32>
        %parallel_loop3A_397 = tpu.dynamic_gather %parallel_loop3A_384[%parallel_loop3A_396] in [0] : vector<16xf32>, vector<16xi32> -> vector<16xf32>
        %parallel_loop3A_398 = arith.addf %parallel_loop3A_384, %parallel_loop3A_397 : vector<16xf32>
        %parallel_loop3A_399 = arith.constant 1 : i32
        %parallel_loop3A_400 = vector.broadcast %parallel_loop3A_399 : i32 to vector<16xi32>
        %parallel_loop3A_401 = arith.xori %parallel_loop3A_356, %parallel_loop3A_400 : vector<16xi32>
        %parallel_loop3A_402 = arith.constant 0 : i32
        %parallel_loop3A_403 = vector.broadcast %parallel_loop3A_402 : i32 to vector<16xi32>
        %parallel_loop3A_404 = arith.cmpi slt, %parallel_loop3A_401, %parallel_loop3A_403 : vector<16xi32>
        %parallel_loop3A_405 = arith.constant 16 : i32
        %parallel_loop3A_406 = vector.broadcast %parallel_loop3A_405 : i32 to vector<16xi32>
        %parallel_loop3A_407 = arith.addi %parallel_loop3A_401, %parallel_loop3A_406 : vector<16xi32>
        %parallel_loop3A_408 = arith.select %parallel_loop3A_404, %parallel_loop3A_407, %parallel_loop3A_401 : vector<16xi1>, vector<16xi32>
        %parallel_loop3A_409 = vector.shape_cast %parallel_loop3A_408 : vector<16xi32> to vector<16x1xi32>
        %parallel_loop3A_410 = vector.shape_cast %parallel_loop3A_409 : vector<16x1xi32> to vector<16xi32>
        %parallel_loop3A_411 = tpu.dynamic_gather %parallel_loop3A_398[%parallel_loop3A_410] in [0] : vector<16xf32>, vector<16xi32> -> vector<16xf32>
        %parallel_loop3A_412 = arith.addf %parallel_loop3A_398, %parallel_loop3A_411 : vector<16xf32>
        %parallel_loop3A_413 = tpu.bitcast %parallel_loop3A_412 : vector<16xf32> -> vector<16xi32>
        %parallel_loop3A_414 = arith.constant 1 : i32
        %parallel_loop3A_415 = vector.broadcast %parallel_loop3A_414 : i32 to vector<16xi32>
        %parallel_loop3A_416 = arith.shrsi %parallel_loop3A_413, %parallel_loop3A_415 : vector<16xi32>
        %parallel_loop3A_417 = arith.constant 1597463007 : i32
        %parallel_loop3A_418 = vector.broadcast %parallel_loop3A_417 : i32 to vector<16xi32>
        %parallel_loop3A_419 = arith.subi %parallel_loop3A_418, %parallel_loop3A_416 : vector<16xi32>
        %parallel_loop3A_420 = tpu.bitcast %parallel_loop3A_419 : vector<16xi32> -> vector<16xf32>
        %parallel_loop3A_421 = arith.constant 5.000000e-01 : f32
        %parallel_loop3A_422 = vector.broadcast %parallel_loop3A_421 : f32 to vector<16xf32>
        %parallel_loop3A_423 = arith.mulf %parallel_loop3A_422, %parallel_loop3A_412 : vector<16xf32>
        %parallel_loop3A_424 = arith.mulf %parallel_loop3A_423, %parallel_loop3A_420 : vector<16xf32>
        %parallel_loop3A_425 = arith.mulf %parallel_loop3A_424, %parallel_loop3A_420 : vector<16xf32>
        %parallel_loop3A_426 = arith.constant 1.500000e+00 : f32
        %parallel_loop3A_427 = vector.broadcast %parallel_loop3A_426 : f32 to vector<16xf32>
        %parallel_loop3A_428 = arith.subf %parallel_loop3A_427, %parallel_loop3A_425 : vector<16xf32>
        %parallel_loop3A_429 = arith.mulf %parallel_loop3A_420, %parallel_loop3A_428 : vector<16xf32>
        %parallel_loop3A_430 = arith.constant 9.99999995E+11 : f32
        %parallel_loop3A_431 = vector.broadcast %parallel_loop3A_430 : f32 to vector<16xf32>
        %parallel_loop3A_432 = arith.minimumf %parallel_loop3A_429, %parallel_loop3A_431 : vector<16xf32>
        %parallel_loop3A_433 = arith.mulf %parallel_loop3A_346, %parallel_loop3A_432 : vector<16xf32>
        %parallel_loop3A_434 = arith.constant 3 : i32
        %parallel_loop3A_435 = arith.index_cast %parallel_loop3A_434 : i32 to index
        %parallel_loop3A_436 = arith.index_cast %parallel_loop3A_340 : i32 to index
        %parallel_loop3A_437 = arith.constant 0 : index
        %parallel_loop3A_438 = tpu.vector_load %arg6[%parallel_loop3A_435, %parallel_loop3A_436, %parallel_loop3A_437] {strides = array<i32>} : memref<4x640x32xf32, #tpu.memory_space<vmem>>, vector<1x1x16xf32>,
        %parallel_loop3A_439 = vector.shape_cast %parallel_loop3A_438 : vector<1x1x16xf32> to vector<16xf32>
        %parallel_loop3A_440 = vector.shape_cast %parallel_loop3A_433 : vector<16xf32> to vector<1x1x16xf32>
        tpu.vector_store %arg6[%parallel_loop3A_435, %parallel_loop3A_436, %parallel_loop3A_437], %parallel_loop3A_440 {strides = array<i32>} : memref<4x640x32xf32, #tpu.memory_space<vmem>>, vector<1x1x16xf32>,
        %parallel_loop3A_441 = arith.mulf %parallel_loop3A_352, %parallel_loop3A_432 : vector<16xf32>
        %parallel_loop3A_442 = arith.constant 3 : i32
        %parallel_loop3A_443 = arith.index_cast %parallel_loop3A_442 : i32 to index
        %parallel_loop3A_444 = arith.index_cast %parallel_loop3A_340 : i32 to index
        %parallel_loop3A_445 = arith.constant 16 : index
        %parallel_loop3A_446 = tpu.vector_load %arg6[%parallel_loop3A_443, %parallel_loop3A_444, %parallel_loop3A_445] {strides = array<i32>} : memref<4x640x32xf32, #tpu.memory_space<vmem>>, vector<1x1x16xf32>,
        %parallel_loop3A_447 = vector.shape_cast %parallel_loop3A_446 : vector<1x1x16xf32> to vector<16xf32>
        %parallel_loop3A_448 = vector.shape_cast %parallel_loop3A_441 : vector<16xf32> to vector<1x1x16xf32>
        tpu.vector_store %arg6[%parallel_loop3A_443, %parallel_loop3A_444, %parallel_loop3A_445], %parallel_loop3A_448 {strides = array<i32>} : memref<4x640x32xf32, #tpu.memory_space<vmem>>, vector<1x1x16xf32>,
      } {sc.loop_unroll_factor = 8 : i64, sc.parallel_access}
      %mul3A_310 = arith.constant 640 : i32
      %mul3A_311 = arith.muli %add3A_288, %mul3A_310 : i32
      %add3A_312 = arith.addi %mul3A_2, %mul3A_311 : i32
      %multiple_of3A_313 = tpu.assume_multiple %add3A_312, 8 : i32
      %dma_start3A_314 = arith.constant 3 : i32
      %dma_start3A_315 = arith.constant 3 : i32
      %dma_start3A_316 = arith.constant 0 : i32
      %dma_start3A_317 = arith.constant 0 : i32
      %dma_start3A_318 = tpu.memref_slice %arg6[%dma_start3A_314, %dma_start3A_316, %dma_start3A_317] : memref<4x640x32xf32, #tpu.memory_space<vmem>> -> memref<1x640x32xf32, #tpu.memory_space<vmem>>
      %dma_start3A_319 = tpu.memref_squeeze %dma_start3A_318 : memref<1x640x32xf32, #tpu.memory_space<vmem>> -> memref<640x32xf32, #tpu.memory_space<vmem>>
      %dma_start3A_320 = arith.constant 0 : i32
      %dma_start3A_321 = tpu.memref_slice %arg4[%multiple_of3A_313, %dma_start3A_320] : memref<819200x32xf32, #tpu.memory_space<hbm>> -> memref<640x32xf32, #tpu.memory_space<hbm>>
      %dma_start3A_322 = tpu.memref_slice %arg8[%dma_start3A_315] : memref<4x!tpu.dma_semaphore, #tpu.memory_space<semaphore_mem>> -> memref<1x!tpu.dma_semaphore, #tpu.memory_space<semaphore_mem>>
      %dma_start3A_323 = tpu.memref_squeeze %dma_start3A_322 : memref<1x!tpu.dma_semaphore, #tpu.memory_space<semaphore_mem>> -> memref<!tpu.dma_semaphore, #tpu.memory_space<semaphore_mem>>
      %dma_start3A_324 = arith.constant 0 : i32
      %dma_start3A_325 = tpu.memref_slice %arg4[%multiple_of3A_313, %dma_start3A_324] : memref<819200x32xf32, #tpu.memory_space<hbm>> -> memref<640x32xf32, #tpu.memory_space<hbm>>
      %dma_start3A_326 = arith.constant 0 : i32
      %dma_start3A_327 = arith.constant 0 : i32
      %dma_start3A_328 = tpu.memref_slice %arg6[%dma_start3A_314, %dma_start3A_326, %dma_start3A_327] : memref<4x640x32xf32, #tpu.memory_space<vmem>> -> memref<1x640x32xf32, #tpu.memory_space<vmem>>
      %dma_start3A_329 = tpu.memref_squeeze %dma_start3A_328 : memref<1x640x32xf32, #tpu.memory_space<vmem>> -> memref<640x32xf32, #tpu.memory_space<vmem>>
      tpu.enqueue_dma source(%dma_start3A_329 : memref<640x32xf32, #tpu.memory_space<vmem>>) target(%dma_start3A_325 : memref<640x32xf32, #tpu.memory_space<hbm>>) target_semaphore(%dma_start3A_323 : memref<!tpu.dma_semaphore, #tpu.memory_space<semaphore_mem>>)
      %add3A_330 = arith.constant 4 : i32
      %add3A_331 = arith.addi %add3A_288, %add3A_330 : i32
      %sub3A_332 = arith.constant 1 : i32
      %sub3A_333 = arith.subi %add3A_331, %sub3A_332 : i32
      %lt3A_334 = arith.constant 40 : i32
      %lt3A_335 = arith.cmpi slt, %sub3A_333, %lt3A_334 : i32
      %convert_element_type3A_336 = arith.extui %lt3A_335 : i1 to i32
      %cond3A_337 = arith.constant 0 : i32
      %cond3A_338 = arith.cmpi ne, %convert_element_type3A_336, %cond3A_337 : i32
      scf.if %cond3A_338 {
        %ge3A = arith.constant 1 : i32
        %ge3A_340 = arith.cmpi sge, %add3A_288, %ge3A : i32
        %convert_element_type3A_341 = arith.extui %ge3A_340 : i1 to i32
        %cond3A_342 = arith.constant 0 : i32
        %cond3A_343 = arith.cmpi ne, %convert_element_type3A_341, %cond3A_342 : i32
        scf.if %cond3A_343 {
          %dma_wait3A_359 = arith.constant 2 : i32
          %dma_wait3A_360 = arith.constant 2 : i32
          %dma_wait3A_361 = arith.constant 0 : i32
          %dma_wait3A_362 = arith.constant 0 : i32
          %dma_wait3A_363 = tpu.memref_slice %arg6[%dma_wait3A_359, %dma_wait3A_361, %dma_wait3A_362] : memref<4x640x32xf32, #tpu.memory_space<vmem>> -> memref<1x640x32xf32, #tpu.memory_space<vmem>>
          %dma_wait3A_364 = tpu.memref_squeeze %dma_wait3A_363 : memref<1x640x32xf32, #tpu.memory_space<vmem>> -> memref<640x32xf32, #tpu.memory_space<vmem>>
          %dma_wait3A_365 = arith.constant 0 : i32
          %dma_wait3A_366 = arith.constant 0 : i32
          %dma_wait3A_367 = tpu.memref_slice %arg4[%dma_wait3A_365, %dma_wait3A_366] : memref<819200x32xf32, #tpu.memory_space<hbm>> -> memref<640x32xf32, #tpu.memory_space<hbm>>
          %dma_wait3A_368 = tpu.memref_slice %arg8[%dma_wait3A_360] : memref<4x!tpu.dma_semaphore, #tpu.memory_space<semaphore_mem>> -> memref<1x!tpu.dma_semaphore, #tpu.memory_space<semaphore_mem>>
          %dma_wait3A_369 = tpu.memref_squeeze %dma_wait3A_368 : memref<1x!tpu.dma_semaphore, #tpu.memory_space<semaphore_mem>> -> memref<!tpu.dma_semaphore, #tpu.memory_space<semaphore_mem>>
          %dma_wait3A_370 = arith.constant 0 : i32
          %dma_wait3A_371 = arith.constant 0 : i32
          %dma_wait3A_372 = tpu.memref_slice %arg4[%dma_wait3A_370, %dma_wait3A_371] : memref<819200x32xf32, #tpu.memory_space<hbm>> -> memref<640x32xf32, #tpu.memory_space<hbm>>
          %dma_wait3A_373 = arith.constant 0 : i32
          %dma_wait3A_374 = arith.constant 0 : i32
          %dma_wait3A_375 = tpu.memref_slice %arg6[%dma_wait3A_359, %dma_wait3A_373, %dma_wait3A_374] : memref<4x640x32xf32, #tpu.memory_space<vmem>> -> memref<1x640x32xf32, #tpu.memory_space<vmem>>
          %dma_wait3A_376 = tpu.memref_squeeze %dma_wait3A_375 : memref<1x640x32xf32, #tpu.memory_space<vmem>> -> memref<640x32xf32, #tpu.memory_space<vmem>>
          tpu.wait_dma2 semaphore(%dma_wait3A_369 : memref<!tpu.dma_semaphore, #tpu.memory_space<semaphore_mem>>) src(%dma_wait3A_376 : memref<640x32xf32, #tpu.memory_space<vmem>>) dst(%dma_wait3A_372 : memref<640x32xf32, #tpu.memory_space<hbm>>)
        } else {
        }
        %mul3A_344 = arith.constant 640 : i32
        %mul3A_345 = arith.muli %sub3A_333, %mul3A_344 : i32
        %multiple_of3A_346 = tpu.assume_multiple %mul3A_345, 8 : i32
        %dma_start3A_347 = arith.constant 2 : i32
        %dma_start3A_348 = arith.constant 2 : i32
        %dma_start3A_349 = arith.constant 0 : i32
        %dma_start3A_350 = arith.constant 0 : i32
        %dma_start3A_351 = tpu.memref_slice %arg6[%dma_start3A_347, %dma_start3A_349, %dma_start3A_350] : memref<4x640x32xf32, #tpu.memory_space<vmem>> -> memref<1x640x32xf32, #tpu.memory_space<vmem>>
        %dma_start3A_352 = tpu.memref_squeeze %dma_start3A_351 : memref<1x640x32xf32, #tpu.memory_space<vmem>> -> memref<640x32xf32, #tpu.memory_space<vmem>>
        %dma_start3A_353 = tpu.memref_slice %arg5[%multiple_of3A_346] : memref<25600xi32, #tpu.memory_space<vmem>> -> memref<640xi32, #tpu.memory_space<vmem>>
        %dma_start3A_354 = arith.constant 0 : i32
        %dma_start3A_355 = arith.constant 0 : i32
        %dma_start3A_356 = tpu.memref_slice %arg3[%dma_start3A_354, %dma_start3A_355] : memref<1000000x32xf32, #tpu.memory_space<hbm>> -> memref<1000000x32xf32, #tpu.memory_space<hbm>>
        %dma_start3A_357 = tpu.memref_slice %arg7[%dma_start3A_348] : memref<4x!tpu.dma_semaphore, #tpu.memory_space<semaphore_mem>> -> memref<1x!tpu.dma_semaphore, #tpu.memory_space<semaphore_mem>>
        %dma_start3A_358 = tpu.memref_squeeze %dma_start3A_357 : memref<1x!tpu.dma_semaphore, #tpu.memory_space<semaphore_mem>> -> memref<!tpu.dma_semaphore, #tpu.memory_space<semaphore_mem>>
        tpu.enqueue_indirect_dma source(%dma_start3A_356 : memref<1000000x32xf32, #tpu.memory_space<hbm>>) target(%dma_start3A_352 : memref<640x32xf32, #tpu.memory_space<vmem>>) offsets(%dma_start3A_353 : memref<640xi32, #tpu.memory_space<vmem>>) semaphore(%dma_start3A_358 : memref<!tpu.dma_semaphore, #tpu.memory_space<semaphore_mem>>)
      } else {
      }
      %scan3A_339 = arith.constant 0 : i32
      scf.yield %scan3A_339 : i32
    }
    %scan3A_54 = arith.constant 10 : i32
    %dma_wait3A = arith.constant 0 : i32
    %dma_wait3A_55 = arith.constant 0 : i32
    %dma_wait3A_56 = arith.constant 0 : i32
    %dma_wait3A_57 = arith.constant 0 : i32
    %dma_wait3A_58 = tpu.memref_slice %arg6[%dma_wait3A, %dma_wait3A_56, %dma_wait3A_57] : memref<4x640x32xf32, #tpu.memory_space<vmem>> -> memref<1x640x32xf32, #tpu.memory_space<vmem>>
    %dma_wait3A_59 = tpu.memref_squeeze %dma_wait3A_58 : memref<1x640x32xf32, #tpu.memory_space<vmem>> -> memref<640x32xf32, #tpu.memory_space<vmem>>
    %dma_wait3A_60 = arith.constant 0 : i32
    %dma_wait3A_61 = arith.constant 0 : i32
    %dma_wait3A_62 = tpu.memref_slice %arg4[%dma_wait3A_60, %dma_wait3A_61] : memref<819200x32xf32, #tpu.memory_space<hbm>> -> memref<640x32xf32, #tpu.memory_space<hbm>>
    %dma_wait3A_63 = tpu.memref_slice %arg8[%dma_wait3A_55] : memref<4x!tpu.dma_semaphore, #tpu.memory_space<semaphore_mem>> -> memref<1x!tpu.dma_semaphore, #tpu.memory_space<semaphore_mem>>
    %dma_wait3A_64 = tpu.memref_squeeze %dma_wait3A_63 : memref<1x!tpu.dma_semaphore, #tpu.memory_space<semaphore_mem>> -> memref<!tpu.dma_semaphore, #tpu.memory_space<semaphore_mem>>
    %dma_wait3A_65 = arith.constant 0 : i32
    %dma_wait3A_66 = arith.constant 0 : i32
    %dma_wait3A_67 = tpu.memref_slice %arg4[%dma_wait3A_65, %dma_wait3A_66] : memref<819200x32xf32, #tpu.memory_space<hbm>> -> memref<640x32xf32, #tpu.memory_space<hbm>>
    %dma_wait3A_68 = arith.constant 0 : i32
    %dma_wait3A_69 = arith.constant 0 : i32
    %dma_wait3A_70 = tpu.memref_slice %arg6[%dma_wait3A, %dma_wait3A_68, %dma_wait3A_69] : memref<4x640x32xf32, #tpu.memory_space<vmem>> -> memref<1x640x32xf32, #tpu.memory_space<vmem>>
    %dma_wait3A_71 = tpu.memref_squeeze %dma_wait3A_70 : memref<1x640x32xf32, #tpu.memory_space<vmem>> -> memref<640x32xf32, #tpu.memory_space<vmem>>
    tpu.wait_dma2 semaphore(%dma_wait3A_64 : memref<!tpu.dma_semaphore, #tpu.memory_space<semaphore_mem>>) src(%dma_wait3A_71 : memref<640x32xf32, #tpu.memory_space<vmem>>) dst(%dma_wait3A_67 : memref<640x32xf32, #tpu.memory_space<hbm>>)
    %dma_wait3A_72 = arith.constant 1 : i32
    %dma_wait3A_73 = arith.constant 1 : i32
    %dma_wait3A_74 = arith.constant 0 : i32
    %dma_wait3A_75 = arith.constant 0 : i32
    %dma_wait3A_76 = tpu.memref_slice %arg6[%dma_wait3A_72, %dma_wait3A_74, %dma_wait3A_75] : memref<4x640x32xf32, #tpu.memory_space<vmem>> -> memref<1x640x32xf32, #tpu.memory_space<vmem>>
    %dma_wait3A_77 = tpu.memref_squeeze %dma_wait3A_76 : memref<1x640x32xf32, #tpu.memory_space<vmem>> -> memref<640x32xf32, #tpu.memory_space<vmem>>
    %dma_wait3A_78 = arith.constant 0 : i32
    %dma_wait3A_79 = arith.constant 0 : i32
    %dma_wait3A_80 = tpu.memref_slice %arg4[%dma_wait3A_78, %dma_wait3A_79] : memref<819200x32xf32, #tpu.memory_space<hbm>> -> memref<640x32xf32, #tpu.memory_space<hbm>>
    %dma_wait3A_81 = tpu.memref_slice %arg8[%dma_wait3A_73] : memref<4x!tpu.dma_semaphore, #tpu.memory_space<semaphore_mem>> -> memref<1x!tpu.dma_semaphore, #tpu.memory_space<semaphore_mem>>
    %dma_wait3A_82 = tpu.memref_squeeze %dma_wait3A_81 : memref<1x!tpu.dma_semaphore, #tpu.memory_space<semaphore_mem>> -> memref<!tpu.dma_semaphore, #tpu.memory_space<semaphore_mem>>
    %dma_wait3A_83 = arith.constant 0 : i32
    %dma_wait3A_84 = arith.constant 0 : i32
    %dma_wait3A_85 = tpu.memref_slice %arg4[%dma_wait3A_83, %dma_wait3A_84] : memref<819200x32xf32, #tpu.memory_space<hbm>> -> memref<640x32xf32, #tpu.memory_space<hbm>>
    %dma_wait3A_86 = arith.constant 0 : i32
    %dma_wait3A_87 = arith.constant 0 : i32
    %dma_wait3A_88 = tpu.memref_slice %arg6[%dma_wait3A_72, %dma_wait3A_86, %dma_wait3A_87] : memref<4x640x32xf32, #tpu.memory_space<vmem>> -> memref<1x640x32xf32, #tpu.memory_space<vmem>>
    %dma_wait3A_89 = tpu.memref_squeeze %dma_wait3A_88 : memref<1x640x32xf32, #tpu.memory_space<vmem>> -> memref<640x32xf32, #tpu.memory_space<vmem>>
    tpu.wait_dma2 semaphore(%dma_wait3A_82 : memref<!tpu.dma_semaphore, #tpu.memory_space<semaphore_mem>>) src(%dma_wait3A_89 : memref<640x32xf32, #tpu.memory_space<vmem>>) dst(%dma_wait3A_85 : memref<640x32xf32, #tpu.memory_space<hbm>>)
    %dma_wait3A_90 = arith.constant 2 : i32
    %dma_wait3A_91 = arith.constant 2 : i32
    %dma_wait3A_92 = arith.constant 0 : i32
    %dma_wait3A_93 = arith.constant 0 : i32
    %dma_wait3A_94 = tpu.memref_slice %arg6[%dma_wait3A_90, %dma_wait3A_92, %dma_wait3A_93] : memref<4x640x32xf32, #tpu.memory_space<vmem>> -> memref<1x640x32xf32, #tpu.memory_space<vmem>>
    %dma_wait3A_95 = tpu.memref_squeeze %dma_wait3A_94 : memref<1x640x32xf32, #tpu.memory_space<vmem>> -> memref<640x32xf32, #tpu.memory_space<vmem>>
    %dma_wait3A_96 = arith.constant 0 : i32
    %dma_wait3A_97 = arith.constant 0 : i32
    %dma_wait3A_98 = tpu.memref_slice %arg4[%dma_wait3A_96, %dma_wait3A_97] : memref<819200x32xf32, #tpu.memory_space<hbm>> -> memref<640x32xf32, #tpu.memory_space<hbm>>
    %dma_wait3A_99 = tpu.memref_slice %arg8[%dma_wait3A_91] : memref<4x!tpu.dma_semaphore, #tpu.memory_space<semaphore_mem>> -> memref<1x!tpu.dma_semaphore, #tpu.memory_space<semaphore_mem>>
    %dma_wait3A_100 = tpu.memref_squeeze %dma_wait3A_99 : memref<1x!tpu.dma_semaphore, #tpu.memory_space<semaphore_mem>> -> memref<!tpu.dma_semaphore, #tpu.memory_space<semaphore_mem>>
    %dma_wait3A_101 = arith.constant 0 : i32
    %dma_wait3A_102 = arith.constant 0 : i32
    %dma_wait3A_103 = tpu.memref_slice %arg4[%dma_wait3A_101, %dma_wait3A_102] : memref<819200x32xf32, #tpu.memory_space<hbm>> -> memref<640x32xf32, #tpu.memory_space<hbm>>
    %dma_wait3A_104 = arith.constant 0 : i32
    %dma_wait3A_105 = arith.constant 0 : i32
    %dma_wait3A_106 = tpu.memref_slice %arg6[%dma_wait3A_90, %dma_wait3A_104, %dma_wait3A_105] : memref<4x640x32xf32, #tpu.memory_space<vmem>> -> memref<1x640x32xf32, #tpu.memory_space<vmem>>
    %dma_wait3A_107 = tpu.memref_squeeze %dma_wait3A_106 : memref<1x640x32xf32, #tpu.memory_space<vmem>> -> memref<640x32xf32, #tpu.memory_space<vmem>>
    tpu.wait_dma2 semaphore(%dma_wait3A_100 : memref<!tpu.dma_semaphore, #tpu.memory_space<semaphore_mem>>) src(%dma_wait3A_107 : memref<640x32xf32, #tpu.memory_space<vmem>>) dst(%dma_wait3A_103 : memref<640x32xf32, #tpu.memory_space<hbm>>)
    %dma_wait3A_108 = arith.constant 3 : i32
    %dma_wait3A_109 = arith.constant 3 : i32
    %dma_wait3A_110 = arith.constant 0 : i32
    %dma_wait3A_111 = arith.constant 0 : i32
    %dma_wait3A_112 = tpu.memref_slice %arg6[%dma_wait3A_108, %dma_wait3A_110, %dma_wait3A_111] : memref<4x640x32xf32, #tpu.memory_space<vmem>> -> memref<1x640x32xf32, #tpu.memory_space<vmem>>
    %dma_wait3A_113 = tpu.memref_squeeze %dma_wait3A_112 : memref<1x640x32xf32, #tpu.memory_space<vmem>> -> memref<640x32xf32, #tpu.memory_space<vmem>>
    %dma_wait3A_114 = arith.constant 0 : i32
    %dma_wait3A_115 = arith.constant 0 : i32
    %dma_wait3A_116 = tpu.memref_slice %arg4[%dma_wait3A_114, %dma_wait3A_115] : memref<819200x32xf32, #tpu.memory_space<hbm>> -> memref<640x32xf32, #tpu.memory_space<hbm>>
    %dma_wait3A_117 = tpu.memref_slice %arg8[%dma_wait3A_109] : memref<4x!tpu.dma_semaphore, #tpu.memory_space<semaphore_mem>> -> memref<1x!tpu.dma_semaphore, #tpu.memory_space<semaphore_mem>>
    %dma_wait3A_118 = tpu.memref_squeeze %dma_wait3A_117 : memref<1x!tpu.dma_semaphore, #tpu.memory_space<semaphore_mem>> -> memref<!tpu.dma_semaphore, #tpu.memory_space<semaphore_mem>>
    %dma_wait3A_119 = arith.constant 0 : i32
    %dma_wait3A_120 = arith.constant 0 : i32
    %dma_wait3A_121 = tpu.memref_slice %arg4[%dma_wait3A_119, %dma_wait3A_120] : memref<819200x32xf32, #tpu.memory_space<hbm>> -> memref<640x32xf32, #tpu.memory_space<hbm>>
    %dma_wait3A_122 = arith.constant 0 : i32
    %dma_wait3A_123 = arith.constant 0 : i32
    %dma_wait3A_124 = tpu.memref_slice %arg6[%dma_wait3A_108, %dma_wait3A_122, %dma_wait3A_123] : memref<4x640x32xf32, #tpu.memory_space<vmem>> -> memref<1x640x32xf32, #tpu.memory_space<vmem>>
    %dma_wait3A_125 = tpu.memref_squeeze %dma_wait3A_124 : memref<1x640x32xf32, #tpu.memory_space<vmem>> -> memref<640x32xf32, #tpu.memory_space<vmem>>
    tpu.wait_dma2 semaphore(%dma_wait3A_118 : memref<!tpu.dma_semaphore, #tpu.memory_space<semaphore_mem>>) src(%dma_wait3A_125 : memref<640x32xf32, #tpu.memory_space<vmem>>) dst(%dma_wait3A_121 : memref<640x32xf32, #tpu.memory_space<hbm>>)
    return
  }
}

</mosaic_0001>

<sc_bundles>
// kernel: kernel.3.cloned.1.call-start
scs
__scs_entry_jumppad:
0x0: {  	(pc) =	sbr.rel $0x88, $3  }
0x1: {  	(tag) =	ssettag $0x0;
	lr =	simm.s32 $0x1  }
0x2: {  	[smem:$0x3F9F] =	sst lr;
	_ =	strace $0xD0000000  }
0x3: {  	_ = 	snop  }
0x4: {  	_ = 	snop  }
0x5: {  	_ = 	snop  }
0x6: {  	_ = 	snop  }
0x7: {  	_ = 	snop  }
__scs_overlays_trampoline_lowered:
0x8: {  	[smem:$0x3FAE] =	sst s0  }
0x9: {  	[smem:$0x3FAF] =	sst s1  }
0xa: {  	[smem:$0x3FB0] =	sst s2  }
0xb: {  	[smem:$0x3FB1] =	sst s3  }
0xc: {  	[smem:$0x3FB2] =	sst s4  }
0xd: {  	[smem:$0x3FB3] =	sst s5  }
0xe: {  	[smem:$0x3FB4] =	sst s6  }
0xf: {  	[smem:$0x3FB5] =	sst s7  }
0x10: {  	[smem:$0x3FB6] =	sst s8  }
0x11: {  	[smem:$0x3FB7] =	sst s9;
	s0 =	simm.s32 @!p0 $0x0  }
0x12: {  	s1 =	sld [smem:$0x3F9D];
	s0 =	simm.s32 @p0 $0x1  }
0x13: {  	[smem:$0x3FB8] =	sst s0;
	s0 =	simm.s32 @!p1 $0x0  }
0x14: {  	s2 =	sld [smem:$0x3F9C];
	s0 =	simm.s32 @p1 $0x1  }
0x15: {  	[smem:$0x3FB9] =	sst s0;
	s0 =	simm.s32 @!p2 $0x0  }
0x16: {  	s3 =	sld [smem:$0x3FDB];
	s0 =	simm.s32 @p2 $0x1  }
0x17: {  	s4 =	simm.s32 $0x1BF5;
	[smem:$0x3FBB] =	sst s0  }
0x18: {  	s0 =	sld [smem:$0x3F9E];
	_ =	swait.ge [sflag:s4], $0x0  }
0x19: {  	s7 =	sld [smem:$0x3F9F]  }
0x1a: {  	s8 =	sadd.s32 $0xFFFFE003, lr  }
0x1b: {  	s9 =	sadd.s32 $0xFFFFFEF7, lr;
	s5 =	simm.s32 $0xFFFFFFFF;
	p2 =	slt.u32 s8, $0xFFFFF086  }
0x1c: {  	p1 =	slt.u32 s9, $0xF7A;
	s5 =	simm.s32 @!p2 $0x0  }
0x1d: {  	s5 =	simm.s32 @p1 $0x1;
	p0 =	seq.s32 s7, s2  }
0x1e: {  	s7 =	smul.u32 @!p0 $0xF7A, s2;
	p2 =	seq.s32 @!p0 s5, $0x0  }
0x1f: {  	s9 =	smul.u32 $0xF7A, s1;
	s8 =	simm.s32 @!p0 $0x1BF5;
	p2 =	por !p2, p0  }
0x20: {  	[sflag:s8] =	ssyncset.s32 @!p0 $0xFFFFF086;
	s6 =	sadd.s32 @!p0 s3, s7;
	s7 =	simm.s32 @!p0 $0x108  }
0x21: {  	s3 =	sadd.s32 s3, s9;
	s6 =	sadd.s32 @!p0 $0x88, s6;
	s7 =	simm.s32 @p2 $0x1082  }
0x22: {  	[simem:s7], [sflag:s8] =	dma.local @!p0 [hbm:s6], $0xF7A  }
0x23: {  	s9 =	sor.u32 $0xD0000000, s2;
	s6 =	simm.s32 $0x108;
	_ =	swait.ge @!p0 [sflag:s8], $0x0  }
0x24: {  	s3 =	sadd.s32 $0x88, s3;
	s6 =	simm.s32 @!p1 $0x1082;
	[sflag:s4] =	ssyncset.s32 $0xFFFFF086  }
0x25: {  	[simem:s6], [sflag:s4] =	dma.local [hbm:s3], $0xF7A  }
0x26: {  	[smem:$0x3F9F] =	sst s1;
	(tag) =	ssettag s2;
	_ =	strace s9  }
0x27: {  	s1 =	sld [smem:$0x3FAF]  }
0x28: {  	s2 =	sld [smem:$0x3FB0]  }
0x29: {  	s4 =	sld [smem:$0x3FB2]  }
0x2a: {  	p0 =	seq.s32 s5, $0x0;
	s5 =	sld [smem:$0x3FB3]  }
0x2b: {  	s6 =	sld [smem:$0x3FB4]  }
0x2c: {  	s7 =	sld [smem:$0x3FB5]  }
0x2d: {  	s3 =	simm.s32 $0x108;
	s8 =	sld [smem:$0x3FB6]  }
0x2e: {  	s3 =	simm.s32 @!p0 $0x1082;
	s9 =	sld [smem:$0x3FB7]  }
0x2f: {  	lr =	sadd.s32 s0, s3;
	s0 =	sld [smem:$0x3FAE]  }
0x30: {  	s3 =	sld [smem:$0x3FB1]  }
0x31: {  	[smem:$0x3FBA] =	sst s10  }
0x32: {  	s10 =	sld [smem:$0x3FB8];
	_ =	sdelay $0x3  }
0x33: {  	p0 =	seq.s32 s10, $0x1;
	s10 =	sld [smem:$0x3FBA];
	_ =	sdelay $0x3  }
0x34: {  	[smem:$0x3FBA] =	sst s10  }
0x35: {  	s10 =	sld [smem:$0x3FB9];
	_ =	sdelay $0x3  }
0x36: {  	p1 =	seq.s32 s10, $0x1;
	s10 =	sld [smem:$0x3FBA];
	_ =	sdelay $0x3  }
0x37: {  	[smem:$0x3FBA] =	sst s10  }
0x38: {  	s10 =	sld [smem:$0x3FBB]  }
0x39: {  	_ = 	snop;
	(pc) =	sbr.ind lr, $3  }
0x3a: {  	_ = 	snop  }
0x3b: {  	_ = 	snop  }
0x3c: {  	p2 =	seq.s32 s10, $0x1;
	s10 =	sld [smem:$0x3FBA]  }
0x3d: {  	_ =	shalt  }
0x3e: {  	_ =	shalt  }
0x3f: {  	_ =	shalt  }
0x40: {  	_ =	shalt  }
0x41: {  	_ =	shalt  }
0x42: {  	_ =	shalt  }
0x43: {  	_ =	shalt  }
0x44: {  	_ =	shalt  }
0x45: {  	_ =	shalt  }
0x46: {  	_ =	shalt  }
0x47: {  	_ =	shalt  }
0x48: {  	_ =	shalt  }
0x49: {  	_ =	shalt  }
0x4a: {  	_ =	shalt  }
0x4b: {  	_ =	shalt  }
0x4c: {  	_ =	shalt  }
0x4d: {  	_ =	shalt  }
0x4e: {  	_ =	shalt  }
0x4f: {  	_ =	shalt  }
0x50: {  	_ =	shalt  }
0x51: {  	_ =	shalt  }
0x52: {  	_ =	shalt  }
0x53: {  	_ =	shalt  }
0x54: {  	_ =	shalt  }
0x55: {  	_ =	shalt  }
0x56: {  	_ =	shalt  }
0x57: {  	_ =	shalt  }
0x58: {  	_ =	shalt  }
0x59: {  	_ =	shalt  }
0x5a: {  	_ =	shalt  }
0x5b: {  	_ =	shalt  }
0x5c: {  	_ =	shalt  }
0x5d: {  	_ =	shalt  }
0x5e: {  	_ =	shalt  }
0x5f: {  	_ =	shalt  }
0x60: {  	_ =	shalt  }
0x61: {  	_ =	shalt  }
0x62: {  	_ =	shalt  }
0x63: {  	_ =	shalt  }
0x64: {  	_ =	shalt  }
0x65: {  	_ =	shalt  }
0x66: {  	_ =	shalt  }
0x67: {  	_ =	shalt  }
0x68: {  	_ =	shalt  }
0x69: {  	_ =	shalt  }
0x6a: {  	_ =	shalt  }
0x6b: {  	_ =	shalt  }
0x6c: {  	_ =	shalt  }
0x6d: {  	_ =	shalt  }
0x6e: {  	_ =	shalt  }
0x6f: {  	_ =	shalt  }
0x70: {  	_ =	shalt  }
0x71: {  	_ =	shalt  }
0x72: {  	_ =	shalt  }
0x73: {  	_ =	shalt  }
0x74: {  	_ =	shalt  }
0x75: {  	_ =	shalt  }
0x76: {  	_ =	shalt  }
0x77: {  	_ =	shalt  }
0x78: {  	_ =	shalt  }
0x79: {  	_ =	shalt  }
0x7a: {  	_ =	shalt  }
0x7b: {  	_ =	shalt  }
0x7c: {  	_ =	shalt  }
0x7d: {  	_ =	shalt  }
0x7e: {  	_ =	shalt  }
0x7f: {  	_ =	shalt  }
0x80: {  	_ =	shalt  }
0x81: {  	_ =	shalt  }
0x82: {  	_ =	shalt  }
0x83: {  	_ =	shalt  }
0x84: {  	_ =	shalt  }
0x85: {  	_ =	shalt  }
0x86: {  	_ =	shalt  }
0x87: {  	_ =	shalt  }
.Lfunc_end0:
.L_simem_size_0:
called_computation.1_lowered:
.L_overlay_start_0:
0x88: {  	s2 =	sld [smem:$0x3FD9]  }
0x89: {  	s3 =	sld [smem:$0x3FFE];
	_ =	sdelay $0x1  }
0x8a: {  	s1 =	srdreg.scid  }
0x8b: {  	s0 =	sand.u32 $0x1, s1  }
0x8c: {  	s17 =	sshll.u32 s0, $0xA;
	s2 =	sadd.s32 s3, s2  }
0x8d: {  	s2 =	sadd.s32 s2, s17  }
0x8e: {  	[smem:$0x3FC6] =	sst s2  }
0x8f: {  	_ = 	snop  }
0x90: {  	s2 =	sld [smem:$0x3FD0];
	(tm) =	ssettm $0x1  }
0x91: {  	s18 =	sld [smem:$0x3FFB];
	_ =	sdelay $0x3  }
0x92: {  	_ =	strace s18  }
0x93: {  	s3 =	sld [smem:$0x3FFC];
	_ =	sdelay $0x3  }
0x94: {  	_ =	strace s3  }
0x95: {  	s3 =	sld [smem:$0x3FFD];
	_ =	sdelay $0x3  }
0x96: {  	_ =	strace s3  }
0x97: {  	_ =	strace $0x8FFFFFFF  }
0x98: {  	s19 =	sld [smem:$0x3FDB];
	_ =	sdelay $0x1  }
0x99: {  	s4 =	simm.s32 $_scs_section_size  }
0x9a: {  	s5 =	simm.s32 $_size__tile_overlayer_lowered;
	s6 =	simm.s32 $_tile_overlayer_lowered  }
0x9b: {  	s22 =	simm.s32 $0x1BFF;
	s21 =	sshll.u32 s6, $0x1;
	s3 =	sadd.s32 s4, s19  }
0x9c: {  	s7 =	simm.s32 $0x0;
	s20 =	sshll.u32 s5, $0x1;
	s5 =	sadd.s32 s21, s3  }
0x9d: {  	[timem:s7], [sflag:s22] =	dma.local [hbm:s5], s20  }
0x9e: {  	_ =	swait.ge [sflag:s22], s20  }
0x9f: {  	s4 =	ssub.s32 $0x0, s20;
	[sflag:s22] =	ssyncset.done $0x0  }
0xa0: {  	[sflag:s22] =	ssyncadd.s32 s4;
	_ =	sdelay $0x1  }
0xa1: {  	s23 =	simm.s32 $0x1B8B  }
0xa2: {  	_ =	swait.ge [sflag:s23], $0x1  }
0xa3: {  	[sflag:s23] =	ssyncset.done $0x0  }
0xa4: {  	s25 =	simm.s32 $0x1B8E;
	s24 =	sld [smem:$0x3FFE];
	[sflag:s23] =	ssyncadd.s32 $0xFFFFFFFF  }
0xa5: {  	s26 =	simm.s32 $execute0_lowered;
	[smem:$0x3FD2] =	sst s25  }
0xa6: {  	s5 =	sshll.u32 s26, $0x1;
	_ =	strace $0x80000046;
	[dreg:$0x1] =	wrdreg $0xFFFFFFFF  }
0xa7: {  	s28 =	simm.s32 $_size_execute0_lowered;
	s3 =	sadd.s32 s3, s5;
	[dreg:$0x0] =	wrdreg $0x0  }
0xa8: {  	s5 =	sshll.u32 s28, $0x1;
	[dreg:$0x2] =	wrdreg s3  }
0xa9: {  	[dreg:$0x3] =	wrdreg s5  }
0xaa: {  	[dreg:$0x4] =	wrdreg $0xC0  }
0xab: {  	_ =	task [dreg:s7], $0x5FFFF  }
0xac: {  	[dreg:$0x1] =	wrdreg $0xFFFFFFFF  }
0xad: {  	[dreg:$0x0] =	wrdreg $0x60  }
0xae: {  	[dreg:$0x2] =	wrdreg s24  }
0xaf: {  	[dreg:$0x3] =	wrdreg s2  }
0xb0: {  	[dreg:$0x4] =	wrdreg $0x9  }
0xb1: {  	_ =	task.clear_ibuf [dreg:s7], $0x5FFFF;
	_ =	strace $0x90000046  }
0xb2: {  	s29 =	simm.s32 $0x9;
	_ =	strace $0x80000048  }
0xb3: {  	_ =	swait.ge [sflag:s29], $0x1  }
0xb4: {  	[sflag:s29] =	ssyncadd.s32 $0xFFFFFFFF  }
0xb5: {  	_ =	strace $0x90000048  }
0xb6: {  	_ =	sfence  }
0xb7: {  	s30 =	sld [smem:$0x0];
	_ =	sdelay $0x2  }
0xb8: {  	s31 =	sshll.u32 s1, $0xD;
	s1 =	sshrl.u32 s1, $0x2  }
0xb9: {  	s3 =	sand.u32 $0x4000, s31;
	s1 =	sadd.s32 s1, s30  }
0xba: {  	s0 =	sor.u32 s3, s0;
	s1 =	sshll.u32 s1, $0x11  }
0xbb: {  	s0 =	sor.u32 s1, s0  }
0xbc: {  	s0 =	sadd.s32 $0x8F2B, s0  }
0xbd: {  	[sflag:s0] =	ssyncadd.remote.s32 $0x1  }
0xbe: {  	_ =	sfence.sel $0xFFFF  }
0xbf: {  	[dreg:$0x0] =	wrdreg $0xFFFFFFFF;
	(pc) =	sbr.abs _section_cstart, $3  }
0xc0: {  	[dreg:$0x1] =	wrdreg $0xFFFFFFFF  }
0xc1: {  	_ =	task.clear_ibuf [dreg:s7], $0x2FFFF;
	_ =	strace $0x9FFFFFFF  }
0xc2: {  	(tm) =	ssettm $0x7FFFFFFF  }
0xc3: {  	_ =	shalt  }
tec
execute0_lowered:
.L_overlay_start_1:
0x0: {  	(tag) =	ssettag $0x1  }
0x1: {  	s0 =	rddreg [dreg:$0x0]  }
0x2: {  	s2 =	rddreg [dreg:$0x1];
	v0 =	vimm.s32 $0xFEDCBA98;
	v1 =	vimm.s32 $0x76543210  }
0x3: {  	s1 =	srdreg.scid;
	s4 =	stileid.u32;
	v2 =	vimm.s32 $0xBA98FEDC;
	v3 =	vimm.s32 $0x32107654;
	v4 =	vimm.s32 $0xDCFE98BA  }
0x4: {  	s3 =	simm.s32 $0x0;
	v5 =	vimm.s32 $0x54761032;
	v6 =	vimm.s32 $0xEFCDAB89;
	s10 =	simm.s32 $0x9;
	s11 =	simm.s32 $0x280  }
0x5: {  	v7 =	vimm.s32 $0x67452301;
	s12 =	simm.s32 $0x6400;
	s13 =	simm.s32 $0xB400;
	s15 =	simm.s32 $0x10400  }
0x6: {  	s16 =	simm.s32 $0x1;
	s17 =	simm.s32 $0x15400;
	s18 =	simm.s32 $0x2;
	v0 =	vunpack.c.l.s4.s8 v0;
	v1 =	vunpack.c.l.s4.s8 v1;
	v2 =	vunpack.c.l.s4.s8 v2  }
0x7: {  	s19 =	simm.s32 $0x3;
	s1 =	sand.u32 $0x1, s1;
	s4 =	sshll.u32 s4, $0x1;
	v3 =	vunpack.c.l.s4.s8 v3;
	v4 =	vunpack.c.l.s4.s8 v4;
	v5 =	vunpack.c.l.s4.s8 v5  }
0x8: {  	s20 =	simm.s32 $0x4;
	s21 =	simm.s32 $0x5;
	v6 =	vunpack.c.l.s4.s8 v6;
	v7 =	vunpack.c.l.s4.s8 v7;
	s4 =	sor.u32 s1, s4;
	v0 =	vunpack.c.0.s8.s32 v0  }
0x9: {  	s22 =	simm.s32 $0x6;
	s23 =	simm.s32 $0x7;
	s4 =	smul.u32 $0x6400, s4;
	v2 =	vunpack.c.0.s8.s32 v2;
	v3 =	vunpack.c.0.s8.s32 v3;
	v4 =	vunpack.c.0.s8.s32 v4  }
.Ltmp0:
0xa: {  	s24 =	simm.s32 $0x8;
	s25 =	simm.s32 $0x0;
	v5 =	vunpack.c.0.s8.s32 v5;
	v6 =	vunpack.c.0.s8.s32 v6;
	v7 =	vunpack.c.0.s8.s32 v7;
	(pc) =	sbr.rel .LBB2_1-.Ltmp0, $4  }
0xb: {  	[smem:$0x7FF] =	sst s3;
	s5 =	sadd.s32 $0xF42E00, s0;
	s1 =	ssub.s32 $0x2, s1;
	v1 =	vunpack.c.0.s8.s32 v1;
	v2 =	vcombine.low v3, v2  }
0xc: {  	_ =	strace $0x80000047;
	s31 =	sshrl.u32 s1, $0x1;
	s6 =	sshrl.u32 s4, $0x3;
	v3 =	vcombine.low v5, v4;
	v4 =	vcombine.low v7, v6;
	v0 =	vand.u32 $0xF, v0  }
0xd: {  	s1 =	ssub.s32 s1, s31;
	s7 =	sor.u32 $0x280, s4;
	s0 =	sadd.s32 s6, s0;
	v0 =	vcombine.low v0, v1  }
0xe: {  	s8 =	sadd.s32 $0x500, s4;
	s9 =	smax.u32 s1, $0x1;
	s6 =	sadd.s32 $0xA00, s0;
	v1 =	vand.u32 $0xF, v2;
	v2 =	vand.u32 $0xF, v3;
	v3 =	vand.u32 $0xF, v4  }
.LBB2_12:
0xf: {  	_ =	swait.ge [sflag:s21], $0x5000  }
0x10: {  	[sflag:s21] =	ssyncset.done $0x0  }
0x11: {  	[sflag:s21] =	ssyncadd.s32 $0xFFFFB000  }
0x12: {  	_ =	swait.ge [sflag:s22], $0x5000  }
0x13: {  	[sflag:s22] =	ssyncset.done $0x0  }
0x14: {  	s25 =	sadd.s32 $0x1, s25;
	[sflag:s22] =	ssyncadd.s32 $0xFFFFB000  }
0x15: {  	p0 =	sne.s32 s25, s9;
	_ =	swait.ge [sflag:s23], $0x5000  }
.Ltmp1:
0x16: {  	[sflag:s23] =	ssyncset.done $0x0;
	(pc) =	sbr.rel @!p0 .LBB2_13-.Ltmp1, $4  }
0x17: {  	[sflag:s23] =	ssyncadd.s32 $0xFFFFB000  }
0x18: {  	_ =	swait.ge [sflag:s24], $0x5000  }
0x19: {  	[sflag:s24] =	ssyncset.done $0x0  }
0x1a: {  	[sflag:s24] =	ssyncadd.s32 $0xFFFFB000  }
.LBB2_1:
0x1b: {  	[tilespmem:s3], [sflag:$0x9] =	stream.linear.gather [hbm4b:s6+s3], $0x6400, $0x38;
	[tilespmem:$0x1A400] =	vst v63  }
0x1c: {  	_ =	swait.ge [sflag:s10], $0x6400  }
0x1d: {  	[sflag:s10] =	ssyncset.done $0x0  }
0x1e: {  	[sflag:s10] =	ssyncadd.s32 $0xFFFF9C00  }
0x1f: {  	[tilespmem:s12], [sflag:$0x1] =	stream.indirect.gather [hbm4b:s5+s11], $0x20, s3, s11, $0xb8;
	[tilespmem:$0x1A400] =	vst v63  }
0x20: {  	_ = 	snop  }
0x21: {  	[tilespmem:s13], [sflag:$0x2] =	stream.indirect.gather [hbm4b:s5+s11], $0x20, s11, s11, $0xb8;
	[tilespmem:$0x1A400] =	vst v63  }
0x22: {  	s0 =	simm.s32 $0x500;
	s26 =	simm.s32 $0x0  }
0x23: {  	[tilespmem:s15], [sflag:$0x3] =	stream.indirect.gather [hbm4b:s5+s11], $0x20, s0, s11, $0xb8;
	[tilespmem:$0x1A400] =	vst v63  }
.LBB2_2:
0x24: {  	_ =	swait.ge [sflag:s16], $0x5000  }
0x25: {  	[sflag:s16] =	ssyncset.done $0x0  }
0x26: {  	s28 =	simm.s32 $0x6480;
	[sflag:s16] =	ssyncadd.s32 $0xFFFFB000  }
0x27: {  	v9 =	vld [tilespmem:s28+$0xFFFFFFB0]  }
0x28: {  	v7 =	vld [tilespmem:s28+$0xFFFFFFA0]  }
0x29: {  	v24 =	vld [tilespmem:s28+$0xFFFFFF90]  }
0x2a: {  	v13 =	vld [tilespmem:s28+$0x0]  }
0x2b: {  	v32 =	vld [tilespmem:s28+$0x10]  }
0x2c: {  	v4 =	vld [tilespmem:s28+$0x70]  }
0x2d: {  	v6 =	vld [tilespmem:s28+$0x60]  }
0x2e: {  	v25 =	vld [tilespmem:s28+$0x40];
	v5 =	vmul.f32 v9, v9;
	v8 =	vmul.f32 v7, v7  }
0x2f: {  	v27 =	vld [tilespmem:s28+$0xFFFFFF80]  }
0x30: {  	v30 =	vld [tilespmem:s28+$0xFFFFFFE0];
	v11 =	vmul.f32 v13, v13;
	v12 =	vmul.f32 v32, v32;
	v8 =	vadd.f32 v5, v8  }
0x31: {  	v29 =	vld [tilespmem:s28+$0x50]  }
0x32: {  	v26 =	vld [tilespmem:s28+$0x20];
	v11 =	vadd.f32 v12, v11;
	v10 =	vperm.xlane v8, v0  }
0x33: {  	v14 =	vld [tilespmem:s28+$0xFFFFFFD0];
	v15 =	vmul.f32 v4, v4;
	v16 =	vmul.f32 v6, v6  }
0x34: {  	v17 =	vmul.f32 v25, v25;
	v5 =	vld [tilespmem:s28+$0xFFFFFFC0];
	v18 =	vperm.xlane v11, v0;
	v8 =	vadd.f32 v8, v10  }
0x35: {  	v31 =	vld [tilespmem:s28+$0xFFFFFFF0];
	v20 =	vmul.f32 v27, v27;
	v21 =	vmul.f32 v30, v30;
	v15 =	vadd.f32 v15, v16  }
0x36: {  	v28 =	vld [tilespmem:s28+$0x30];
	v23 =	vmul.f32 v29, v29;
	v11 =	vadd.f32 v11, v18;
	v16 =	vperm.xlane v8, v1  }
0x37: {  	v12 =	vmul.f32 v26, v26;
	v19 =	vperm.xlane v15, v0  }
0x38: {  	v10 =	vmul.f32 v24, v24;
	v22 =	vperm.xlane v11, v1;
	v8 =	vadd.f32 v8, v16  }
0x39: {  	v15 =	vadd.f32 v15, v19;
	v18 =	vmul.f32 v14, v14;
	v16 =	vmul.f32 v5, v5  }
0x3a: {  	v10 =	vadd.f32 v10, v20;
	v11 =	vadd.f32 v11, v22;
	v19 =	vperm.xlane v8, v2  }
0x3b: {  	v20 =	vmul.f32 v31, v31;
	v16 =	vadd.f32 v18, v16;
	v18 =	vmul.f32 v28, v28  }
0x3c: {  	v17 =	vadd.f32 v23, v17;
	v22 =	vperm.xlane v11, v2;
	v8 =	vadd.f32 v8, v19  }
0x3d: {  	v19 =	vadd.f32 v20, v21;
	v20 =	vperm.xlane v16, v0;
	v12 =	vadd.f32 v18, v12  }
0x3e: {  	v11 =	vadd.f32 v11, v22;
	v22 =	vperm.xlane v15, v1;
	v21 =	vperm.xlane v8, v3  }
0x3f: {  	v18 =	vperm.xlane v19, v0;
	v16 =	vadd.f32 v16, v20;
	v20 =	vperm.xlane v10, v0  }
0x40: {  	v23 =	vperm.xlane v11, v3;
	v15 =	vadd.f32 v15, v22;
	v8 =	vadd.f32 v8, v21  }
0x41: {  	v18 =	vadd.f32 v19, v18;
	v19 =	vperm.xlane v16, v1;
	v10 =	vadd.f32 v10, v20  }
0x42: {  	v20 =	vperm.xlane v12, v0;
	v11 =	vadd.f32 v11, v23;
	v23 =	vperm.xlane v15, v2  }
0x43: {  	v21 =	vshra.s32 v8, $0x1;
	v8 =	vmul.f32 $5.000000000e-01, v8;
	v33 =	vperm.xlane v18, v1  }
0x44: {  	v22 =	vperm.xlane v10, v1;
	v12 =	vadd.f32 v12, v20;
	v20 =	vmul.f32 $5.000000000e-01, v11  }
0x45: {  	v11 =	vshra.s32 v11, $0x1;
	v23 =	vadd.f32 v15, v23;
	v21 =	vsub.s32 $0x5F3759DF, v21  }
0x46: {  	v36 =	vadd.f32 v16, v19;
	v11 =	vsub.s32 $0x5F3759DF, v11;
	v8 =	vmul.f32 v21, v8  }
0x47: {  	v34 =	vperm.xlane v12, v1;
	v15 =	vmul.f32 v11, v20;
	v16 =	vadd.f32 v10, v22  }
0x48: {  	v20 =	vperm.xlane v17, v0;
	v18 =	vadd.f32 v18, v33;
	v8 =	vmul.f32 v21, v8  }
0x49: {  	v10 =	vmul.f32 v11, v15;
	v19 =	vadd.f32 v12, v34;
	v15 =	vperm.xlane v16, v2  }
0x4a: {  	v12 =	vadd.f32 v17, v20;
	v17 =	vperm.xlane v23, v3;
	v8 =	vsub.f32 $1.500000000e+00, v8  }
0x4b: {  	s30 =	simm.s32 $0x6580;
	v37 =	vperm.xlane v36, v2;
	v15 =	vadd.f32 v16, v15;
	v16 =	vperm.xlane v18, v2  }
0x4c: {  	v22 =	vperm.xlane v19, v2;
	v46 =	vadd.f32 v23, v17;
	v23 =	vld [tilespmem:s30+$0xFFFFFFA0];
	v8 =	vmul.f32 v21, v8  }
0x4d: {  	v21 =	vperm.xlane v12, v1;
	v38 =	vperm.xlane v15, v3;
	v16 =	vadd.f32 v18, v16  }
0x4e: {  	v19 =	vadd.f32 v19, v22;
	v22 =	vld [tilespmem:s30+$0x0];
	v53 =	vmul.f32 $5.000000000e-01, v46;
	v20 =	vmin.f32 v8, $9.999999950e+11  }
0x4f: {  	v8 =	vsub.f32 $1.500000000e+00, v10;
	v10 =	vld [tilespmem:s30+$0xFFFFFF90];
	v21 =	vadd.f32 v12, v21;
	v60 =	vperm.xlane v16, v3  }
0x50: {  	v12 =	vld [tilespmem:s30+$0x40];
	v33 =	vmul.f32 v20, v7;
	v34 =	vmul.f32 v20, v9;
	v20 =	vadd.f32 v15, v38  }
0x51: {  	v7 =	vld [tilespmem:s30+$0x70];
	v62 =	vmul.f32 v23, v23;
	v11 =	vmul.f32 v11, v8  }
0x52: {  	v15 =	vld [tilespmem:s30+$0xFFFFFF80];
	v18 =	vperm.xlane v21, v2;
	v38 =	vadd.f32 v16, v60;
	v45 =	vmul.f32 $5.000000000e-01, v20  }
0x53: {  	v9 =	vld [tilespmem:s30+$0xFFFFFFC0];
	v44 =	vshra.s32 v20, $0x1;
	v20 =	vperm.xlane v19, v3;
	v57 =	vmul.f32 v22, v22  }
0x54: {  	v8 =	vld [tilespmem:s30+$0x60];
	v39 =	vmin.f32 v11, $9.999999950e+11;
	v51 =	vshra.s32 v38, $0x1;
	v38 =	vmul.f32 $5.000000000e-01, v38  }
0x55: {  	v16 =	vld [tilespmem:s30+$0xFFFFFFD0];
	v43 =	vadd.f32 v21, v18;
	v35 =	vmul.f32 v39, v13;
	v40 =	vmul.f32 v10, v10  }
0x56: {  	v11 =	vld [tilespmem:s30+$0x20];
	v44 =	vsub.s32 $0x5F3759DF, v44;
	v61 =	vmul.f32 v12, v12;
	v32 =	vmul.f32 v39, v32  }
0x57: {  	v21 =	vld [tilespmem:s30+$0xFFFFFFB0];
	v19 =	vadd.f32 v19, v20;
	v45 =	vmul.f32 v44, v45;
	v41 =	vmul.f32 v7, v7  }
0x58: {  	v18 =	vld [tilespmem:s30+$0xFFFFFFE0];
	v51 =	vsub.s32 $0x5F3759DF, v51;
	v48 =	vperm.xlane v43, v3;
	v49 =	vmul.f32 v15, v15  }
0x59: {  	v36 =	vadd.f32 v36, v37;
	v13 =	vld [tilespmem:s30+$0x50];
	v50 =	vmul.f32 v9, v9;
	v38 =	vmul.f32 v51, v38  }
0x5a: {  	v20 =	vld [tilespmem:s30+$0x10];
	v42 =	vmul.f32 v8, v8;
	v55 =	vshra.s32 v19, $0x1;
	v56 =	vmul.f32 $5.000000000e-01, v19  }
0x5b: {  	v63 =	vmul.f32 v16, v16;
	v45 =	vmul.f32 v44, v45;
	v40 =	vadd.f32 v40, v49  }
0x5c: {  	v43 =	vadd.f32 v43, v48;
	v39 =	vsub.s32 $0x5F3759DF, v55;
	v38 =	vmul.f32 v51, v38  }
0x5d: {  	v17 =	vadd.f32 v41, v42;
	v41 =	vmul.f32 v11, v11;
	v52 =	vmul.f32 v21, v21  }
0x5e: {  	v19 =	vld [tilespmem:s30+$0xFFFFFFF0];
	v49 =	vmul.f32 v18, v18;
	v56 =	vmul.f32 v39, v56;
	v50 =	vadd.f32 v63, v50  }
0x5f: {  	v45 =	vsub.f32 $1.500000000e+00, v45;
	v54 =	vmul.f32 v13, v13;
	v60 =	vmul.f32 v20, v20  }
0x60: {  	v38 =	vsub.f32 $1.500000000e+00, v38;
	v55 =	vperm.xlane v40, v0;
	v47 =	vperm.xlane v17, v0  }
0x61: {  	v48 =	vadd.f32 v52, v62;
	v56 =	vmul.f32 v39, v56;
	v42 =	vadd.f32 v54, v61  }
0x62: {  	v44 =	vmul.f32 v44, v45;
	v52 =	vadd.f32 v60, v57;
	v47 =	vadd.f32 v17, v47;
	v17 =	vld [tilespmem:s30+$0x30]  }
0x63: {  	v62 =	vmul.f32 v19, v19;
	v60 =	vshra.s32 v43, $0x1;
	v43 =	vmul.f32 $5.000000000e-01, v43  }
0x64: {  	v38 =	vmul.f32 v51, v38;
	v61 =	vperm.xlane v48, v0;
	v51 =	vsub.s32 $0x5F3759DF, v60  }
0x65: {  	v44 =	vmin.f32 v44, $9.999999950e+11;
	v49 =	vadd.f32 v62, v49;
	v62 =	vperm.xlane v52, v0  }
0x66: {  	v38 =	vmin.f32 v38, $9.999999950e+11;
	v43 =	vmul.f32 v51, v43;
	v27 =	vmul.f32 v44, v27  }
0x67: {  	v48 =	vadd.f32 v48, v61;
	v61 =	vperm.xlane v50, v0;
	v63 =	vmul.f32 v17, v17  }
0x68: {  	v40 =	vadd.f32 v40, v55;
	v30 =	vmul.f32 v38, v30;
	v58 =	vmul.f32 v38, v31  }
0x69: {  	v52 =	vadd.f32 v52, v62;
	v41 =	vadd.f32 v63, v41;
	v63 =	vperm.xlane v48, v1  }
0x6a: {  	v31 =	vperm.xlane v36, v3;
	v38 =	vshra.s32 v46, $0x1;
	v60 =	vperm.xlane v49, v0  }
0x6b: {  	v50 =	vadd.f32 v50, v61;
	v61 =	vperm.xlane v52, v1;
	v48 =	vadd.f32 v48, v63  }
0x6c: {  	v46 =	vperm.xlane v40, v1;
	v43 =	vmul.f32 v51, v43;
	v31 =	vadd.f32 v36, v31  }
0x6d: {  	v49 =	vadd.f32 v49, v60;
	v52 =	vadd.f32 v52, v61;
	v62 =	vperm.xlane v48, v2  }
0x6e: {  	v43 =	vsub.f32 $1.500000000e+00, v43;
	v57 =	vperm.xlane v50, v1;
	v55 =	vmul.f32 $5.000000000e-01, v31  }
0x6f: {  	v54 =	vperm.xlane v49, v1;
	v60 =	vperm.xlane v52, v2;
	v63 =	vadd.f32 v48, v62  }
0x70: {  	v36 =	vsub.s32 $0x5F3759DF, v38;
	v48 =	vperm.xlane v47, v1;
	v62 =	vperm.xlane v41, v0  }
0x71: {  	v43 =	vmul.f32 v51, v43;
	v52 =	vadd.f32 v52, v60;
	v61 =	vperm.xlane v63, v3  }
0x72: {  	v41 =	vadd.f32 v41, v62;
	v47 =	vadd.f32 v47, v48;
	v48 =	vshra.s32 v31, $0x1  }
0x73: {  	v31 =	vsub.f32 $1.500000000e+00, v56;
	v62 =	vmul.f32 v36, v53;
	v37 =	vadd.f32 v63, v61  }
0x74: {  	[tilespmem:s28+$0xFFFFFFA0] =	vst v33;
	v33 =	vsub.s32 $0x5F3759DF, v48;
	v63 =	vperm.xlane v52, v3;
	v60 =	vperm.xlane v47, v2  }
0x75: {  	v39 =	vmul.f32 v39, v31;
	v59 =	vshra.s32 v37, $0x1;
	v37 =	vmul.f32 $5.000000000e-01, v37  }
0x76: {  	v45 =	vadd.f32 v52, v63;
	v31 =	vadd.f32 v47, v60;
	v63 =	vmul.f32 v44, v24  }
0x77: {  	v24 =	vmul.f32 v36, v62;
	v60 =	vperm.xlane v42, v0;
	v62 =	vmin.f32 v43, $9.999999950e+11  }
0x78: {  	[tilespmem:s28+$0xFFFFFFB0] =	vst v34;
	v52 =	vsub.s32 $0x5F3759DF, v59;
	v59 =	vperm.xlane v41, v1;
	v29 =	vmul.f32 v62, v29  }
0x79: {  	[tilespmem:s28+$0x0] =	vst v35;
	v61 =	vmul.f32 $5.000000000e-01, v45;
	v37 =	vmul.f32 v52, v37;
	v45 =	vshra.s32 v45, $0x1  }
0x7a: {  	[tilespmem:s28+$0x10] =	vst v32;
	v38 =	vsub.f32 $1.500000000e+00, v24;
	v24 =	vadd.f32 v50, v57;
	v57 =	vmul.f32 v33, v55  }
0x7b: {  	[tilespmem:s28+$0xFFFFFF80] =	vst v27;
	v34 =	vperm.xlane v31, v3;
	v47 =	vmul.f32 v52, v37;
	v37 =	vsub.s32 $0x5F3759DF, v45  }
0x7c: {  	[tilespmem:s28+$0xFFFFFFE0] =	vst v30;
	v35 =	vadd.f32 v41, v59;
	v56 =	vmul.f32 v37, v61;
	v61 =	vmin.f32 v39, $9.999999950e+11  }
0x7d: {  	[tilespmem:s28+$0xFFFFFFF0] =	vst v58;
	v32 =	vmul.f32 v33, v57;
	v30 =	vsub.f32 $1.500000000e+00, v47;
	v27 =	vmul.f32 v61, v28  }
0x7e: {  	[tilespmem:s28+$0xFFFFFF90] =	vst v63;
	v39 =	vadd.f32 v40, v46;
	v44 =	vmul.f32 v61, v26;
	v26 =	vperm.xlane v24, v2  }
0x7f: {  	[tilespmem:s28+$0x50] =	vst v29;
	v45 =	vmul.f32 v37, v56;
	v63 =	vmul.f32 v52, v30;
	v30 =	vadd.f32 v42, v60  }
0x80: {  	v40 =	vadd.f32 v49, v54;
	v41 =	vperm.xlane v39, v2;
	[tilespmem:s28+$0x30] =	vst v27;
	v27 =	vmul.f32 v62, v25  }
0x81: {  	s0 =	simm.s32 $0x8;
	s1 =	simm.s32 $0x6680;
	[tilespmem:s28+$0x20] =	vst v44;
	v42 =	vsub.f32 $1.500000000e+00, v45;
	v28 =	vmin.f32 v63, $9.999999950e+11;
	v43 =	vperm.xlane v30, v1  }
.LBB2_3:
0x82: {  	v29 =	vld [tilespmem:s1+$0xFFFFFF90];
	s0 =	sadd.s32 $0x8, s0;
	v39 =	vadd.f32 v39, v41;
	v23 =	vmul.f32 v28, v23;
	v36 =	vmul.f32 v36, v38;
	v25 =	vmovc v12  }
0x83: {  	v37 =	vmul.f32 v37, v42;
	v41 =	vperm.xlane v35, v2;
	v38 =	vld [tilespmem:s1+$0x70];
	p0 =	slt.u32 s0, $0x278;
	v42 =	vadd.f32 v30, v43;
	[tilespmem:s28+$0x40] =	vst v27  }
0x84: {  	v12 =	vld [tilespmem:s1+$0x40];
	v30 =	vperm.xlane v39, v3;
	[tilespmem:s30+$0xFFFFFFA0] =	vst v23;
	v23 =	vperm.xlane v40, v2;
	v36 =	vmin.f32 v36, $9.999999950e+11  }
0x85: {  	v21 =	vmul.f32 v28, v21;
	v32 =	vsub.f32 $1.500000000e+00, v32;
	v37 =	vmin.f32 v37, $9.999999950e+11;
	v43 =	vld [tilespmem:s1+$0x60]  }
0x86: {  	v22 =	vmul.f32 v37, v22;
	v27 =	vld [tilespmem:s1+$0x20];
	v40 =	vadd.f32 v40, v23;
	v23 =	vperm.xlane v42, v2  }
0x87: {  	v39 =	vadd.f32 v39, v30;
	v44 =	vmul.f32 v29, v29;
	v28 =	vld [tilespmem:s1+$0x50];
	[tilespmem:s30+$0xFFFFFFB0] =	vst v21;
	v21 =	vmul.f32 v33, v32  }
0x88: {  	v30 =	vld [tilespmem:s1+$0xFFFFFF80];
	v32 =	vperm.xlane v40, v3;
	[tilespmem:s30+$0x0] =	vst v22;
	v33 =	vadd.f32 v42, v23;
	v22 =	vmul.f32 v36, v4  }
0x89: {  	v23 =	vmul.f32 v38, v38;
	v45 =	vshra.s32 v39, $0x1;
	v4 =	vmovc v7;
	v7 =	vmovc v38;
	v42 =	vld [tilespmem:s1+$0xFFFFFFC0];
	v46 =	vmin.f32 v21, $9.999999950e+11  }
0x8a: {  	v35 =	vadd.f32 v35, v41;
	v36 =	vmul.f32 v36, v6;
	v21 =	vld [tilespmem:s1+$0xFFFFFFB0];
	v38 =	vmul.f32 v43, v43;
	[tilespmem:s28+$0x70] =	vst v22  }
0x8b: {  	v31 =	vadd.f32 v31, v34;
	v39 =	vmul.f32 $5.000000000e-01, v39;
	v6 =	vmovc v8;
	v14 =	vmul.f32 v46, v14;
	v8 =	vmovc v43;
	v41 =	vld [tilespmem:s1+$0xFFFFFFE0]  }
0x8c: {  	v43 =	vmul.f32 v27, v27;
	v22 =	vld [tilespmem:s1+$0x0];
	v34 =	vadd.f32 v23, v38;
	v38 =	vperm.xlane v35, v3;
	[tilespmem:s28+$0x60] =	vst v36  }
0x8d: {  	v40 =	vadd.f32 v40, v32;
	v46 =	vmul.f32 v46, v5;
	v36 =	vmul.f32 v12, v12;
	v23 =	vld [tilespmem:s1+$0xFFFFFFA0];
	[tilespmem:s28+$0xFFFFFFD0] =	vst v14  }
0x8e: {  	v5 =	vmovc v9;
	v32 =	vld [tilespmem:s1+$0x30];
	v52 =	vperm.xlane v34, v0;
	v35 =	vadd.f32 v35, v38;
	v38 =	vperm.xlane v33, v3  }
0x8f: {  	v50 =	vshra.s32 v40, $0x1;
	v47 =	vmul.f32 v30, v30;
	v48 =	vmul.f32 v42, v42;
	v9 =	vmovc v42;
	v49 =	vld [tilespmem:s1+$0xFFFFFFF0];
	[tilespmem:s28+$0xFFFFFFC0] =	vst v46;
	s28 =	smov.u32 s30;
	s30 =	smov.u32 s1  }
0x90: {  	v51 =	vmul.f32 $5.000000000e-01, v31;
	v14 =	vmovc v16;
	v42 =	vmul.f32 v21, v21;
	v46 =	vadd.f32 v34, v52;
	v16 =	vld [tilespmem:s1+$0xFFFFFFD0]  }
0x91: {  	v44 =	vadd.f32 v44, v47;
	v47 =	vmul.f32 v41, v41;
	v34 =	vshra.s32 v35, $0x1;
	v52 =	vld [tilespmem:s1+$0x10]  }
0x92: {  	v45 =	vsub.s32 $0x5F3759DF, v45;
	v53 =	vmul.f32 v28, v28;
	v35 =	vmul.f32 $5.000000000e-01, v35  }
0x93: {  	v40 =	vmul.f32 $5.000000000e-01, v40;
	v33 =	vadd.f32 v33, v38;
	v54 =	vmul.f32 v22, v22  }
0x94: {  	v58 =	vmul.f32 v37, v20;
	v55 =	vsub.s32 $0x5F3759DF, v34;
	v38 =	vmul.f32 v23, v23  }
0x95: {  	v50 =	vsub.s32 $0x5F3759DF, v50;
	v35 =	vmul.f32 v55, v35;
	v37 =	vmul.f32 v16, v16  }
0x96: {  	v40 =	vmul.f32 v50, v40;
	v38 =	vadd.f32 v42, v38;
	v42 =	vmul.f32 v52, v52;
	[tilespmem:s28+$0x10] =	vst v58  }
0x97: {  	v34 =	vadd.f32 v53, v36;
	v57 =	vmul.f32 v32, v32;
	v56 =	vmul.f32 v49, v49;
	v20 =	vmovc v52  }
0x98: {  	v40 =	vmul.f32 v50, v40;
	v36 =	vperm.xlane v38, v0;
	v42 =	vadd.f32 v42, v54  }
0x99: {  	v39 =	vmul.f32 v45, v39;
	v37 =	vadd.f32 v37, v48;
	v48 =	vshra.s32 v33, $0x1  }
0x9a: {  	v35 =	vmul.f32 v55, v35;
	v36 =	vadd.f32 v38, v36;
	v38 =	vperm.xlane v42, v0  }
0x9b: {  	v40 =	vsub.f32 $1.500000000e+00, v40;
	v47 =	vadd.f32 v56, v47;
	v52 =	vperm.xlane v37, v0  }
0x9c: {  	v43 =	vadd.f32 v57, v43;
	v33 =	vmul.f32 $5.000000000e-01, v33;
	v53 =	vperm.xlane v36, v1  }
0x9d: {  	v52 =	vadd.f32 v37, v52;
	v37 =	vadd.f32 v42, v38;
	v38 =	vmul.f32 v45, v39  }
0x9e: {  	v40 =	vmul.f32 v50, v40;
	v39 =	vperm.xlane v44, v0;
	v42 =	vsub.s32 $0x5F3759DF, v48  }
0x9f: {  	v36 =	vadd.f32 v36, v53;
	v48 =	vperm.xlane v47, v0;
	v50 =	vperm.xlane v37, v1  }
0xa0: {  	v40 =	vmin.f32 v40, $9.999999950e+11;
	v33 =	vmul.f32 v42, v33;
	v38 =	vsub.f32 $1.500000000e+00, v38  }
0xa1: {  	v24 =	vadd.f32 v24, v26;
	v53 =	vperm.xlane v36, v2;
	v47 =	vadd.f32 v47, v48  }
0xa2: {  	v26 =	vperm.xlane v52, v1;
	v48 =	vmul.f32 v40, v18;
	v18 =	vmovc v41;
	v37 =	vadd.f32 v37, v50  }
0xa3: {  	v41 =	vperm.xlane v46, v1;
	v36 =	vadd.f32 v36, v53;
	v50 =	vperm.xlane v24, v3  }
0xa4: {  	v31 =	vshra.s32 v31, $0x1;
	v40 =	vmul.f32 v40, v19;
	v19 =	vmovc v49;
	v53 =	vperm.xlane v37, v2;
	[tilespmem:s28+$0xFFFFFFE0] =	vst v48  }
0xa5: {  	v39 =	vadd.f32 v44, v39;
	v44 =	vperm.xlane v36, v3;
	v48 =	vperm.xlane v47, v1  }
0xa6: {  	v49 =	vperm.xlane v43, v0;
	v24 =	vadd.f32 v24, v50;
	v37 =	vadd.f32 v37, v53;
	[tilespmem:s28+$0xFFFFFFF0] =	vst v40  }
0xa7: {  	v38 =	vmul.f32 v45, v38;
	v36 =	vadd.f32 v36, v44;
	v40 =	vperm.xlane v39, v1  }
0xa8: {  	v43 =	vadd.f32 v43, v49;
	v45 =	vmul.f32 $5.000000000e-01, v24;
	v44 =	vperm.xlane v37, v3  }
0xa9: {  	v41 =	vadd.f32 v46, v41;
	v24 =	vshra.s32 v24, $0x1;
	v49 =	vshra.s32 v36, $0x1  }
0xaa: {  	v33 =	vmul.f32 v42, v33;
	v46 =	vmul.f32 $5.000000000e-01, v36;
	v37 =	vadd.f32 v37, v44  }
0xab: {  	v36 =	vsub.s32 $0x5F3759DF, v31;
	v44 =	vsub.s32 $0x5F3759DF, v49;
	v49 =	vperm.xlane v43, v1  }
0xac: {  	v53 =	vsub.f32 $1.500000000e+00, v33;
	v31 =	vmul.f32 v36, v51;
	v50 =	vmul.f32 $5.000000000e-01, v37  }
0xad: {  	v33 =	vmul.f32 v44, v46;
	v46 =	vmin.f32 v38, $9.999999950e+11;
	v37 =	vshra.s32 v37, $0x1  }
0xae: {  	v35 =	vsub.f32 $1.500000000e+00, v35;
	v38 =	vperm.xlane v41, v2;
	v51 =	vmul.f32 v46, v10;
	v10 =	vmovc v29  }
0xaf: {  	v29 =	vmul.f32 v44, v33;
	v33 =	vsub.s32 $0x5F3759DF, v24;
	v24 =	vmul.f32 v36, v31  }
0xb0: {  	v35 =	vmul.f32 v55, v35;
	v37 =	vsub.s32 $0x5F3759DF, v37;
	v31 =	vadd.f32 v41, v38;
	[tilespmem:s28+$0xFFFFFF90] =	vst v51  }
0xb1: {  	v42 =	vmul.f32 v42, v53;
	v41 =	vmul.f32 v37, v50;
	v38 =	vsub.f32 $1.500000000e+00, v24  }
0xb2: {  	v45 =	vmul.f32 v33, v45;
	v24 =	vadd.f32 v52, v26;
	v26 =	vmul.f32 v46, v15;
	v15 =	vmovc v30  }
0xb3: {  	v29 =	vsub.f32 $1.500000000e+00, v29;
	v30 =	vperm.xlane v34, v0;
	v46 =	vmin.f32 v35, $9.999999950e+11  }
0xb4: {  	v35 =	vadd.f32 v43, v49;
	v49 =	vmin.f32 v42, $9.999999950e+11;
	v50 =	vmul.f32 v37, v41;
	[tilespmem:s28+$0xFFFFFF80] =	vst v26  }
.Ltmp2:
0xb5: {  	v39 =	vadd.f32 v39, v40;
	v26 =	vmul.f32 v44, v29;
	v29 =	vmul.f32 v49, v13;
	v13 =	vmovc v28;
	(pc) =	sbr.rel @p0 .LBB2_3-.Ltmp2, $4  }
0xb6: {  	v40 =	vmul.f32 v46, v17;
	v17 =	vmovc v32;
	v30 =	vadd.f32 v34, v30;
	v34 =	vperm.xlane v31, v3  }
0xb7: {  	v41 =	vperm.xlane v39, v2;
	v44 =	vmul.f32 v46, v11;
	v11 =	vmovc v27;
	v28 =	vmin.f32 v26, $9.999999950e+11;
	[tilespmem:s28+$0x50] =	vst v29  }
0xb8: {  	v32 =	vmul.f32 v33, v45;
	v42 =	vsub.f32 $1.500000000e+00, v50;
	v26 =	vperm.xlane v24, v2;
	[tilespmem:s28+$0x30] =	vst v40  }
0xb9: {  	s1 =	sadd.s32 $0x100, s1;
	v43 =	vperm.xlane v30, v1;
	v27 =	vmul.f32 v49, v25;
	v40 =	vadd.f32 v47, v48;
	[tilespmem:s28+$0x20] =	vst v44  }
0xba: {  	v23 =	vmul.f32 v28, v23  }
0xbb: {  	v25 =	vadd.f32 v39, v41;
	v29 =	vmul.f32 v36, v38;
	v37 =	vmul.f32 v37, v42  }
0xbc: {  	v48 =	vperm.xlane v35, v2;
	v32 =	vsub.f32 $1.500000000e+00, v32;
	v47 =	vperm.xlane v40, v2  }
0xbd: {  	v21 =	vmul.f32 v28, v21;
	v31 =	vadd.f32 v31, v34;
	v30 =	vadd.f32 v30, v43  }
0xbe: {  	v39 =	vperm.xlane v25, v3;
	v32 =	vmul.f32 v33, v32;
	v28 =	vadd.f32 v40, v47  }
0xbf: {  	v49 =	vmin.f32 v37, $9.999999950e+11;
	v56 =	vmul.f32 $5.000000000e-01, v31;
	v50 =	vperm.xlane v30, v2  }
0xc0: {  	v29 =	vmin.f32 v29, $9.999999950e+11;
	v22 =	vmul.f32 v49, v22;
	v40 =	vperm.xlane v28, v3  }
0xc1: {  	v51 =	vadd.f32 v35, v48;
	v4 =	vmul.f32 v29, v4;
	v6 =	vmul.f32 v29, v6  }
0xc2: {  	v25 =	vadd.f32 v25, v39;
	v32 =	vmin.f32 v32, $9.999999950e+11;
	v28 =	vadd.f32 v28, v40  }
0xc3: {  	v35 =	vperm.xlane v51, v3;
	v30 =	vadd.f32 v30, v50;
	v14 =	vmul.f32 v32, v14  }
0xc4: {  	v5 =	vmul.f32 v32, v5;
	v52 =	vshra.s32 v28, $0x1;
	v28 =	vmul.f32 $5.000000000e-01, v28  }
0xc5: {  	v29 =	vmul.f32 $5.000000000e-01, v25;
	v25 =	vshra.s32 v25, $0x1;
	v53 =	vsub.s32 $0x5F3759DF, v52  }
0xc6: {  	v54 =	vadd.f32 v51, v35;
	v25 =	vsub.s32 $0x5F3759DF, v25;
	v28 =	vmul.f32 v53, v28  }
0xc7: {  	v24 =	vadd.f32 v24, v26;
	v55 =	vperm.xlane v30, v3;
	v29 =	vmul.f32 v25, v29  }
0xc8: {  	v57 =	vshra.s32 v54, $0x1;
	v32 =	vmul.f32 $5.000000000e-01, v54;
	v28 =	vmul.f32 v53, v28  }
0xc9: {  	v30 =	vadd.f32 v30, v55;
	v58 =	vsub.s32 $0x5F3759DF, v57;
	v29 =	vmul.f32 v25, v29  }
0xca: {  	[tilespmem:s28+$0x40] =	vst v27;
	v20 =	vmul.f32 v49, v20;
	v32 =	vmul.f32 v58, v32;
	v28 =	vsub.f32 $1.500000000e+00, v28  }
0xcb: {  	[tilespmem:s30+$0xFFFFFFA0] =	vst v23;
	v59 =	vshra.s32 v30, $0x1;
	v27 =	vmul.f32 $5.000000000e-01, v30;
	v29 =	vsub.f32 $1.500000000e+00, v29  }
0xcc: {  	[tilespmem:s30+$0xFFFFFFB0] =	vst v21;
	v23 =	vmul.f32 v58, v32;
	v26 =	vsub.s32 $0x5F3759DF, v59;
	v28 =	vmul.f32 v53, v28  }
0xcd: {  	[tilespmem:s28+$0x60] =	vst v6;
	v27 =	vmul.f32 v26, v27;
	v6 =	vmul.f32 v25, v29  }
0xce: {  	[tilespmem:s28+$0xFFFFFFC0] =	vst v5;
	v5 =	vsub.f32 $1.500000000e+00, v23;
	v21 =	vmin.f32 v28, $9.999999950e+11;
	v28 =	vperm.xlane v24, v3  }
0xcf: {  	[tilespmem:s30+$0x0] =	vst v22;
	v22 =	vmul.f32 v26, v27;
	v6 =	vmin.f32 v6, $9.999999950e+11;
	v18 =	vmul.f32 v21, v18  }
0xd0: {  	[tilespmem:s28+$0x70] =	vst v4;
	v19 =	vmul.f32 v21, v19;
	v21 =	vshra.s32 v31, $0x1;
	v4 =	vadd.f32 v24, v28  }
0xd1: {  	v5 =	vmul.f32 v58, v5;
	v22 =	vsub.f32 $1.500000000e+00, v22;
	v21 =	vsub.s32 $0x5F3759DF, v21  }
0xd2: {  	[tilespmem:s28+$0xFFFFFFD0] =	vst v14;
	v24 =	vmul.f32 v21, v56;
	v14 =	vmul.f32 $5.000000000e-01, v4;
	v4 =	vshra.s32 v4, $0x1  }
0xd3: {  	v10 =	vmul.f32 v6, v10;
	v6 =	vmul.f32 v6, v15;
	v4 =	vsub.s32 $0x5F3759DF, v4  }
0xd4: {  	[tilespmem:s30+$0x10] =	vst v20;
	v23 =	vmul.f32 v21, v24;
	v14 =	vmul.f32 v4, v14  }
0xd5: {  	v5 =	vmin.f32 v5, $9.999999950e+11;
	v20 =	vmul.f32 v26, v22;
	[tilespmem:s30+$0xFFFFFF80] =	vst v6  }
0xd6: {  	v6 =	vmul.f32 v5, v17;
	[tilespmem:s30+$0xFFFFFFE0] =	vst v18;
	v18 =	vsub.f32 $1.500000000e+00, v23;
	v14 =	vmul.f32 v4, v14  }
0xd7: {  	[tilespmem:s30+$0xFFFFFF90] =	vst v10;
	v5 =	vmul.f32 v5, v11;
	v15 =	vmin.f32 v20, $9.999999950e+11  }
0xd8: {  	[tilespmem:s30+$0x30] =	vst v6;
	v10 =	vmul.f32 v15, v13;
	v13 =	vmul.f32 v21, v18;
	v14 =	vsub.f32 $1.500000000e+00, v14  }
0xd9: {  	[tilespmem:s30+$0x20] =	vst v5  }
0xda: {  	v6 =	vmul.f32 v15, v12;
	[tilespmem:s30+$0x50] =	vst v10;
	v10 =	vmin.f32 v13, $9.999999950e+11;
	v4 =	vmul.f32 v4, v14  }
0xdb: {  	[tilespmem:s30+$0xFFFFFFF0] =	vst v19;
	v5 =	vmul.f32 v10, v7  }
0xdc: {  	s29 =	smul.u32 $0xA00, s26;
	[tilespmem:s30+$0x40] =	vst v6;
	v6 =	vmul.f32 v10, v8;
	v4 =	vmin.f32 v4, $9.999999950e+11  }
0xdd: {  	[tilespmem:s30+$0x70] =	vst v5;
	v5 =	vmul.f32 v4, v16  }
0xde: {  	s0 =	sadd.s32 s4, s29;
	[tilespmem:s30+$0x60] =	vst v6;
	v4 =	vmul.f32 v4, v9  }
0xdf: {  	s0 =	sshll.u32 s0, $0x2;
	[tilespmem:s30+$0xFFFFFFD0] =	vst v5  }
0xe0: {  	p0 =	seq.s32 s26, $0x0;
	s0 =	sadd.s32 s2, s0;
	[tilespmem:s30+$0xFFFFFFC0] =	vst v4  }
0xe1: {  	[hbm4b:s0+s3] =	stream.linear.scatter [tilespmem:s12], [sflag:$0x5], $0x5000, $0x38;
	[tilespmem:$0x1A400] =	vst v63  }
0xe2: {  	s28 =	sshllo.u32 s26, $0x2;
	s0 =	simm.s32 @!p0 $0x8  }
0xe3: {  	s1 =	smul.u32 $0xA00, s28;
	_ =	swait.ge @!p0 [sflag:s0], $0x5000  }
0xe4: {  	[sflag:s0] =	ssyncset.done @!p0 $0x0  }
0xe5: {  	s14 =	sshra.s32 s1, $0x2;
	[sflag:s0] =	ssyncadd.s32 @!p0 $0xFFFFB000  }
0xe6: {  	[tilespmem:s17], [sflag:$0x4] =	stream.indirect.gather [hbm4b:s5+s11], $0x20, s14, s11, $0xb8;
	[tilespmem:$0x1A400] =	vst v63  }
0xe7: {  	_ =	swait.ge [sflag:s18], $0x5000  }
0xe8: {  	[sflag:s18] =	ssyncset.done $0x0  }
0xe9: {  	s30 =	simm.s32 $0xB400;
	[sflag:s18] =	ssyncadd.s32 $0xFFFFB000  }
0xea: {  	v9 =	vld [tilespmem:s30+$0x30]  }
0xeb: {  	v7 =	vld [tilespmem:s30+$0x20]  }
0xec: {  	v24 =	vld [tilespmem:s30+$0x10]  }
0xed: {  	v13 =	vld [tilespmem:s30+$0x80]  }
0xee: {  	v32 =	vld [tilespmem:s30+$0x90]  }
0xef: {  	v4 =	vld [tilespmem:s30+$0xF0]  }
0xf0: {  	v6 =	vld [tilespmem:s30+$0xE0]  }
0xf1: {  	v25 =	vld [tilespmem:s30+$0xC0];
	v5 =	vmul.f32 v9, v9;
	v8 =	vmul.f32 v7, v7  }
0xf2: {  	v27 =	vld [tilespmem:s30+$0x0]  }
0xf3: {  	v30 =	vld [tilespmem:s30+$0x60];
	v11 =	vmul.f32 v13, v13;
	v12 =	vmul.f32 v32, v32;
	v8 =	vadd.f32 v5, v8  }
0xf4: {  	v29 =	vld [tilespmem:s30+$0xD0]  }
0xf5: {  	v26 =	vld [tilespmem:s30+$0xA0];
	v11 =	vadd.f32 v12, v11;
	v10 =	vperm.xlane v8, v0  }
0xf6: {  	v14 =	vld [tilespmem:s30+$0x50];
	v15 =	vmul.f32 v4, v4;
	v16 =	vmul.f32 v6, v6  }
0xf7: {  	v17 =	vmul.f32 v25, v25;
	v5 =	vld [tilespmem:s30+$0x40];
	v18 =	vperm.xlane v11, v0;
	v8 =	vadd.f32 v8, v10  }
0xf8: {  	v31 =	vld [tilespmem:s30+$0x70];
	v20 =	vmul.f32 v27, v27;
	v21 =	vmul.f32 v30, v30;
	v15 =	vadd.f32 v15, v16  }
0xf9: {  	v28 =	vld [tilespmem:s30+$0xB0];
	v23 =	vmul.f32 v29, v29;
	v11 =	vadd.f32 v11, v18;
	v16 =	vperm.xlane v8, v1  }
0xfa: {  	v12 =	vmul.f32 v26, v26;
	v19 =	vperm.xlane v15, v0  }
0xfb: {  	v10 =	vmul.f32 v24, v24;
	v22 =	vperm.xlane v11, v1;
	v8 =	vadd.f32 v8, v16  }
0xfc: {  	v15 =	vadd.f32 v15, v19;
	v18 =	vmul.f32 v14, v14;
	v16 =	vmul.f32 v5, v5  }
0xfd: {  	v10 =	vadd.f32 v10, v20;
	v11 =	vadd.f32 v11, v22;
	v19 =	vperm.xlane v8, v2  }
0xfe: {  	v20 =	vmul.f32 v31, v31;
	v16 =	vadd.f32 v18, v16;
	v18 =	vmul.f32 v28, v28  }
0xff: {  	v17 =	vadd.f32 v23, v17;
	v22 =	vperm.xlane v11, v2;
	v8 =	vadd.f32 v8, v19  }
0x100: {  	v19 =	vadd.f32 v20, v21;
	v20 =	vperm.xlane v16, v0;
	v12 =	vadd.f32 v18, v12  }
0x101: {  	v11 =	vadd.f32 v11, v22;
	v22 =	vperm.xlane v15, v1;
	v21 =	vperm.xlane v8, v3  }
0x102: {  	v18 =	vperm.xlane v19, v0;
	v16 =	vadd.f32 v16, v20;
	v20 =	vperm.xlane v10, v0  }
0x103: {  	v23 =	vperm.xlane v11, v3;
	v15 =	vadd.f32 v15, v22;
	v8 =	vadd.f32 v8, v21  }
0x104: {  	v18 =	vadd.f32 v19, v18;
	v19 =	vperm.xlane v16, v1;
	v10 =	vadd.f32 v10, v20  }
0x105: {  	v20 =	vperm.xlane v12, v0;
	v11 =	vadd.f32 v11, v23;
	v23 =	vperm.xlane v15, v2  }
0x106: {  	v21 =	vshra.s32 v8, $0x1;
	v8 =	vmul.f32 $5.000000000e-01, v8;
	v60 =	vperm.xlane v18, v1  }
0x107: {  	v22 =	vperm.xlane v10, v1;
	v12 =	vadd.f32 v12, v20;
	v20 =	vmul.f32 $5.000000000e-01, v11  }
0x108: {  	v11 =	vshra.s32 v11, $0x1;
	v23 =	vadd.f32 v15, v23;
	v21 =	vsub.s32 $0x5F3759DF, v21  }
0x109: {  	v36 =	vadd.f32 v16, v19;
	v11 =	vsub.s32 $0x5F3759DF, v11;
	v8 =	vmul.f32 v21, v8  }
0x10a: {  	v61 =	vperm.xlane v12, v1;
	v15 =	vmul.f32 v11, v20;
	v16 =	vadd.f32 v10, v22  }
0x10b: {  	v20 =	vperm.xlane v17, v0;
	v18 =	vadd.f32 v18, v60;
	v8 =	vmul.f32 v21, v8  }
0x10c: {  	v10 =	vmul.f32 v11, v15;
	v19 =	vadd.f32 v12, v61;
	v15 =	vperm.xlane v16, v2  }
0x10d: {  	v12 =	vadd.f32 v17, v20;
	v17 =	vperm.xlane v23, v3;
	v8 =	vsub.f32 $1.500000000e+00, v8  }
0x10e: {  	s31 =	simm.s32 $0xB500;
	v37 =	vperm.xlane v36, v2;
	v15 =	vadd.f32 v16, v15;
	v16 =	vperm.xlane v18, v2  }
0x10f: {  	v22 =	vperm.xlane v19, v2;
	v46 =	vadd.f32 v23, v17;
	v23 =	vld [tilespmem:s31+$0x20];
	v8 =	vmul.f32 v21, v8  }
0x110: {  	v21 =	vperm.xlane v12, v1;
	v62 =	vperm.xlane v15, v3;
	v16 =	vadd.f32 v18, v16  }
0x111: {  	v19 =	vadd.f32 v19, v22;
	v22 =	vld [tilespmem:s31+$0x80];
	v53 =	vmul.f32 $5.000000000e-01, v46;
	v20 =	vmin.f32 v8, $9.999999950e+11  }
0x112: {  	v8 =	vsub.f32 $1.500000000e+00, v10;
	v10 =	vld [tilespmem:s31+$0x10];
	v21 =	vadd.f32 v12, v21;
	v57 =	vperm.xlane v16, v3  }
0x113: {  	v12 =	vld [tilespmem:s31+$0xC0];
	v33 =	vmul.f32 v20, v7;
	v34 =	vmul.f32 v20, v9;
	v20 =	vadd.f32 v15, v62  }
0x114: {  	v7 =	vld [tilespmem:s31+$0xF0];
	v62 =	vmul.f32 v23, v23;
	v11 =	vmul.f32 v11, v8  }
0x115: {  	v15 =	vld [tilespmem:s31+$0x0];
	v18 =	vperm.xlane v21, v2;
	v38 =	vadd.f32 v16, v57;
	v45 =	vmul.f32 $5.000000000e-01, v20  }
0x116: {  	v9 =	vld [tilespmem:s31+$0x40];
	v44 =	vshra.s32 v20, $0x1;
	v20 =	vperm.xlane v19, v3;
	v57 =	vmul.f32 v22, v22  }
0x117: {  	v8 =	vld [tilespmem:s31+$0xE0];
	v63 =	vmin.f32 v11, $9.999999950e+11;
	v51 =	vshra.s32 v38, $0x1;
	v38 =	vmul.f32 $5.000000000e-01, v38  }
0x118: {  	v16 =	vld [tilespmem:s31+$0x50];
	v60 =	vadd.f32 v21, v18;
	v35 =	vmul.f32 v63, v13;
	v56 =	vmul.f32 v10, v10  }
0x119: {  	v11 =	vld [tilespmem:s31+$0xA0];
	v44 =	vsub.s32 $0x5F3759DF, v44;
	v61 =	vmul.f32 v12, v12;
	v32 =	vmul.f32 v63, v32  }
0x11a: {  	v21 =	vld [tilespmem:s31+$0x30];
	v19 =	vadd.f32 v19, v20;
	v45 =	vmul.f32 v44, v45;
	v58 =	vmul.f32 v7, v7  }
0x11b: {  	v18 =	vld [tilespmem:s31+$0x60];
	v51 =	vsub.s32 $0x5F3759DF, v51;
	v48 =	vperm.xlane v60, v3;
	v49 =	vmul.f32 v15, v15  }
0x11c: {  	v36 =	vadd.f32 v36, v37;
	v13 =	vld [tilespmem:s31+$0xD0];
	v50 =	vmul.f32 v9, v9;
	v38 =	vmul.f32 v51, v38  }
0x11d: {  	v20 =	vld [tilespmem:s31+$0x90];
	v59 =	vmul.f32 v8, v8;
	v55 =	vshra.s32 v19, $0x1;
	v63 =	vmul.f32 v16, v16  }
0x11e: {  	v45 =	vmul.f32 v44, v45;
	v40 =	vadd.f32 v56, v49;
	v56 =	vmul.f32 $5.000000000e-01, v19  }
0x11f: {  	v43 =	vadd.f32 v60, v48;
	v39 =	vsub.s32 $0x5F3759DF, v55;
	v38 =	vmul.f32 v51, v38  }
0x120: {  	v17 =	vadd.f32 v58, v59;
	v41 =	vmul.f32 v11, v11;
	v52 =	vmul.f32 v21, v21  }
0x121: {  	v49 =	vmul.f32 v18, v18;
	v50 =	vadd.f32 v63, v50;
	v54 =	vmul.f32 v13, v13  }
0x122: {  	v19 =	vld [tilespmem:s31+$0x70];
	v45 =	vsub.f32 $1.500000000e+00, v45;
	v60 =	vmul.f32 v20, v20;
	v56 =	vmul.f32 v39, v56  }
0x123: {  	v38 =	vsub.f32 $1.500000000e+00, v38;
	v55 =	vperm.xlane v40, v0;
	v47 =	vperm.xlane v17, v0  }
0x124: {  	v48 =	vadd.f32 v52, v62;
	v44 =	vmul.f32 v44, v45;
	v42 =	vadd.f32 v54, v61  }
0x125: {  	v52 =	vadd.f32 v60, v57;
	v56 =	vmul.f32 v39, v56;
	v47 =	vadd.f32 v17, v47;
	v17 =	vld [tilespmem:s31+$0xB0]  }
0x126: {  	v60 =	vshra.s32 v43, $0x1;
	v43 =	vmul.f32 $5.000000000e-01, v43;
	v38 =	vmul.f32 v51, v38  }
0x127: {  	v61 =	vperm.xlane v48, v0;
	v62 =	vmul.f32 v19, v19;
	v51 =	vsub.s32 $0x5F3759DF, v60  }
0x128: {  	v44 =	vmin.f32 v44, $9.999999950e+11;
	v38 =	vmin.f32 v38, $9.999999950e+11;
	v43 =	vmul.f32 v51, v43  }
0x129: {  	v27 =	vmul.f32 v44, v27;
	v48 =	vadd.f32 v48, v61;
	v61 =	vperm.xlane v50, v0  }
0x12a: {  	v49 =	vadd.f32 v62, v49;
	v62 =	vperm.xlane v52, v0;
	v63 =	vmul.f32 v17, v17  }
0x12b: {  	v40 =	vadd.f32 v40, v55;
	v30 =	vmul.f32 v38, v30;
	v58 =	vmul.f32 v38, v31  }
0x12c: {  	v52 =	vadd.f32 v52, v62;
	v41 =	vadd.f32 v63, v41;
	v63 =	vperm.xlane v48, v1  }
0x12d: {  	v31 =	vperm.xlane v36, v3;
	v38 =	vshra.s32 v46, $0x1;
	v43 =	vmul.f32 v51, v43  }
0x12e: {  	v50 =	vadd.f32 v50, v61;
	v61 =	vperm.xlane v52, v1;
	v48 =	vadd.f32 v48, v63  }
0x12f: {  	v46 =	vperm.xlane v40, v1;
	v60 =	vperm.xlane v49, v0;
	v31 =	vadd.f32 v36, v31  }
0x130: {  	v43 =	vsub.f32 $1.500000000e+00, v43;
	v52 =	vadd.f32 v52, v61;
	v62 =	vperm.xlane v48, v2  }
0x131: {  	v49 =	vadd.f32 v49, v60;
	v57 =	vperm.xlane v50, v1;
	v55 =	vmul.f32 $5.000000000e-01, v31  }
0x132: {  	v43 =	vmul.f32 v51, v43;
	v60 =	vperm.xlane v52, v2;
	v63 =	vadd.f32 v48, v62  }
0x133: {  	v36 =	vsub.s32 $0x5F3759DF, v38;
	v48 =	vperm.xlane v47, v1;
	v62 =	vperm.xlane v41, v0  }
0x134: {  	v54 =	vperm.xlane v49, v1;
	v52 =	vadd.f32 v52, v60;
	v61 =	vperm.xlane v63, v3  }
0x135: {  	v41 =	vadd.f32 v41, v62;
	v47 =	vadd.f32 v47, v48;
	v48 =	vshra.s32 v31, $0x1  }
0x136: {  	v31 =	vsub.f32 $1.500000000e+00, v56;
	v62 =	vmul.f32 v36, v53;
	v37 =	vadd.f32 v63, v61  }
0x137: {  	[tilespmem:s30+$0x20] =	vst v33;
	v33 =	vsub.s32 $0x5F3759DF, v48;
	v63 =	vperm.xlane v52, v3;
	v60 =	vperm.xlane v47, v2  }
0x138: {  	v39 =	vmul.f32 v39, v31;
	v59 =	vshra.s32 v37, $0x1;
	v37 =	vmul.f32 $5.000000000e-01, v37  }
0x139: {  	v45 =	vadd.f32 v52, v63;
	v31 =	vadd.f32 v47, v60;
	v63 =	vmul.f32 v44, v24  }
0x13a: {  	v24 =	vmul.f32 v36, v62;
	v60 =	vperm.xlane v42, v0;
	v62 =	vmin.f32 v43, $9.999999950e+11  }
0x13b: {  	[tilespmem:s30+$0x30] =	vst v34;
	v52 =	vsub.s32 $0x5F3759DF, v59;
	v59 =	vperm.xlane v41, v1;
	v29 =	vmul.f32 v62, v29  }
0x13c: {  	[tilespmem:s30+$0x80] =	vst v35;
	v61 =	vmul.f32 $5.000000000e-01, v45;
	v37 =	vmul.f32 v52, v37;
	v45 =	vshra.s32 v45, $0x1  }
0x13d: {  	[tilespmem:s30+$0x90] =	vst v32;
	v38 =	vsub.f32 $1.500000000e+00, v24;
	v24 =	vadd.f32 v50, v57;
	v57 =	vmul.f32 v33, v55  }
0x13e: {  	[tilespmem:s30+$0x0] =	vst v27;
	v34 =	vperm.xlane v31, v3;
	v47 =	vmul.f32 v52, v37;
	v37 =	vsub.s32 $0x5F3759DF, v45  }
0x13f: {  	[tilespmem:s30+$0x60] =	vst v30;
	v35 =	vadd.f32 v41, v59;
	v56 =	vmul.f32 v37, v61;
	v61 =	vmin.f32 v39, $9.999999950e+11  }
0x140: {  	[tilespmem:s30+$0x70] =	vst v58;
	v32 =	vmul.f32 v33, v57;
	v30 =	vsub.f32 $1.500000000e+00, v47;
	v27 =	vmul.f32 v61, v28  }
0x141: {  	[tilespmem:s30+$0x10] =	vst v63;
	v39 =	vadd.f32 v40, v46;
	v44 =	vmul.f32 v61, v26;
	v26 =	vperm.xlane v24, v2  }
0x142: {  	[tilespmem:s30+$0xD0] =	vst v29;
	v45 =	vmul.f32 v37, v56;
	v63 =	vmul.f32 v52, v30;
	v30 =	vadd.f32 v42, v60  }
0x143: {  	v40 =	vadd.f32 v49, v54;
	v41 =	vperm.xlane v39, v2;
	[tilespmem:s30+$0xB0] =	vst v27;
	v27 =	vmul.f32 v62, v25  }
0x144: {  	s1 =	simm.s32 $0xB600;
	s0 =	simm.s32 $0x8;
	[tilespmem:s30+$0xA0] =	vst v44;
	v42 =	vsub.f32 $1.500000000e+00, v45;
	v28 =	vmin.f32 v63, $9.999999950e+11;
	v43 =	vperm.xlane v30, v1  }
.LBB2_5:
0x145: {  	v29 =	vld [tilespmem:s1+$0x10];
	s0 =	sadd.s32 $0x8, s0;
	v39 =	vadd.f32 v39, v41;
	v23 =	vmul.f32 v28, v23;
	v36 =	vmul.f32 v36, v38;
	v25 =	vmovc v12  }
0x146: {  	v37 =	vmul.f32 v37, v42;
	v41 =	vperm.xlane v35, v2;
	v38 =	vld [tilespmem:s1+$0xF0];
	p0 =	slt.u32 s0, $0x278;
	v42 =	vadd.f32 v30, v43;
	[tilespmem:s30+$0xC0] =	vst v27  }
0x147: {  	v12 =	vld [tilespmem:s1+$0xC0];
	v30 =	vperm.xlane v39, v3;
	[tilespmem:s31+$0x20] =	vst v23;
	v23 =	vperm.xlane v40, v2;
	v36 =	vmin.f32 v36, $9.999999950e+11  }
0x148: {  	v21 =	vmul.f32 v28, v21;
	v32 =	vsub.f32 $1.500000000e+00, v32;
	v37 =	vmin.f32 v37, $9.999999950e+11;
	v43 =	vld [tilespmem:s1+$0xE0]  }
0x149: {  	v22 =	vmul.f32 v37, v22;
	v27 =	vld [tilespmem:s1+$0xA0];
	v40 =	vadd.f32 v40, v23;
	v23 =	vperm.xlane v42, v2  }
0x14a: {  	v39 =	vadd.f32 v39, v30;
	v44 =	vmul.f32 v29, v29;
	v28 =	vld [tilespmem:s1+$0xD0];
	[tilespmem:s31+$0x30] =	vst v21;
	v21 =	vmul.f32 v33, v32  }
0x14b: {  	v30 =	vld [tilespmem:s1+$0x0];
	v32 =	vperm.xlane v40, v3;
	[tilespmem:s31+$0x80] =	vst v22;
	v33 =	vadd.f32 v42, v23;
	v22 =	vmul.f32 v36, v4  }
0x14c: {  	v23 =	vmul.f32 v38, v38;
	v45 =	vshra.s32 v39, $0x1;
	v4 =	vmovc v7;
	v7 =	vmovc v38;
	v42 =	vld [tilespmem:s1+$0x40];
	v46 =	vmin.f32 v21, $9.999999950e+11  }
0x14d: {  	v35 =	vadd.f32 v35, v41;
	v36 =	vmul.f32 v36, v6;
	v21 =	vld [tilespmem:s1+$0x30];
	v38 =	vmul.f32 v43, v43;
	[tilespmem:s30+$0xF0] =	vst v22  }
0x14e: {  	v31 =	vadd.f32 v31, v34;
	v39 =	vmul.f32 $5.000000000e-01, v39;
	v6 =	vmovc v8;
	v14 =	vmul.f32 v46, v14;
	v8 =	vmovc v43;
	v41 =	vld [tilespmem:s1+$0x60]  }
0x14f: {  	v43 =	vmul.f32 v27, v27;
	v22 =	vld [tilespmem:s1+$0x80];
	v34 =	vadd.f32 v23, v38;
	v38 =	vperm.xlane v35, v3;
	[tilespmem:s30+$0xE0] =	vst v36  }
0x150: {  	v40 =	vadd.f32 v40, v32;
	v46 =	vmul.f32 v46, v5;
	v36 =	vmul.f32 v12, v12;
	v23 =	vld [tilespmem:s1+$0x20];
	[tilespmem:s30+$0x50] =	vst v14  }
0x151: {  	v5 =	vmovc v9;
	v32 =	vld [tilespmem:s1+$0xB0];
	v52 =	vperm.xlane v34, v0;
	v35 =	vadd.f32 v35, v38;
	v38 =	vperm.xlane v33, v3  }
0x152: {  	v50 =	vshra.s32 v40, $0x1;
	v47 =	vmul.f32 v30, v30;
	v48 =	vmul.f32 v42, v42;
	v9 =	vmovc v42;
	v49 =	vld [tilespmem:s1+$0x70];
	[tilespmem:s30+$0x40] =	vst v46;
	s30 =	smov.u32 s31;
	s31 =	smov.u32 s1  }
0x153: {  	v51 =	vmul.f32 $5.000000000e-01, v31;
	v14 =	vmovc v16;
	v42 =	vmul.f32 v21, v21;
	v46 =	vadd.f32 v34, v52;
	v16 =	vld [tilespmem:s1+$0x50]  }
0x154: {  	v44 =	vadd.f32 v44, v47;
	v47 =	vmul.f32 v41, v41;
	v34 =	vshra.s32 v35, $0x1;
	v52 =	vld [tilespmem:s1+$0x90]  }
0x155: {  	v45 =	vsub.s32 $0x5F3759DF, v45;
	v53 =	vmul.f32 v28, v28;
	v35 =	vmul.f32 $5.000000000e-01, v35  }
0x156: {  	v40 =	vmul.f32 $5.000000000e-01, v40;
	v33 =	vadd.f32 v33, v38;
	v54 =	vmul.f32 v22, v22  }
0x157: {  	v58 =	vmul.f32 v37, v20;
	v55 =	vsub.s32 $0x5F3759DF, v34;
	v38 =	vmul.f32 v23, v23  }
0x158: {  	v50 =	vsub.s32 $0x5F3759DF, v50;
	v35 =	vmul.f32 v55, v35;
	v37 =	vmul.f32 v16, v16  }
0x159: {  	v40 =	vmul.f32 v50, v40;
	v38 =	vadd.f32 v42, v38;
	v42 =	vmul.f32 v52, v52;
	[tilespmem:s30+$0x90] =	vst v58  }
0x15a: {  	v34 =	vadd.f32 v53, v36;
	v57 =	vmul.f32 v32, v32;
	v56 =	vmul.f32 v49, v49;
	v20 =	vmovc v52  }
0x15b: {  	v40 =	vmul.f32 v50, v40;
	v36 =	vperm.xlane v38, v0;
	v42 =	vadd.f32 v42, v54  }
0x15c: {  	v39 =	vmul.f32 v45, v39;
	v37 =	vadd.f32 v37, v48;
	v48 =	vshra.s32 v33, $0x1  }
0x15d: {  	v35 =	vmul.f32 v55, v35;
	v36 =	vadd.f32 v38, v36;
	v38 =	vperm.xlane v42, v0  }
0x15e: {  	v40 =	vsub.f32 $1.500000000e+00, v40;
	v47 =	vadd.f32 v56, v47;
	v52 =	vperm.xlane v37, v0  }
0x15f: {  	v43 =	vadd.f32 v57, v43;
	v33 =	vmul.f32 $5.000000000e-01, v33;
	v53 =	vperm.xlane v36, v1  }
0x160: {  	v52 =	vadd.f32 v37, v52;
	v37 =	vadd.f32 v42, v38;
	v38 =	vmul.f32 v45, v39  }
0x161: {  	v40 =	vmul.f32 v50, v40;
	v39 =	vperm.xlane v44, v0;
	v42 =	vsub.s32 $0x5F3759DF, v48  }
0x162: {  	v36 =	vadd.f32 v36, v53;
	v48 =	vperm.xlane v47, v0;
	v50 =	vperm.xlane v37, v1  }
0x163: {  	v40 =	vmin.f32 v40, $9.999999950e+11;
	v33 =	vmul.f32 v42, v33;
	v38 =	vsub.f32 $1.500000000e+00, v38  }
0x164: {  	v24 =	vadd.f32 v24, v26;
	v53 =	vperm.xlane v36, v2;
	v47 =	vadd.f32 v47, v48  }
0x165: {  	v26 =	vperm.xlane v52, v1;
	v48 =	vmul.f32 v40, v18;
	v18 =	vmovc v41;
	v37 =	vadd.f32 v37, v50  }
0x166: {  	v41 =	vperm.xlane v46, v1;
	v36 =	vadd.f32 v36, v53;
	v50 =	vperm.xlane v24, v3  }
0x167: {  	v31 =	vshra.s32 v31, $0x1;
	v40 =	vmul.f32 v40, v19;
	v19 =	vmovc v49;
	v53 =	vperm.xlane v37, v2;
	[tilespmem:s30+$0x60] =	vst v48  }
0x168: {  	v39 =	vadd.f32 v44, v39;
	v44 =	vperm.xlane v36, v3;
	v48 =	vperm.xlane v47, v1  }
0x169: {  	v49 =	vperm.xlane v43, v0;
	v24 =	vadd.f32 v24, v50;
	v37 =	vadd.f32 v37, v53;
	[tilespmem:s30+$0x70] =	vst v40  }
0x16a: {  	v38 =	vmul.f32 v45, v38;
	v36 =	vadd.f32 v36, v44;
	v40 =	vperm.xlane v39, v1  }
0x16b: {  	v43 =	vadd.f32 v43, v49;
	v45 =	vmul.f32 $5.000000000e-01, v24;
	v44 =	vperm.xlane v37, v3  }
0x16c: {  	v41 =	vadd.f32 v46, v41;
	v24 =	vshra.s32 v24, $0x1;
	v49 =	vshra.s32 v36, $0x1  }
0x16d: {  	v33 =	vmul.f32 v42, v33;
	v46 =	vmul.f32 $5.000000000e-01, v36;
	v37 =	vadd.f32 v37, v44  }
0x16e: {  	v36 =	vsub.s32 $0x5F3759DF, v31;
	v44 =	vsub.s32 $0x5F3759DF, v49;
	v49 =	vperm.xlane v43, v1  }
0x16f: {  	v53 =	vsub.f32 $1.500000000e+00, v33;
	v31 =	vmul.f32 v36, v51;
	v50 =	vmul.f32 $5.000000000e-01, v37  }
0x170: {  	v33 =	vmul.f32 v44, v46;
	v46 =	vmin.f32 v38, $9.999999950e+11;
	v37 =	vshra.s32 v37, $0x1  }
0x171: {  	v35 =	vsub.f32 $1.500000000e+00, v35;
	v38 =	vperm.xlane v41, v2;
	v51 =	vmul.f32 v46, v10;
	v10 =	vmovc v29  }
0x172: {  	v29 =	vmul.f32 v44, v33;
	v33 =	vsub.s32 $0x5F3759DF, v24;
	v24 =	vmul.f32 v36, v31  }
0x173: {  	v35 =	vmul.f32 v55, v35;
	v37 =	vsub.s32 $0x5F3759DF, v37;
	v31 =	vadd.f32 v41, v38;
	[tilespmem:s30+$0x10] =	vst v51  }
0x174: {  	v42 =	vmul.f32 v42, v53;
	v41 =	vmul.f32 v37, v50;
	v38 =	vsub.f32 $1.500000000e+00, v24  }
0x175: {  	v45 =	vmul.f32 v33, v45;
	v24 =	vadd.f32 v52, v26;
	v26 =	vmul.f32 v46, v15;
	v15 =	vmovc v30  }
0x176: {  	v29 =	vsub.f32 $1.500000000e+00, v29;
	v30 =	vperm.xlane v34, v0;
	v46 =	vmin.f32 v35, $9.999999950e+11  }
0x177: {  	v35 =	vadd.f32 v43, v49;
	v49 =	vmin.f32 v42, $9.999999950e+11;
	v50 =	vmul.f32 v37, v41;
	[tilespmem:s30+$0x0] =	vst v26  }
.Ltmp3:
0x178: {  	v39 =	vadd.f32 v39, v40;
	v26 =	vmul.f32 v44, v29;
	v29 =	vmul.f32 v49, v13;
	v13 =	vmovc v28;
	(pc) =	sbr.rel @p0 .LBB2_5-.Ltmp3, $4  }
0x179: {  	v40 =	vmul.f32 v46, v17;
	v17 =	vmovc v32;
	v30 =	vadd.f32 v34, v30;
	v34 =	vperm.xlane v31, v3  }
0x17a: {  	v41 =	vperm.xlane v39, v2;
	v44 =	vmul.f32 v46, v11;
	v11 =	vmovc v27;
	v28 =	vmin.f32 v26, $9.999999950e+11;
	[tilespmem:s30+$0xD0] =	vst v29  }
0x17b: {  	v32 =	vmul.f32 v33, v45;
	v42 =	vsub.f32 $1.500000000e+00, v50;
	v26 =	vperm.xlane v24, v2;
	[tilespmem:s30+$0xB0] =	vst v40  }
0x17c: {  	s1 =	sadd.s32 $0x100, s1;
	v43 =	vperm.xlane v30, v1;
	v27 =	vmul.f32 v49, v25;
	v40 =	vadd.f32 v47, v48;
	[tilespmem:s30+$0xA0] =	vst v44  }
0x17d: {  	v23 =	vmul.f32 v28, v23  }
0x17e: {  	v25 =	vadd.f32 v39, v41;
	v29 =	vmul.f32 v36, v38;
	v37 =	vmul.f32 v37, v42  }
0x17f: {  	v48 =	vperm.xlane v35, v2;
	v32 =	vsub.f32 $1.500000000e+00, v32;
	v47 =	vperm.xlane v40, v2  }
0x180: {  	v21 =	vmul.f32 v28, v21;
	v31 =	vadd.f32 v31, v34;
	v30 =	vadd.f32 v30, v43  }
0x181: {  	v39 =	vperm.xlane v25, v3;
	v32 =	vmul.f32 v33, v32;
	v28 =	vadd.f32 v40, v47  }
0x182: {  	v49 =	vmin.f32 v37, $9.999999950e+11;
	v56 =	vmul.f32 $5.000000000e-01, v31;
	v50 =	vperm.xlane v30, v2  }
0x183: {  	v29 =	vmin.f32 v29, $9.999999950e+11;
	v22 =	vmul.f32 v49, v22;
	v40 =	vperm.xlane v28, v3  }
0x184: {  	v51 =	vadd.f32 v35, v48;
	v4 =	vmul.f32 v29, v4;
	v6 =	vmul.f32 v29, v6  }
0x185: {  	v25 =	vadd.f32 v25, v39;
	v32 =	vmin.f32 v32, $9.999999950e+11;
	v28 =	vadd.f32 v28, v40  }
0x186: {  	v35 =	vperm.xlane v51, v3;
	v30 =	vadd.f32 v30, v50;
	v14 =	vmul.f32 v32, v14  }
0x187: {  	v5 =	vmul.f32 v32, v5;
	v52 =	vshra.s32 v28, $0x1;
	v28 =	vmul.f32 $5.000000000e-01, v28  }
0x188: {  	v29 =	vmul.f32 $5.000000000e-01, v25;
	v25 =	vshra.s32 v25, $0x1;
	v53 =	vsub.s32 $0x5F3759DF, v52  }
0x189: {  	v54 =	vadd.f32 v51, v35;
	v25 =	vsub.s32 $0x5F3759DF, v25;
	v28 =	vmul.f32 v53, v28  }
0x18a: {  	v24 =	vadd.f32 v24, v26;
	v55 =	vperm.xlane v30, v3;
	v29 =	vmul.f32 v25, v29  }
0x18b: {  	v57 =	vshra.s32 v54, $0x1;
	v32 =	vmul.f32 $5.000000000e-01, v54;
	v28 =	vmul.f32 v53, v28  }
0x18c: {  	v30 =	vadd.f32 v30, v55;
	v58 =	vsub.s32 $0x5F3759DF, v57;
	v29 =	vmul.f32 v25, v29  }
0x18d: {  	[tilespmem:s30+$0xC0] =	vst v27;
	v20 =	vmul.f32 v49, v20;
	v32 =	vmul.f32 v58, v32;
	v28 =	vsub.f32 $1.500000000e+00, v28  }
0x18e: {  	[tilespmem:s31+$0x20] =	vst v23;
	v59 =	vshra.s32 v30, $0x1;
	v27 =	vmul.f32 $5.000000000e-01, v30;
	v29 =	vsub.f32 $1.500000000e+00, v29  }
0x18f: {  	[tilespmem:s31+$0x30] =	vst v21;
	v23 =	vmul.f32 v58, v32;
	v26 =	vsub.s32 $0x5F3759DF, v59;
	v28 =	vmul.f32 v53, v28  }
0x190: {  	[tilespmem:s30+$0xE0] =	vst v6;
	v27 =	vmul.f32 v26, v27;
	v6 =	vmul.f32 v25, v29  }
0x191: {  	[tilespmem:s30+$0x40] =	vst v5;
	v5 =	vsub.f32 $1.500000000e+00, v23;
	v21 =	vmin.f32 v28, $9.999999950e+11;
	v28 =	vperm.xlane v24, v3  }
0x192: {  	[tilespmem:s31+$0x80] =	vst v22;
	v22 =	vmul.f32 v26, v27;
	v6 =	vmin.f32 v6, $9.999999950e+11;
	v18 =	vmul.f32 v21, v18  }
0x193: {  	[tilespmem:s30+$0xF0] =	vst v4;
	v19 =	vmul.f32 v21, v19;
	v21 =	vshra.s32 v31, $0x1;
	v4 =	vadd.f32 v24, v28  }
0x194: {  	v5 =	vmul.f32 v58, v5;
	v22 =	vsub.f32 $1.500000000e+00, v22;
	v21 =	vsub.s32 $0x5F3759DF, v21  }
0x195: {  	[tilespmem:s30+$0x50] =	vst v14;
	v24 =	vmul.f32 v21, v56;
	v14 =	vmul.f32 $5.000000000e-01, v4;
	v4 =	vshra.s32 v4, $0x1  }
0x196: {  	v10 =	vmul.f32 v6, v10;
	v6 =	vmul.f32 v6, v15;
	v4 =	vsub.s32 $0x5F3759DF, v4  }
0x197: {  	[tilespmem:s31+$0x90] =	vst v20;
	v23 =	vmul.f32 v21, v24;
	v14 =	vmul.f32 v4, v14  }
0x198: {  	v5 =	vmin.f32 v5, $9.999999950e+11;
	v20 =	vmul.f32 v26, v22;
	[tilespmem:s31+$0x0] =	vst v6  }
0x199: {  	v6 =	vmul.f32 v5, v17;
	[tilespmem:s31+$0x60] =	vst v18;
	v18 =	vsub.f32 $1.500000000e+00, v23;
	v14 =	vmul.f32 v4, v14  }
0x19a: {  	[tilespmem:s31+$0x10] =	vst v10;
	v5 =	vmul.f32 v5, v11;
	v15 =	vmin.f32 v20, $9.999999950e+11  }
0x19b: {  	[tilespmem:s31+$0xB0] =	vst v6;
	v10 =	vmul.f32 v15, v13;
	v13 =	vmul.f32 v21, v18;
	v14 =	vsub.f32 $1.500000000e+00, v14  }
0x19c: {  	[tilespmem:s31+$0xA0] =	vst v5  }
0x19d: {  	v6 =	vmul.f32 v15, v12;
	[tilespmem:s31+$0xD0] =	vst v10;
	v10 =	vmin.f32 v13, $9.999999950e+11;
	v4 =	vmul.f32 v4, v14  }
0x19e: {  	[tilespmem:s31+$0x70] =	vst v19;
	v5 =	vmul.f32 v10, v7  }
0x19f: {  	[tilespmem:s31+$0xC0] =	vst v6;
	v6 =	vmul.f32 v10, v8;
	v4 =	vmin.f32 v4, $9.999999950e+11  }
0x1a0: {  	s0 =	sadd.s32 s29, s7;
	[tilespmem:s31+$0xF0] =	vst v5;
	v5 =	vmul.f32 v4, v16  }
0x1a1: {  	s0 =	sshll.u32 s0, $0x2;
	[tilespmem:s31+$0xE0] =	vst v6;
	v4 =	vmul.f32 v4, v9  }
0x1a2: {  	s0 =	sand.u32 $0x1FFFFA00, s0;
	[tilespmem:s31+$0x50] =	vst v5  }
0x1a3: {  	p0 =	seq.s32 s26, $0x9;
	s0 =	sadd.s32 s2, s0;
	[tilespmem:s31+$0x40] =	vst v4  }
0x1a4: {  	[hbm4b:s0+s3] =	stream.linear.scatter [tilespmem:s13], [sflag:$0x6], $0x5000, $0x38;
	[tilespmem:$0x1A400] =	vst v63  }
0x1a5: {  	s1 =	smul.u32 @!p0 $0x2800, s26;
	s0 =	simm.s32 @!p0 $0x5  }
0x1a6: {  	_ =	swait.ge @!p0 [sflag:s0], $0x5000  }
0x1a7: {  	s14 =	simm.s32 @!p0 $0x6400;
	s30 =	sshra.s32 @!p0 s1, $0x2;
	[sflag:s0] =	ssyncset.done @!p0 $0x0  }
0x1a8: {  	s1 =	simm.s32 @!p0 $0x280;
	[sflag:s0] =	ssyncadd.s32 @!p0 $0xFFFFB000;
	s0 =	sadd.s32 @!p0 $0xA00, s30  }
0x1a9: {  	[tilespmem:s14], [sflag:$0x1] =	stream.indirect.gather @!p0 [hbm4b:s5+s1], $0x20, s0, s1, $0xb8;
	[tilespmem:$0x1A400] =	vst v63  }
0x1aa: {  	_ =	swait.ge [sflag:s19], $0x5000  }
0x1ab: {  	[sflag:s19] =	ssyncset.done $0x0  }
0x1ac: {  	s31 =	simm.s32 $0x10400;
	[sflag:s19] =	ssyncadd.s32 $0xFFFFB000  }
0x1ad: {  	v9 =	vld [tilespmem:s31+$0x30]  }
0x1ae: {  	v7 =	vld [tilespmem:s31+$0x20]  }
0x1af: {  	v24 =	vld [tilespmem:s31+$0x10]  }
0x1b0: {  	v13 =	vld [tilespmem:s31+$0x80]  }
0x1b1: {  	v32 =	vld [tilespmem:s31+$0x90]  }
0x1b2: {  	v4 =	vld [tilespmem:s31+$0xF0]  }
0x1b3: {  	v6 =	vld [tilespmem:s31+$0xE0]  }
0x1b4: {  	v25 =	vld [tilespmem:s31+$0xC0];
	v5 =	vmul.f32 v9, v9;
	v8 =	vmul.f32 v7, v7  }
0x1b5: {  	v27 =	vld [tilespmem:s31+$0x0]  }
0x1b6: {  	v30 =	vld [tilespmem:s31+$0x60];
	v11 =	vmul.f32 v13, v13;
	v12 =	vmul.f32 v32, v32;
	v8 =	vadd.f32 v5, v8  }
0x1b7: {  	v29 =	vld [tilespmem:s31+$0xD0]  }
0x1b8: {  	v26 =	vld [tilespmem:s31+$0xA0];
	v11 =	vadd.f32 v12, v11;
	v10 =	vperm.xlane v8, v0  }
0x1b9: {  	v14 =	vld [tilespmem:s31+$0x50];
	v15 =	vmul.f32 v4, v4;
	v16 =	vmul.f32 v6, v6  }
0x1ba: {  	v17 =	vmul.f32 v25, v25;
	v5 =	vld [tilespmem:s31+$0x40];
	v18 =	vperm.xlane v11, v0;
	v8 =	vadd.f32 v8, v10  }
0x1bb: {  	v31 =	vld [tilespmem:s31+$0x70];
	v20 =	vmul.f32 v27, v27;
	v21 =	vmul.f32 v30, v30;
	v15 =	vadd.f32 v15, v16  }
0x1bc: {  	v28 =	vld [tilespmem:s31+$0xB0];
	v23 =	vmul.f32 v29, v29;
	v11 =	vadd.f32 v11, v18;
	v16 =	vperm.xlane v8, v1  }
0x1bd: {  	v12 =	vmul.f32 v26, v26;
	v19 =	vperm.xlane v15, v0  }
0x1be: {  	v10 =	vmul.f32 v24, v24;
	v22 =	vperm.xlane v11, v1;
	v8 =	vadd.f32 v8, v16  }
0x1bf: {  	v15 =	vadd.f32 v15, v19;
	v18 =	vmul.f32 v14, v14;
	v16 =	vmul.f32 v5, v5  }
0x1c0: {  	v10 =	vadd.f32 v10, v20;
	v11 =	vadd.f32 v11, v22;
	v19 =	vperm.xlane v8, v2  }
0x1c1: {  	v20 =	vmul.f32 v31, v31;
	v16 =	vadd.f32 v18, v16;
	v18 =	vmul.f32 v28, v28  }
0x1c2: {  	v17 =	vadd.f32 v23, v17;
	v22 =	vperm.xlane v11, v2;
	v8 =	vadd.f32 v8, v19  }
0x1c3: {  	v19 =	vadd.f32 v20, v21;
	v20 =	vperm.xlane v16, v0;
	v12 =	vadd.f32 v18, v12  }
0x1c4: {  	v11 =	vadd.f32 v11, v22;
	v22 =	vperm.xlane v15, v1;
	v21 =	vperm.xlane v8, v3  }
0x1c5: {  	v18 =	vperm.xlane v19, v0;
	v16 =	vadd.f32 v16, v20;
	v20 =	vperm.xlane v10, v0  }
0x1c6: {  	v23 =	vperm.xlane v11, v3;
	v15 =	vadd.f32 v15, v22;
	v8 =	vadd.f32 v8, v21  }
0x1c7: {  	v18 =	vadd.f32 v19, v18;
	v19 =	vperm.xlane v16, v1;
	v10 =	vadd.f32 v10, v20  }
0x1c8: {  	v20 =	vperm.xlane v12, v0;
	v11 =	vadd.f32 v11, v23;
	v23 =	vperm.xlane v15, v2  }
0x1c9: {  	v21 =	vshra.s32 v8, $0x1;
	v8 =	vmul.f32 $5.000000000e-01, v8;
	v60 =	vperm.xlane v18, v1  }
0x1ca: {  	v22 =	vperm.xlane v10, v1;
	v12 =	vadd.f32 v12, v20;
	v20 =	vmul.f32 $5.000000000e-01, v11  }
0x1cb: {  	v11 =	vshra.s32 v11, $0x1;
	v23 =	vadd.f32 v15, v23;
	v21 =	vsub.s32 $0x5F3759DF, v21  }
0x1cc: {  	v36 =	vadd.f32 v16, v19;
	v11 =	vsub.s32 $0x5F3759DF, v11;
	v8 =	vmul.f32 v21, v8  }
0x1cd: {  	v61 =	vperm.xlane v12, v1;
	v15 =	vmul.f32 v11, v20;
	v16 =	vadd.f32 v10, v22  }
0x1ce: {  	v20 =	vperm.xlane v17, v0;
	v18 =	vadd.f32 v18, v60;
	v8 =	vmul.f32 v21, v8  }
0x1cf: {  	v10 =	vmul.f32 v11, v15;
	v19 =	vadd.f32 v12, v61;
	v15 =	vperm.xlane v16, v2  }
0x1d0: {  	v12 =	vadd.f32 v17, v20;
	v17 =	vperm.xlane v23, v3;
	v8 =	vsub.f32 $1.500000000e+00, v8  }
0x1d1: {  	s0 =	simm.s32 $0x10500;
	v37 =	vperm.xlane v36, v2;
	v15 =	vadd.f32 v16, v15;
	v16 =	vperm.xlane v18, v2  }
0x1d2: {  	v22 =	vperm.xlane v19, v2;
	v46 =	vadd.f32 v23, v17;
	v23 =	vld [tilespmem:s0+$0x20];
	v8 =	vmul.f32 v21, v8  }
0x1d3: {  	v21 =	vperm.xlane v12, v1;
	v62 =	vperm.xlane v15, v3;
	v16 =	vadd.f32 v18, v16  }
0x1d4: {  	v19 =	vadd.f32 v19, v22;
	v22 =	vld [tilespmem:s0+$0x80];
	v53 =	vmul.f32 $5.000000000e-01, v46;
	v20 =	vmin.f32 v8, $9.999999950e+11  }
0x1d5: {  	v8 =	vsub.f32 $1.500000000e+00, v10;
	v10 =	vld [tilespmem:s0+$0x10];
	v21 =	vadd.f32 v12, v21;
	v57 =	vperm.xlane v16, v3  }
0x1d6: {  	v12 =	vld [tilespmem:s0+$0xC0];
	v33 =	vmul.f32 v20, v7;
	v34 =	vmul.f32 v20, v9;
	v20 =	vadd.f32 v15, v62  }
0x1d7: {  	v7 =	vld [tilespmem:s0+$0xF0];
	v62 =	vmul.f32 v23, v23;
	v11 =	vmul.f32 v11, v8  }
0x1d8: {  	v15 =	vld [tilespmem:s0+$0x0];
	v18 =	vperm.xlane v21, v2;
	v38 =	vadd.f32 v16, v57;
	v45 =	vmul.f32 $5.000000000e-01, v20  }
0x1d9: {  	v9 =	vld [tilespmem:s0+$0x40];
	v44 =	vshra.s32 v20, $0x1;
	v20 =	vperm.xlane v19, v3;
	v57 =	vmul.f32 v22, v22  }
0x1da: {  	v8 =	vld [tilespmem:s0+$0xE0];
	v63 =	vmin.f32 v11, $9.999999950e+11;
	v51 =	vshra.s32 v38, $0x1;
	v38 =	vmul.f32 $5.000000000e-01, v38  }
0x1db: {  	v16 =	vld [tilespmem:s0+$0x50];
	v60 =	vadd.f32 v21, v18;
	v35 =	vmul.f32 v63, v13;
	v56 =	vmul.f32 v10, v10  }
0x1dc: {  	v11 =	vld [tilespmem:s0+$0xA0];
	v44 =	vsub.s32 $0x5F3759DF, v44;
	v61 =	vmul.f32 v12, v12;
	v32 =	vmul.f32 v63, v32  }
0x1dd: {  	v21 =	vld [tilespmem:s0+$0x30];
	v19 =	vadd.f32 v19, v20;
	v45 =	vmul.f32 v44, v45;
	v58 =	vmul.f32 v7, v7  }
0x1de: {  	v18 =	vld [tilespmem:s0+$0x60];
	v51 =	vsub.s32 $0x5F3759DF, v51;
	v48 =	vperm.xlane v60, v3;
	v49 =	vmul.f32 v15, v15  }
0x1df: {  	v36 =	vadd.f32 v36, v37;
	v13 =	vld [tilespmem:s0+$0xD0];
	v50 =	vmul.f32 v9, v9;
	v38 =	vmul.f32 v51, v38  }
0x1e0: {  	v20 =	vld [tilespmem:s0+$0x90];
	v59 =	vmul.f32 v8, v8;
	v55 =	vshra.s32 v19, $0x1;
	v63 =	vmul.f32 v16, v16  }
0x1e1: {  	v45 =	vmul.f32 v44, v45;
	v40 =	vadd.f32 v56, v49;
	v56 =	vmul.f32 $5.000000000e-01, v19  }
0x1e2: {  	v43 =	vadd.f32 v60, v48;
	v39 =	vsub.s32 $0x5F3759DF, v55;
	v38 =	vmul.f32 v51, v38  }
0x1e3: {  	v17 =	vadd.f32 v58, v59;
	v41 =	vmul.f32 v11, v11;
	v52 =	vmul.f32 v21, v21  }
0x1e4: {  	v49 =	vmul.f32 v18, v18;
	v50 =	vadd.f32 v63, v50;
	v54 =	vmul.f32 v13, v13  }
0x1e5: {  	v19 =	vld [tilespmem:s0+$0x70];
	v45 =	vsub.f32 $1.500000000e+00, v45;
	v60 =	vmul.f32 v20, v20;
	v56 =	vmul.f32 v39, v56  }
0x1e6: {  	v38 =	vsub.f32 $1.500000000e+00, v38;
	v55 =	vperm.xlane v40, v0;
	v47 =	vperm.xlane v17, v0  }
0x1e7: {  	v48 =	vadd.f32 v52, v62;
	v44 =	vmul.f32 v44, v45;
	v42 =	vadd.f32 v54, v61  }
0x1e8: {  	v52 =	vadd.f32 v60, v57;
	v56 =	vmul.f32 v39, v56;
	v47 =	vadd.f32 v17, v47;
	v17 =	vld [tilespmem:s0+$0xB0]  }
0x1e9: {  	v60 =	vshra.s32 v43, $0x1;
	v43 =	vmul.f32 $5.000000000e-01, v43;
	v38 =	vmul.f32 v51, v38  }
0x1ea: {  	v61 =	vperm.xlane v48, v0;
	v62 =	vmul.f32 v19, v19;
	v51 =	vsub.s32 $0x5F3759DF, v60  }
0x1eb: {  	v44 =	vmin.f32 v44, $9.999999950e+11;
	v38 =	vmin.f32 v38, $9.999999950e+11;
	v43 =	vmul.f32 v51, v43  }
0x1ec: {  	v27 =	vmul.f32 v44, v27;
	v48 =	vadd.f32 v48, v61;
	v61 =	vperm.xlane v50, v0  }
0x1ed: {  	v49 =	vadd.f32 v62, v49;
	v62 =	vperm.xlane v52, v0;
	v63 =	vmul.f32 v17, v17  }
0x1ee: {  	v40 =	vadd.f32 v40, v55;
	v30 =	vmul.f32 v38, v30;
	v58 =	vmul.f32 v38, v31  }
0x1ef: {  	v52 =	vadd.f32 v52, v62;
	v41 =	vadd.f32 v63, v41;
	v63 =	vperm.xlane v48, v1  }
0x1f0: {  	v31 =	vperm.xlane v36, v3;
	v38 =	vshra.s32 v46, $0x1;
	v43 =	vmul.f32 v51, v43  }
0x1f1: {  	v50 =	vadd.f32 v50, v61;
	v61 =	vperm.xlane v52, v1;
	v48 =	vadd.f32 v48, v63  }
0x1f2: {  	v46 =	vperm.xlane v40, v1;
	v60 =	vperm.xlane v49, v0;
	v31 =	vadd.f32 v36, v31  }
0x1f3: {  	v43 =	vsub.f32 $1.500000000e+00, v43;
	v52 =	vadd.f32 v52, v61;
	v62 =	vperm.xlane v48, v2  }
0x1f4: {  	v49 =	vadd.f32 v49, v60;
	v57 =	vperm.xlane v50, v1;
	v55 =	vmul.f32 $5.000000000e-01, v31  }
0x1f5: {  	v43 =	vmul.f32 v51, v43;
	v60 =	vperm.xlane v52, v2;
	v63 =	vadd.f32 v48, v62  }
0x1f6: {  	v36 =	vsub.s32 $0x5F3759DF, v38;
	v48 =	vperm.xlane v47, v1;
	v62 =	vperm.xlane v41, v0  }
0x1f7: {  	v54 =	vperm.xlane v49, v1;
	v52 =	vadd.f32 v52, v60;
	v61 =	vperm.xlane v63, v3  }
0x1f8: {  	v41 =	vadd.f32 v41, v62;
	v47 =	vadd.f32 v47, v48;
	v48 =	vshra.s32 v31, $0x1  }
0x1f9: {  	v31 =	vsub.f32 $1.500000000e+00, v56;
	v62 =	vmul.f32 v36, v53;
	v37 =	vadd.f32 v63, v61  }
0x1fa: {  	[tilespmem:s31+$0x20] =	vst v33;
	v33 =	vsub.s32 $0x5F3759DF, v48;
	v63 =	vperm.xlane v52, v3;
	v60 =	vperm.xlane v47, v2  }
0x1fb: {  	v39 =	vmul.f32 v39, v31;
	v59 =	vshra.s32 v37, $0x1;
	v37 =	vmul.f32 $5.000000000e-01, v37  }
0x1fc: {  	v45 =	vadd.f32 v52, v63;
	v31 =	vadd.f32 v47, v60;
	v63 =	vmul.f32 v44, v24  }
0x1fd: {  	v24 =	vmul.f32 v36, v62;
	v60 =	vperm.xlane v42, v0;
	v62 =	vmin.f32 v43, $9.999999950e+11  }
0x1fe: {  	[tilespmem:s31+$0x30] =	vst v34;
	v52 =	vsub.s32 $0x5F3759DF, v59;
	v59 =	vperm.xlane v41, v1;
	v29 =	vmul.f32 v62, v29  }
0x1ff: {  	[tilespmem:s31+$0x80] =	vst v35;
	v61 =	vmul.f32 $5.000000000e-01, v45;
	v37 =	vmul.f32 v52, v37;
	v45 =	vshra.s32 v45, $0x1  }
0x200: {  	[tilespmem:s31+$0x90] =	vst v32;
	v38 =	vsub.f32 $1.500000000e+00, v24;
	v24 =	vadd.f32 v50, v57;
	v57 =	vmul.f32 v33, v55  }
0x201: {  	[tilespmem:s31+$0x0] =	vst v27;
	v34 =	vperm.xlane v31, v3;
	v47 =	vmul.f32 v52, v37;
	v37 =	vsub.s32 $0x5F3759DF, v45  }
0x202: {  	[tilespmem:s31+$0x60] =	vst v30;
	v35 =	vadd.f32 v41, v59;
	v56 =	vmul.f32 v37, v61;
	v61 =	vmin.f32 v39, $9.999999950e+11  }
0x203: {  	[tilespmem:s31+$0x70] =	vst v58;
	v32 =	vmul.f32 v33, v57;
	v30 =	vsub.f32 $1.500000000e+00, v47;
	v27 =	vmul.f32 v61, v28  }
0x204: {  	[tilespmem:s31+$0x10] =	vst v63;
	v39 =	vadd.f32 v40, v46;
	v44 =	vmul.f32 v61, v26;
	v26 =	vperm.xlane v24, v2  }
0x205: {  	[tilespmem:s31+$0xD0] =	vst v29;
	v45 =	vmul.f32 v37, v56;
	v63 =	vmul.f32 v52, v30;
	v30 =	vadd.f32 v42, v60  }
0x206: {  	v40 =	vadd.f32 v49, v54;
	v41 =	vperm.xlane v39, v2;
	[tilespmem:s31+$0xB0] =	vst v27;
	v27 =	vmul.f32 v62, v25  }
0x207: {  	s1 =	simm.s32 $0x8;
	s14 =	simm.s32 $0x10600;
	[tilespmem:s31+$0xA0] =	vst v44;
	v42 =	vsub.f32 $1.500000000e+00, v45;
	v28 =	vmin.f32 v63, $9.999999950e+11;
	v43 =	vperm.xlane v30, v1  }
.LBB2_7:
0x208: {  	v29 =	vld [tilespmem:s14+$0x10];
	s1 =	sadd.s32 $0x8, s1;
	v39 =	vadd.f32 v39, v41;
	v23 =	vmul.f32 v28, v23;
	v36 =	vmul.f32 v36, v38;
	v25 =	vmovc v12  }
0x209: {  	v37 =	vmul.f32 v37, v42;
	v41 =	vperm.xlane v35, v2;
	v38 =	vld [tilespmem:s14+$0xF0];
	p1 =	slt.u32 s1, $0x278;
	v42 =	vadd.f32 v30, v43;
	[tilespmem:s31+$0xC0] =	vst v27  }
0x20a: {  	v12 =	vld [tilespmem:s14+$0xC0];
	v30 =	vperm.xlane v39, v3;
	[tilespmem:s0+$0x20] =	vst v23;
	v23 =	vperm.xlane v40, v2;
	v36 =	vmin.f32 v36, $9.999999950e+11  }
0x20b: {  	v21 =	vmul.f32 v28, v21;
	v32 =	vsub.f32 $1.500000000e+00, v32;
	v37 =	vmin.f32 v37, $9.999999950e+11;
	v43 =	vld [tilespmem:s14+$0xE0]  }
0x20c: {  	v22 =	vmul.f32 v37, v22;
	v27 =	vld [tilespmem:s14+$0xA0];
	v40 =	vadd.f32 v40, v23;
	v23 =	vperm.xlane v42, v2  }
0x20d: {  	v39 =	vadd.f32 v39, v30;
	v44 =	vmul.f32 v29, v29;
	v28 =	vld [tilespmem:s14+$0xD0];
	[tilespmem:s0+$0x30] =	vst v21;
	v21 =	vmul.f32 v33, v32  }
0x20e: {  	v30 =	vld [tilespmem:s14+$0x0];
	v32 =	vperm.xlane v40, v3;
	[tilespmem:s0+$0x80] =	vst v22;
	v33 =	vadd.f32 v42, v23;
	v22 =	vmul.f32 v36, v4  }
0x20f: {  	v23 =	vmul.f32 v38, v38;
	v45 =	vshra.s32 v39, $0x1;
	v4 =	vmovc v7;
	v7 =	vmovc v38;
	v42 =	vld [tilespmem:s14+$0x40];
	v46 =	vmin.f32 v21, $9.999999950e+11  }
0x210: {  	v35 =	vadd.f32 v35, v41;
	v36 =	vmul.f32 v36, v6;
	v21 =	vld [tilespmem:s14+$0x30];
	v38 =	vmul.f32 v43, v43;
	[tilespmem:s31+$0xF0] =	vst v22  }
0x211: {  	v31 =	vadd.f32 v31, v34;
	v39 =	vmul.f32 $5.000000000e-01, v39;
	v6 =	vmovc v8;
	v14 =	vmul.f32 v46, v14;
	v8 =	vmovc v43;
	v41 =	vld [tilespmem:s14+$0x60]  }
0x212: {  	v43 =	vmul.f32 v27, v27;
	v22 =	vld [tilespmem:s14+$0x80];
	v34 =	vadd.f32 v23, v38;
	v38 =	vperm.xlane v35, v3;
	[tilespmem:s31+$0xE0] =	vst v36  }
0x213: {  	v40 =	vadd.f32 v40, v32;
	v46 =	vmul.f32 v46, v5;
	v36 =	vmul.f32 v12, v12;
	v23 =	vld [tilespmem:s14+$0x20];
	[tilespmem:s31+$0x50] =	vst v14  }
0x214: {  	v5 =	vmovc v9;
	v32 =	vld [tilespmem:s14+$0xB0];
	v52 =	vperm.xlane v34, v0;
	v35 =	vadd.f32 v35, v38;
	v38 =	vperm.xlane v33, v3  }
0x215: {  	v50 =	vshra.s32 v40, $0x1;
	v47 =	vmul.f32 v30, v30;
	v48 =	vmul.f32 v42, v42;
	v9 =	vmovc v42;
	v49 =	vld [tilespmem:s14+$0x70];
	[tilespmem:s31+$0x40] =	vst v46;
	s31 =	smov.u32 s0;
	s0 =	smov.u32 s14  }
0x216: {  	v51 =	vmul.f32 $5.000000000e-01, v31;
	v14 =	vmovc v16;
	v42 =	vmul.f32 v21, v21;
	v46 =	vadd.f32 v34, v52;
	v16 =	vld [tilespmem:s14+$0x50]  }
0x217: {  	v44 =	vadd.f32 v44, v47;
	v47 =	vmul.f32 v41, v41;
	v34 =	vshra.s32 v35, $0x1;
	v52 =	vld [tilespmem:s14+$0x90]  }
0x218: {  	v45 =	vsub.s32 $0x5F3759DF, v45;
	v53 =	vmul.f32 v28, v28;
	v35 =	vmul.f32 $5.000000000e-01, v35  }
0x219: {  	v40 =	vmul.f32 $5.000000000e-01, v40;
	v33 =	vadd.f32 v33, v38;
	v54 =	vmul.f32 v22, v22  }
0x21a: {  	v58 =	vmul.f32 v37, v20;
	v55 =	vsub.s32 $0x5F3759DF, v34;
	v38 =	vmul.f32 v23, v23  }
0x21b: {  	v50 =	vsub.s32 $0x5F3759DF, v50;
	v35 =	vmul.f32 v55, v35;
	v37 =	vmul.f32 v16, v16  }
0x21c: {  	v40 =	vmul.f32 v50, v40;
	v38 =	vadd.f32 v42, v38;
	v42 =	vmul.f32 v52, v52;
	[tilespmem:s31+$0x90] =	vst v58  }
0x21d: {  	v34 =	vadd.f32 v53, v36;
	v57 =	vmul.f32 v32, v32;
	v56 =	vmul.f32 v49, v49;
	v20 =	vmovc v52  }
0x21e: {  	v40 =	vmul.f32 v50, v40;
	v36 =	vperm.xlane v38, v0;
	v42 =	vadd.f32 v42, v54  }
0x21f: {  	v39 =	vmul.f32 v45, v39;
	v37 =	vadd.f32 v37, v48;
	v48 =	vshra.s32 v33, $0x1  }
0x220: {  	v35 =	vmul.f32 v55, v35;
	v36 =	vadd.f32 v38, v36;
	v38 =	vperm.xlane v42, v0  }
0x221: {  	v40 =	vsub.f32 $1.500000000e+00, v40;
	v47 =	vadd.f32 v56, v47;
	v52 =	vperm.xlane v37, v0  }
0x222: {  	v43 =	vadd.f32 v57, v43;
	v33 =	vmul.f32 $5.000000000e-01, v33;
	v53 =	vperm.xlane v36, v1  }
0x223: {  	v52 =	vadd.f32 v37, v52;
	v37 =	vadd.f32 v42, v38;
	v38 =	vmul.f32 v45, v39  }
0x224: {  	v40 =	vmul.f32 v50, v40;
	v39 =	vperm.xlane v44, v0;
	v42 =	vsub.s32 $0x5F3759DF, v48  }
0x225: {  	v36 =	vadd.f32 v36, v53;
	v48 =	vperm.xlane v47, v0;
	v50 =	vperm.xlane v37, v1  }
0x226: {  	v40 =	vmin.f32 v40, $9.999999950e+11;
	v33 =	vmul.f32 v42, v33;
	v38 =	vsub.f32 $1.500000000e+00, v38  }
0x227: {  	v24 =	vadd.f32 v24, v26;
	v53 =	vperm.xlane v36, v2;
	v47 =	vadd.f32 v47, v48  }
0x228: {  	v26 =	vperm.xlane v52, v1;
	v48 =	vmul.f32 v40, v18;
	v18 =	vmovc v41;
	v37 =	vadd.f32 v37, v50  }
0x229: {  	v41 =	vperm.xlane v46, v1;
	v36 =	vadd.f32 v36, v53;
	v50 =	vperm.xlane v24, v3  }
0x22a: {  	v31 =	vshra.s32 v31, $0x1;
	v40 =	vmul.f32 v40, v19;
	v19 =	vmovc v49;
	v53 =	vperm.xlane v37, v2;
	[tilespmem:s31+$0x60] =	vst v48  }
0x22b: {  	v39 =	vadd.f32 v44, v39;
	v44 =	vperm.xlane v36, v3;
	v48 =	vperm.xlane v47, v1  }
0x22c: {  	v49 =	vperm.xlane v43, v0;
	v24 =	vadd.f32 v24, v50;
	v37 =	vadd.f32 v37, v53;
	[tilespmem:s31+$0x70] =	vst v40  }
0x22d: {  	v38 =	vmul.f32 v45, v38;
	v36 =	vadd.f32 v36, v44;
	v40 =	vperm.xlane v39, v1  }
0x22e: {  	v43 =	vadd.f32 v43, v49;
	v45 =	vmul.f32 $5.000000000e-01, v24;
	v44 =	vperm.xlane v37, v3  }
0x22f: {  	v41 =	vadd.f32 v46, v41;
	v24 =	vshra.s32 v24, $0x1;
	v49 =	vshra.s32 v36, $0x1  }
0x230: {  	v33 =	vmul.f32 v42, v33;
	v46 =	vmul.f32 $5.000000000e-01, v36;
	v37 =	vadd.f32 v37, v44  }
0x231: {  	v36 =	vsub.s32 $0x5F3759DF, v31;
	v44 =	vsub.s32 $0x5F3759DF, v49;
	v49 =	vperm.xlane v43, v1  }
0x232: {  	v53 =	vsub.f32 $1.500000000e+00, v33;
	v31 =	vmul.f32 v36, v51;
	v50 =	vmul.f32 $5.000000000e-01, v37  }
0x233: {  	v33 =	vmul.f32 v44, v46;
	v46 =	vmin.f32 v38, $9.999999950e+11;
	v37 =	vshra.s32 v37, $0x1  }
0x234: {  	v35 =	vsub.f32 $1.500000000e+00, v35;
	v38 =	vperm.xlane v41, v2;
	v51 =	vmul.f32 v46, v10;
	v10 =	vmovc v29  }
0x235: {  	v29 =	vmul.f32 v44, v33;
	v33 =	vsub.s32 $0x5F3759DF, v24;
	v24 =	vmul.f32 v36, v31  }
0x236: {  	v35 =	vmul.f32 v55, v35;
	v37 =	vsub.s32 $0x5F3759DF, v37;
	v31 =	vadd.f32 v41, v38;
	[tilespmem:s31+$0x10] =	vst v51  }
0x237: {  	v42 =	vmul.f32 v42, v53;
	v41 =	vmul.f32 v37, v50;
	v38 =	vsub.f32 $1.500000000e+00, v24  }
0x238: {  	v45 =	vmul.f32 v33, v45;
	v24 =	vadd.f32 v52, v26;
	v26 =	vmul.f32 v46, v15;
	v15 =	vmovc v30  }
0x239: {  	v29 =	vsub.f32 $1.500000000e+00, v29;
	v30 =	vperm.xlane v34, v0;
	v46 =	vmin.f32 v35, $9.999999950e+11  }
0x23a: {  	v35 =	vadd.f32 v43, v49;
	v49 =	vmin.f32 v42, $9.999999950e+11;
	v50 =	vmul.f32 v37, v41;
	[tilespmem:s31+$0x0] =	vst v26  }
.Ltmp4:
0x23b: {  	v39 =	vadd.f32 v39, v40;
	v26 =	vmul.f32 v44, v29;
	v29 =	vmul.f32 v49, v13;
	v13 =	vmovc v28;
	(pc) =	sbr.rel @p1 .LBB2_7-.Ltmp4, $4  }
0x23c: {  	v40 =	vmul.f32 v46, v17;
	v17 =	vmovc v32;
	v30 =	vadd.f32 v34, v30;
	v34 =	vperm.xlane v31, v3  }
0x23d: {  	v41 =	vperm.xlane v39, v2;
	v44 =	vmul.f32 v46, v11;
	v11 =	vmovc v27;
	v28 =	vmin.f32 v26, $9.999999950e+11;
	[tilespmem:s31+$0xD0] =	vst v29  }
0x23e: {  	v32 =	vmul.f32 v33, v45;
	v42 =	vsub.f32 $1.500000000e+00, v50;
	v26 =	vperm.xlane v24, v2;
	[tilespmem:s31+$0xB0] =	vst v40  }
0x23f: {  	s14 =	sadd.s32 $0x100, s14;
	v43 =	vperm.xlane v30, v1;
	v27 =	vmul.f32 v49, v25;
	v40 =	vadd.f32 v47, v48;
	[tilespmem:s31+$0xA0] =	vst v44  }
0x240: {  	v23 =	vmul.f32 v28, v23  }
0x241: {  	v25 =	vadd.f32 v39, v41;
	v29 =	vmul.f32 v36, v38;
	v37 =	vmul.f32 v37, v42  }
0x242: {  	v48 =	vperm.xlane v35, v2;
	v32 =	vsub.f32 $1.500000000e+00, v32;
	v47 =	vperm.xlane v40, v2  }
0x243: {  	v21 =	vmul.f32 v28, v21;
	v31 =	vadd.f32 v31, v34;
	v30 =	vadd.f32 v30, v43  }
0x244: {  	v39 =	vperm.xlane v25, v3;
	v32 =	vmul.f32 v33, v32;
	v28 =	vadd.f32 v40, v47  }
0x245: {  	v49 =	vmin.f32 v37, $9.999999950e+11;
	v56 =	vmul.f32 $5.000000000e-01, v31;
	v50 =	vperm.xlane v30, v2  }
0x246: {  	v29 =	vmin.f32 v29, $9.999999950e+11;
	v22 =	vmul.f32 v49, v22;
	v40 =	vperm.xlane v28, v3  }
0x247: {  	v51 =	vadd.f32 v35, v48;
	v4 =	vmul.f32 v29, v4;
	v6 =	vmul.f32 v29, v6  }
0x248: {  	v25 =	vadd.f32 v25, v39;
	v32 =	vmin.f32 v32, $9.999999950e+11;
	v28 =	vadd.f32 v28, v40  }
0x249: {  	v35 =	vperm.xlane v51, v3;
	v30 =	vadd.f32 v30, v50;
	v14 =	vmul.f32 v32, v14  }
0x24a: {  	v5 =	vmul.f32 v32, v5;
	v52 =	vshra.s32 v28, $0x1;
	v28 =	vmul.f32 $5.000000000e-01, v28  }
0x24b: {  	v29 =	vmul.f32 $5.000000000e-01, v25;
	v25 =	vshra.s32 v25, $0x1;
	v53 =	vsub.s32 $0x5F3759DF, v52  }
0x24c: {  	v54 =	vadd.f32 v51, v35;
	v25 =	vsub.s32 $0x5F3759DF, v25;
	v28 =	vmul.f32 v53, v28  }
0x24d: {  	v24 =	vadd.f32 v24, v26;
	v55 =	vperm.xlane v30, v3;
	v29 =	vmul.f32 v25, v29  }
0x24e: {  	v57 =	vshra.s32 v54, $0x1;
	v32 =	vmul.f32 $5.000000000e-01, v54;
	v28 =	vmul.f32 v53, v28  }
0x24f: {  	v30 =	vadd.f32 v30, v55;
	v58 =	vsub.s32 $0x5F3759DF, v57;
	v29 =	vmul.f32 v25, v29  }
0x250: {  	[tilespmem:s31+$0xC0] =	vst v27;
	v20 =	vmul.f32 v49, v20;
	v32 =	vmul.f32 v58, v32;
	v28 =	vsub.f32 $1.500000000e+00, v28  }
0x251: {  	[tilespmem:s0+$0x20] =	vst v23;
	v59 =	vshra.s32 v30, $0x1;
	v27 =	vmul.f32 $5.000000000e-01, v30;
	v29 =	vsub.f32 $1.500000000e+00, v29  }
0x252: {  	[tilespmem:s0+$0x30] =	vst v21;
	v23 =	vmul.f32 v58, v32;
	v26 =	vsub.s32 $0x5F3759DF, v59;
	v28 =	vmul.f32 v53, v28  }
0x253: {  	[tilespmem:s31+$0xE0] =	vst v6;
	v27 =	vmul.f32 v26, v27;
	v6 =	vmul.f32 v25, v29  }
0x254: {  	[tilespmem:s31+$0x40] =	vst v5;
	v5 =	vsub.f32 $1.500000000e+00, v23;
	v21 =	vmin.f32 v28, $9.999999950e+11;
	v28 =	vperm.xlane v24, v3  }
0x255: {  	[tilespmem:s0+$0x80] =	vst v22;
	v22 =	vmul.f32 v26, v27;
	v6 =	vmin.f32 v6, $9.999999950e+11;
	v18 =	vmul.f32 v21, v18  }
0x256: {  	[tilespmem:s31+$0xF0] =	vst v4;
	v19 =	vmul.f32 v21, v19;
	v21 =	vshra.s32 v31, $0x1;
	v4 =	vadd.f32 v24, v28  }
0x257: {  	v5 =	vmul.f32 v58, v5;
	v22 =	vsub.f32 $1.500000000e+00, v22;
	v21 =	vsub.s32 $0x5F3759DF, v21  }
0x258: {  	[tilespmem:s31+$0x50] =	vst v14;
	v24 =	vmul.f32 v21, v56;
	v14 =	vmul.f32 $5.000000000e-01, v4;
	v4 =	vshra.s32 v4, $0x1  }
0x259: {  	v10 =	vmul.f32 v6, v10;
	v6 =	vmul.f32 v6, v15;
	v4 =	vsub.s32 $0x5F3759DF, v4  }
0x25a: {  	[tilespmem:s0+$0x90] =	vst v20;
	v23 =	vmul.f32 v21, v24;
	v14 =	vmul.f32 v4, v14  }
0x25b: {  	v5 =	vmin.f32 v5, $9.999999950e+11;
	v20 =	vmul.f32 v26, v22;
	[tilespmem:s0+$0x0] =	vst v6  }
0x25c: {  	v6 =	vmul.f32 v5, v17;
	[tilespmem:s0+$0x60] =	vst v18;
	v18 =	vsub.f32 $1.500000000e+00, v23;
	v14 =	vmul.f32 v4, v14  }
0x25d: {  	[tilespmem:s0+$0x10] =	vst v10;
	v5 =	vmul.f32 v5, v11;
	v15 =	vmin.f32 v20, $9.999999950e+11  }
0x25e: {  	[tilespmem:s0+$0xB0] =	vst v6;
	v10 =	vmul.f32 v15, v13;
	v13 =	vmul.f32 v21, v18;
	v14 =	vsub.f32 $1.500000000e+00, v14  }
0x25f: {  	[tilespmem:s0+$0xA0] =	vst v5  }
0x260: {  	v6 =	vmul.f32 v15, v12;
	[tilespmem:s0+$0xD0] =	vst v10;
	v10 =	vmin.f32 v13, $9.999999950e+11;
	v4 =	vmul.f32 v4, v14  }
0x261: {  	[tilespmem:s0+$0x70] =	vst v19;
	v5 =	vmul.f32 v10, v7  }
0x262: {  	[tilespmem:s0+$0xC0] =	vst v6;
	v6 =	vmul.f32 v10, v8;
	v4 =	vmin.f32 v4, $9.999999950e+11  }
0x263: {  	s1 =	sadd.s32 s29, s8;
	[tilespmem:s0+$0xF0] =	vst v5;
	v5 =	vmul.f32 v4, v16  }
0x264: {  	s1 =	sshll.u32 s1, $0x2;
	[tilespmem:s0+$0xE0] =	vst v6;
	v4 =	vmul.f32 v4, v9  }
0x265: {  	s1 =	sand.u32 $0x1FFFFC00, s1;
	[tilespmem:s0+$0x50] =	vst v5  }
0x266: {  	s31 =	sadd.s32 s2, s1;
	[tilespmem:s0+$0x40] =	vst v4;
	s0 =	simm.s32 @!p0 $0x6  }
0x267: {  	[hbm4b:s31+s3] =	stream.linear.scatter [tilespmem:s15], [sflag:$0x7], $0x5000, $0x38;
	[tilespmem:$0x1A400] =	vst v63  }
0x268: {  	_ =	swait.ge @!p0 [sflag:s0], $0x5000  }
0x269: {  	s14 =	simm.s32 @!p0 $0xB400;
	[sflag:s0] =	ssyncset.done @!p0 $0x0  }
0x26a: {  	s1 =	simm.s32 @!p0 $0x280;
	[sflag:s0] =	ssyncadd.s32 @!p0 $0xFFFFB000;
	s0 =	sadd.s32 @!p0 $0xC80, s30  }
0x26b: {  	[tilespmem:s14], [sflag:$0x2] =	stream.indirect.gather @!p0 [hbm4b:s5+s1], $0x20, s0, s1, $0xb8;
	[tilespmem:$0x1A400] =	vst v63  }
0x26c: {  	_ =	swait.ge [sflag:s20], $0x5000  }
0x26d: {  	[sflag:s20] =	ssyncset.done $0x0  }
0x26e: {  	s29 =	simm.s32 $0x15400;
	[sflag:s20] =	ssyncadd.s32 $0xFFFFB000  }
0x26f: {  	v9 =	vld [tilespmem:s29+$0x30]  }
0x270: {  	v7 =	vld [tilespmem:s29+$0x20]  }
0x271: {  	v13 =	vld [tilespmem:s29+$0x80]  }
0x272: {  	v32 =	vld [tilespmem:s29+$0x90]  }
0x273: {  	v4 =	vld [tilespmem:s29+$0xF0]  }
0x274: {  	v6 =	vld [tilespmem:s29+$0xE0]  }
0x275: {  	v24 =	vld [tilespmem:s29+$0x10]  }
0x276: {  	v25 =	vld [tilespmem:s29+$0xC0];
	v5 =	vmul.f32 v9, v9;
	v8 =	vmul.f32 v7, v7  }
0x277: {  	v27 =	vld [tilespmem:s29+$0x0];
	v11 =	vmul.f32 v13, v13;
	v12 =	vmul.f32 v32, v32  }
0x278: {  	v30 =	vld [tilespmem:s29+$0x60];
	v8 =	vadd.f32 v5, v8  }
0x279: {  	v29 =	vld [tilespmem:s29+$0xD0];
	v15 =	vmul.f32 v4, v4;
	v16 =	vmul.f32 v6, v6;
	v11 =	vadd.f32 v12, v11  }
0x27a: {  	v14 =	vld [tilespmem:s29+$0x50];
	v10 =	vperm.xlane v8, v0  }
0x27b: {  	v5 =	vld [tilespmem:s29+$0x40];
	v15 =	vadd.f32 v15, v16;
	v18 =	vperm.xlane v11, v0  }
0x27c: {  	v26 =	vld [tilespmem:s29+$0xA0];
	v17 =	vmul.f32 v25, v25;
	v20 =	vmul.f32 v27, v27;
	v8 =	vadd.f32 v8, v10  }
0x27d: {  	v31 =	vld [tilespmem:s29+$0x70];
	v21 =	vmul.f32 v30, v30;
	v19 =	vperm.xlane v15, v0;
	v11 =	vadd.f32 v11, v18  }
0x27e: {  	v28 =	vld [tilespmem:s29+$0xB0];
	v23 =	vmul.f32 v29, v29;
	v16 =	vperm.xlane v8, v1  }
0x27f: {  	v10 =	vmul.f32 v24, v24;
	v15 =	vadd.f32 v15, v19;
	v22 =	vperm.xlane v11, v1  }
0x280: {  	v18 =	vmul.f32 v14, v14;
	v8 =	vadd.f32 v8, v16;
	v16 =	vmul.f32 v5, v5  }
0x281: {  	v12 =	vmul.f32 v26, v26;
	v10 =	vadd.f32 v10, v20;
	v11 =	vadd.f32 v11, v22  }
0x282: {  	v20 =	vmul.f32 v31, v31;
	v19 =	vperm.xlane v8, v2;
	v16 =	vadd.f32 v18, v16  }
0x283: {  	v17 =	vadd.f32 v23, v17;
	v18 =	vmul.f32 v28, v28;
	v22 =	vperm.xlane v11, v2  }
0x284: {  	v8 =	vadd.f32 v8, v19;
	v19 =	vadd.f32 v20, v21;
	v20 =	vperm.xlane v16, v0  }
0x285: {  	v12 =	vadd.f32 v18, v12;
	v11 =	vadd.f32 v11, v22;
	v22 =	vperm.xlane v15, v1  }
0x286: {  	v21 =	vperm.xlane v8, v3;
	v18 =	vperm.xlane v19, v0;
	v16 =	vadd.f32 v16, v20  }
0x287: {  	v20 =	vperm.xlane v10, v0;
	v23 =	vperm.xlane v11, v3;
	v15 =	vadd.f32 v15, v22  }
0x288: {  	v8 =	vadd.f32 v8, v21;
	v18 =	vadd.f32 v19, v18;
	v19 =	vperm.xlane v16, v1  }
0x289: {  	v10 =	vadd.f32 v10, v20;
	v20 =	vperm.xlane v12, v0;
	v11 =	vadd.f32 v11, v23  }
0x28a: {  	v23 =	vperm.xlane v15, v2;
	v21 =	vshra.s32 v8, $0x1;
	v8 =	vmul.f32 $5.000000000e-01, v8  }
0x28b: {  	v60 =	vperm.xlane v18, v1;
	v22 =	vperm.xlane v10, v1;
	v12 =	vadd.f32 v12, v20  }
0x28c: {  	v20 =	vmul.f32 $5.000000000e-01, v11;
	v11 =	vshra.s32 v11, $0x1;
	v21 =	vsub.s32 $0x5F3759DF, v21  }
0x28d: {  	v11 =	vsub.s32 $0x5F3759DF, v11;
	v8 =	vmul.f32 v21, v8;
	v61 =	vperm.xlane v12, v1  }
0x28e: {  	v23 =	vadd.f32 v15, v23;
	v15 =	vmul.f32 v11, v20;
	v20 =	vperm.xlane v17, v0  }
0x28f: {  	v36 =	vadd.f32 v16, v19;
	v16 =	vadd.f32 v10, v22;
	v8 =	vmul.f32 v21, v8  }
0x290: {  	v10 =	vmul.f32 v11, v15;
	v19 =	vadd.f32 v12, v61;
	v12 =	vadd.f32 v17, v20  }
0x291: {  	v18 =	vadd.f32 v18, v60;
	v17 =	vperm.xlane v23, v3;
	v15 =	vperm.xlane v16, v2  }
0x292: {  	v37 =	vperm.xlane v36, v2;
	v8 =	vsub.f32 $1.500000000e+00, v8;
	v22 =	vperm.xlane v12, v1  }
0x293: {  	s30 =	simm.s32 $0x15500;
	v15 =	vadd.f32 v16, v15;
	v16 =	vperm.xlane v18, v2;
	v46 =	vadd.f32 v23, v17  }
0x294: {  	v23 =	vld [tilespmem:s30+$0x20];
	v8 =	vmul.f32 v21, v8;
	v21 =	vsub.f32 $1.500000000e+00, v10;
	v22 =	vadd.f32 v12, v22  }
0x295: {  	v10 =	vld [tilespmem:s30+$0x10];
	v62 =	vperm.xlane v15, v3;
	v16 =	vadd.f32 v18, v16;
	v53 =	vmul.f32 $5.000000000e-01, v46  }
0x296: {  	v12 =	vld [tilespmem:s30+$0xC0];
	v11 =	vmul.f32 v11, v21;
	v21 =	vperm.xlane v19, v2  }
0x297: {  	v20 =	vmin.f32 v8, $9.999999950e+11;
	v8 =	vld [tilespmem:s30+$0xF0];
	v18 =	vperm.xlane v22, v2;
	v57 =	vperm.xlane v16, v3  }
0x298: {  	v33 =	vmul.f32 v20, v7;
	v7 =	vld [tilespmem:s30+$0xE0];
	v34 =	vmul.f32 v20, v9  }
0x299: {  	v20 =	vadd.f32 v15, v62;
	v15 =	vld [tilespmem:s30+$0x0];
	v62 =	vmul.f32 v23, v23;
	v63 =	vmin.f32 v11, $9.999999950e+11  }
0x29a: {  	v9 =	vld [tilespmem:s30+$0x40];
	v19 =	vadd.f32 v19, v21;
	v60 =	vadd.f32 v22, v18;
	v35 =	vmul.f32 v63, v13  }
0x29b: {  	v11 =	vld [tilespmem:s30+$0xA0];
	v38 =	vadd.f32 v16, v57;
	v56 =	vmul.f32 v10, v10;
	v45 =	vmul.f32 $5.000000000e-01, v20  }
0x29c: {  	v21 =	vld [tilespmem:s30+$0x30];
	v44 =	vshra.s32 v20, $0x1;
	v61 =	vmul.f32 v12, v12;
	v32 =	vmul.f32 v63, v32  }
0x29d: {  	v22 =	vld [tilespmem:s30+$0x80];
	v20 =	vperm.xlane v19, v3;
	v48 =	vperm.xlane v60, v3;
	v51 =	vshra.s32 v38, $0x1  }
0x29e: {  	v16 =	vld [tilespmem:s30+$0x50];
	v38 =	vmul.f32 $5.000000000e-01, v38;
	v44 =	vsub.s32 $0x5F3759DF, v44;
	v58 =	vmul.f32 v8, v8  }
0x29f: {  	v18 =	vld [tilespmem:s30+$0x60];
	v45 =	vmul.f32 v44, v45;
	v59 =	vmul.f32 v7, v7  }
0x2a0: {  	v13 =	vld [tilespmem:s30+$0xD0];
	v51 =	vsub.s32 $0x5F3759DF, v51;
	v49 =	vmul.f32 v15, v15;
	v50 =	vmul.f32 v9, v9  }
0x2a1: {  	v36 =	vadd.f32 v36, v37;
	v38 =	vmul.f32 v51, v38;
	v41 =	vmul.f32 v11, v11  }
0x2a2: {  	v19 =	vadd.f32 v19, v20;
	v52 =	vmul.f32 v21, v21;
	v57 =	vmul.f32 v22, v22  }
0x2a3: {  	v43 =	vadd.f32 v60, v48;
	v63 =	vmul.f32 v16, v16;
	v45 =	vmul.f32 v44, v45  }
0x2a4: {  	v20 =	vld [tilespmem:s30+$0x90];
	v17 =	vadd.f32 v58, v59;
	v40 =	vadd.f32 v56, v49;
	v49 =	vmul.f32 v18, v18  }
0x2a5: {  	v54 =	vmul.f32 v13, v13;
	v55 =	vshra.s32 v19, $0x1;
	v56 =	vmul.f32 $5.000000000e-01, v19  }
0x2a6: {  	v38 =	vmul.f32 v51, v38;
	v39 =	vsub.s32 $0x5F3759DF, v55;
	v48 =	vadd.f32 v52, v62  }
0x2a7: {  	v19 =	vld [tilespmem:s30+$0x70];
	v50 =	vadd.f32 v63, v50;
	v45 =	vsub.f32 $1.500000000e+00, v45;
	v47 =	vperm.xlane v17, v0  }
0x2a8: {  	v56 =	vmul.f32 v39, v56;
	v42 =	vadd.f32 v54, v61;
	v55 =	vperm.xlane v40, v0  }
0x2a9: {  	v38 =	vsub.f32 $1.500000000e+00, v38;
	v60 =	vmul.f32 v20, v20;
	v61 =	vperm.xlane v48, v0  }
0x2aa: {  	v44 =	vmul.f32 v44, v45;
	v47 =	vadd.f32 v17, v47;
	v17 =	vld [tilespmem:s30+$0xB0];
	v56 =	vmul.f32 v39, v56  }
0x2ab: {  	v38 =	vmul.f32 v51, v38;
	v40 =	vadd.f32 v40, v55;
	v52 =	vadd.f32 v60, v57  }
0x2ac: {  	v62 =	vmul.f32 v19, v19;
	v48 =	vadd.f32 v48, v61;
	v60 =	vshra.s32 v43, $0x1  }
0x2ad: {  	v61 =	vperm.xlane v50, v0;
	v43 =	vmul.f32 $5.000000000e-01, v43;
	v44 =	vmin.f32 v44, $9.999999950e+11  }
0x2ae: {  	v51 =	vsub.s32 $0x5F3759DF, v60;
	v38 =	vmin.f32 v38, $9.999999950e+11;
	v27 =	vmul.f32 v44, v27  }
0x2af: {  	v49 =	vadd.f32 v62, v49;
	v62 =	vperm.xlane v52, v0;
	v63 =	vmul.f32 v17, v17  }
0x2b0: {  	v50 =	vadd.f32 v50, v61;
	v43 =	vmul.f32 v51, v43;
	v30 =	vmul.f32 v38, v30  }
0x2b1: {  	v52 =	vadd.f32 v52, v62;
	v41 =	vadd.f32 v63, v41;
	v63 =	vperm.xlane v48, v1  }
0x2b2: {  	v58 =	vmul.f32 v38, v31;
	v31 =	vperm.xlane v36, v3;
	v38 =	vshra.s32 v46, $0x1  }
0x2b3: {  	v60 =	vperm.xlane v49, v0;
	v61 =	vperm.xlane v52, v1;
	v48 =	vadd.f32 v48, v63  }
0x2b4: {  	v46 =	vperm.xlane v40, v1;
	v31 =	vadd.f32 v36, v31;
	v43 =	vmul.f32 v51, v43  }
0x2b5: {  	v49 =	vadd.f32 v49, v60;
	v52 =	vadd.f32 v52, v61;
	v62 =	vperm.xlane v48, v2  }
0x2b6: {  	v57 =	vperm.xlane v50, v1;
	v55 =	vmul.f32 $5.000000000e-01, v31;
	v43 =	vsub.f32 $1.500000000e+00, v43  }
0x2b7: {  	v54 =	vperm.xlane v49, v1;
	v60 =	vperm.xlane v52, v2;
	v63 =	vadd.f32 v48, v62  }
0x2b8: {  	v36 =	vsub.s32 $0x5F3759DF, v38;
	v48 =	vperm.xlane v47, v1;
	v62 =	vperm.xlane v41, v0  }
0x2b9: {  	v43 =	vmul.f32 v51, v43;
	v52 =	vadd.f32 v52, v60;
	v61 =	vperm.xlane v63, v3  }
0x2ba: {  	v41 =	vadd.f32 v41, v62;
	v47 =	vadd.f32 v47, v48;
	v48 =	vshra.s32 v31, $0x1  }
0x2bb: {  	v31 =	vsub.f32 $1.500000000e+00, v56;
	v62 =	vmul.f32 v36, v53;
	v37 =	vadd.f32 v63, v61  }
0x2bc: {  	[tilespmem:s29+$0x20] =	vst v33;
	v33 =	vsub.s32 $0x5F3759DF, v48;
	v63 =	vperm.xlane v52, v3;
	v60 =	vperm.xlane v47, v2  }
0x2bd: {  	v39 =	vmul.f32 v39, v31;
	v59 =	vshra.s32 v37, $0x1;
	v37 =	vmul.f32 $5.000000000e-01, v37  }
0x2be: {  	v45 =	vadd.f32 v52, v63;
	v31 =	vadd.f32 v47, v60;
	v63 =	vmul.f32 v44, v24  }
0x2bf: {  	v24 =	vmul.f32 v36, v62;
	v60 =	vperm.xlane v42, v0;
	v62 =	vmin.f32 v43, $9.999999950e+11  }
0x2c0: {  	[tilespmem:s29+$0x30] =	vst v34;
	v52 =	vsub.s32 $0x5F3759DF, v59;
	v59 =	vperm.xlane v41, v1;
	v29 =	vmul.f32 v62, v29  }
0x2c1: {  	[tilespmem:s29+$0x80] =	vst v35;
	v61 =	vmul.f32 $5.000000000e-01, v45;
	v37 =	vmul.f32 v52, v37;
	v45 =	vshra.s32 v45, $0x1  }
0x2c2: {  	[tilespmem:s29+$0x90] =	vst v32;
	v38 =	vsub.f32 $1.500000000e+00, v24;
	v24 =	vadd.f32 v50, v57;
	v57 =	vmul.f32 v33, v55  }
0x2c3: {  	[tilespmem:s29+$0x0] =	vst v27;
	v34 =	vperm.xlane v31, v3;
	v47 =	vmul.f32 v52, v37;
	v37 =	vsub.s32 $0x5F3759DF, v45  }
0x2c4: {  	[tilespmem:s29+$0x60] =	vst v30;
	v35 =	vadd.f32 v41, v59;
	v56 =	vmul.f32 v37, v61;
	v61 =	vmin.f32 v39, $9.999999950e+11  }
0x2c5: {  	[tilespmem:s29+$0x70] =	vst v58;
	v32 =	vmul.f32 v33, v57;
	v30 =	vsub.f32 $1.500000000e+00, v47;
	v27 =	vmul.f32 v61, v28  }
0x2c6: {  	[tilespmem:s29+$0x10] =	vst v63;
	v39 =	vadd.f32 v40, v46;
	v44 =	vmul.f32 v61, v26;
	v26 =	vperm.xlane v24, v2  }
0x2c7: {  	[tilespmem:s29+$0xD0] =	vst v29;
	v45 =	vmul.f32 v37, v56;
	v63 =	vmul.f32 v52, v30;
	v30 =	vadd.f32 v42, v60  }
0x2c8: {  	v40 =	vadd.f32 v49, v54;
	v41 =	vperm.xlane v39, v2;
	[tilespmem:s29+$0xB0] =	vst v27;
	v27 =	vmul.f32 v62, v25  }
0x2c9: {  	s0 =	simm.s32 $0x8;
	s1 =	simm.s32 $0x15600;
	[tilespmem:s29+$0xA0] =	vst v44;
	v42 =	vsub.f32 $1.500000000e+00, v45;
	v28 =	vmin.f32 v63, $9.999999950e+11;
	v43 =	vperm.xlane v30, v1  }
.LBB2_9:
0x2ca: {  	v29 =	vld [tilespmem:s1+$0x10];
	s0 =	sadd.s32 $0x8, s0;
	v39 =	vadd.f32 v39, v41;
	v23 =	vmul.f32 v28, v23;
	v36 =	vmul.f32 v36, v38;
	v25 =	vmovc v12  }
0x2cb: {  	v37 =	vmul.f32 v37, v42;
	v41 =	vperm.xlane v35, v2;
	v38 =	vld [tilespmem:s1+$0xF0];
	p1 =	slt.u32 s0, $0x278;
	v42 =	vadd.f32 v30, v43;
	[tilespmem:s29+$0xC0] =	vst v27  }
0x2cc: {  	v12 =	vld [tilespmem:s1+$0xC0];
	v30 =	vperm.xlane v39, v3;
	[tilespmem:s30+$0x20] =	vst v23;
	v23 =	vperm.xlane v40, v2;
	v36 =	vmin.f32 v36, $9.999999950e+11  }
0x2cd: {  	v21 =	vmul.f32 v28, v21;
	v32 =	vsub.f32 $1.500000000e+00, v32;
	v37 =	vmin.f32 v37, $9.999999950e+11;
	v43 =	vld [tilespmem:s1+$0xE0]  }
0x2ce: {  	v22 =	vmul.f32 v37, v22;
	v27 =	vld [tilespmem:s1+$0xA0];
	v40 =	vadd.f32 v40, v23;
	v23 =	vperm.xlane v42, v2  }
0x2cf: {  	v39 =	vadd.f32 v39, v30;
	v44 =	vmul.f32 v29, v29;
	v28 =	vld [tilespmem:s1+$0xD0];
	[tilespmem:s30+$0x30] =	vst v21;
	v21 =	vmul.f32 v33, v32  }
0x2d0: {  	v30 =	vld [tilespmem:s1+$0x0];
	v32 =	vperm.xlane v40, v3;
	[tilespmem:s30+$0x80] =	vst v22;
	v33 =	vadd.f32 v42, v23;
	v22 =	vmul.f32 v36, v4  }
0x2d1: {  	v23 =	vmul.f32 v38, v38;
	v45 =	vshra.s32 v39, $0x1;
	v4 =	vmovc v8;
	v8 =	vmovc v38;
	v42 =	vld [tilespmem:s1+$0x40];
	v46 =	vmin.f32 v21, $9.999999950e+11  }
0x2d2: {  	v35 =	vadd.f32 v35, v41;
	v36 =	vmul.f32 v36, v6;
	v21 =	vld [tilespmem:s1+$0x30];
	v38 =	vmul.f32 v43, v43;
	[tilespmem:s29+$0xF0] =	vst v22  }
0x2d3: {  	v31 =	vadd.f32 v31, v34;
	v39 =	vmul.f32 $5.000000000e-01, v39;
	v6 =	vmovc v7;
	v14 =	vmul.f32 v46, v14;
	v7 =	vmovc v43;
	v41 =	vld [tilespmem:s1+$0x60]  }
0x2d4: {  	v43 =	vmul.f32 v27, v27;
	v22 =	vld [tilespmem:s1+$0x80];
	v34 =	vadd.f32 v23, v38;
	v38 =	vperm.xlane v35, v3;
	[tilespmem:s29+$0xE0] =	vst v36  }
0x2d5: {  	v40 =	vadd.f32 v40, v32;
	v46 =	vmul.f32 v46, v5;
	v36 =	vmul.f32 v12, v12;
	v23 =	vld [tilespmem:s1+$0x20];
	[tilespmem:s29+$0x50] =	vst v14  }
0x2d6: {  	v5 =	vmovc v9;
	v32 =	vld [tilespmem:s1+$0xB0];
	v52 =	vperm.xlane v34, v0;
	v35 =	vadd.f32 v35, v38;
	v38 =	vperm.xlane v33, v3  }
0x2d7: {  	v50 =	vshra.s32 v40, $0x1;
	v47 =	vmul.f32 v30, v30;
	v48 =	vmul.f32 v42, v42;
	v9 =	vmovc v42;
	v49 =	vld [tilespmem:s1+$0x70];
	[tilespmem:s29+$0x40] =	vst v46;
	s29 =	smov.u32 s30;
	s30 =	smov.u32 s1  }
0x2d8: {  	v51 =	vmul.f32 $5.000000000e-01, v31;
	v14 =	vmovc v16;
	v42 =	vmul.f32 v21, v21;
	v46 =	vadd.f32 v34, v52;
	v16 =	vld [tilespmem:s1+$0x50]  }
0x2d9: {  	v44 =	vadd.f32 v44, v47;
	v47 =	vmul.f32 v41, v41;
	v34 =	vshra.s32 v35, $0x1;
	v52 =	vld [tilespmem:s1+$0x90]  }
0x2da: {  	v45 =	vsub.s32 $0x5F3759DF, v45;
	v53 =	vmul.f32 v28, v28;
	v35 =	vmul.f32 $5.000000000e-01, v35  }
0x2db: {  	v40 =	vmul.f32 $5.000000000e-01, v40;
	v33 =	vadd.f32 v33, v38;
	v54 =	vmul.f32 v22, v22  }
0x2dc: {  	v58 =	vmul.f32 v37, v20;
	v55 =	vsub.s32 $0x5F3759DF, v34;
	v38 =	vmul.f32 v23, v23  }
0x2dd: {  	v50 =	vsub.s32 $0x5F3759DF, v50;
	v35 =	vmul.f32 v55, v35;
	v37 =	vmul.f32 v16, v16  }
0x2de: {  	v40 =	vmul.f32 v50, v40;
	v38 =	vadd.f32 v42, v38;
	v42 =	vmul.f32 v52, v52;
	[tilespmem:s29+$0x90] =	vst v58  }
0x2df: {  	v34 =	vadd.f32 v53, v36;
	v57 =	vmul.f32 v32, v32;
	v56 =	vmul.f32 v49, v49;
	v20 =	vmovc v52  }
0x2e0: {  	v40 =	vmul.f32 v50, v40;
	v36 =	vperm.xlane v38, v0;
	v42 =	vadd.f32 v42, v54  }
0x2e1: {  	v39 =	vmul.f32 v45, v39;
	v37 =	vadd.f32 v37, v48;
	v48 =	vshra.s32 v33, $0x1  }
0x2e2: {  	v35 =	vmul.f32 v55, v35;
	v36 =	vadd.f32 v38, v36;
	v38 =	vperm.xlane v42, v0  }
0x2e3: {  	v40 =	vsub.f32 $1.500000000e+00, v40;
	v47 =	vadd.f32 v56, v47;
	v52 =	vperm.xlane v37, v0  }
0x2e4: {  	v43 =	vadd.f32 v57, v43;
	v33 =	vmul.f32 $5.000000000e-01, v33;
	v53 =	vperm.xlane v36, v1  }
0x2e5: {  	v52 =	vadd.f32 v37, v52;
	v37 =	vadd.f32 v42, v38;
	v38 =	vmul.f32 v45, v39  }
0x2e6: {  	v40 =	vmul.f32 v50, v40;
	v39 =	vperm.xlane v44, v0;
	v42 =	vsub.s32 $0x5F3759DF, v48  }
0x2e7: {  	v36 =	vadd.f32 v36, v53;
	v48 =	vperm.xlane v47, v0;
	v50 =	vperm.xlane v37, v1  }
0x2e8: {  	v40 =	vmin.f32 v40, $9.999999950e+11;
	v33 =	vmul.f32 v42, v33;
	v38 =	vsub.f32 $1.500000000e+00, v38  }
0x2e9: {  	v24 =	vadd.f32 v24, v26;
	v53 =	vperm.xlane v36, v2;
	v47 =	vadd.f32 v47, v48  }
0x2ea: {  	v26 =	vperm.xlane v52, v1;
	v48 =	vmul.f32 v40, v18;
	v18 =	vmovc v41;
	v37 =	vadd.f32 v37, v50  }
0x2eb: {  	v41 =	vperm.xlane v46, v1;
	v36 =	vadd.f32 v36, v53;
	v50 =	vperm.xlane v24, v3  }
0x2ec: {  	v31 =	vshra.s32 v31, $0x1;
	v40 =	vmul.f32 v40, v19;
	v19 =	vmovc v49;
	v53 =	vperm.xlane v37, v2;
	[tilespmem:s29+$0x60] =	vst v48  }
0x2ed: {  	v39 =	vadd.f32 v44, v39;
	v44 =	vperm.xlane v36, v3;
	v48 =	vperm.xlane v47, v1  }
0x2ee: {  	v49 =	vperm.xlane v43, v0;
	v24 =	vadd.f32 v24, v50;
	v37 =	vadd.f32 v37, v53;
	[tilespmem:s29+$0x70] =	vst v40  }
0x2ef: {  	v38 =	vmul.f32 v45, v38;
	v36 =	vadd.f32 v36, v44;
	v40 =	vperm.xlane v39, v1  }
0x2f0: {  	v43 =	vadd.f32 v43, v49;
	v45 =	vmul.f32 $5.000000000e-01, v24;
	v44 =	vperm.xlane v37, v3  }
0x2f1: {  	v41 =	vadd.f32 v46, v41;
	v24 =	vshra.s32 v24, $0x1;
	v49 =	vshra.s32 v36, $0x1  }
0x2f2: {  	v33 =	vmul.f32 v42, v33;
	v46 =	vmul.f32 $5.000000000e-01, v36;
	v37 =	vadd.f32 v37, v44  }
0x2f3: {  	v36 =	vsub.s32 $0x5F3759DF, v31;
	v44 =	vsub.s32 $0x5F3759DF, v49;
	v49 =	vperm.xlane v43, v1  }
0x2f4: {  	v53 =	vsub.f32 $1.500000000e+00, v33;
	v31 =	vmul.f32 v36, v51;
	v50 =	vmul.f32 $5.000000000e-01, v37  }
0x2f5: {  	v33 =	vmul.f32 v44, v46;
	v46 =	vmin.f32 v38, $9.999999950e+11;
	v37 =	vshra.s32 v37, $0x1  }
0x2f6: {  	v35 =	vsub.f32 $1.500000000e+00, v35;
	v38 =	vperm.xlane v41, v2;
	v51 =	vmul.f32 v46, v10;
	v10 =	vmovc v29  }
0x2f7: {  	v29 =	vmul.f32 v44, v33;
	v33 =	vsub.s32 $0x5F3759DF, v24;
	v24 =	vmul.f32 v36, v31  }
0x2f8: {  	v35 =	vmul.f32 v55, v35;
	v37 =	vsub.s32 $0x5F3759DF, v37;
	v31 =	vadd.f32 v41, v38;
	[tilespmem:s29+$0x10] =	vst v51  }
0x2f9: {  	v42 =	vmul.f32 v42, v53;
	v41 =	vmul.f32 v37, v50;
	v38 =	vsub.f32 $1.500000000e+00, v24  }
0x2fa: {  	v45 =	vmul.f32 v33, v45;
	v24 =	vadd.f32 v52, v26;
	v26 =	vmul.f32 v46, v15;
	v15 =	vmovc v30  }
0x2fb: {  	v29 =	vsub.f32 $1.500000000e+00, v29;
	v30 =	vperm.xlane v34, v0;
	v46 =	vmin.f32 v35, $9.999999950e+11  }
0x2fc: {  	v35 =	vadd.f32 v43, v49;
	v49 =	vmin.f32 v42, $9.999999950e+11;
	v50 =	vmul.f32 v37, v41;
	[tilespmem:s29+$0x0] =	vst v26  }
.Ltmp5:
0x2fd: {  	v39 =	vadd.f32 v39, v40;
	v26 =	vmul.f32 v44, v29;
	v29 =	vmul.f32 v49, v13;
	v13 =	vmovc v28;
	(pc) =	sbr.rel @p1 .LBB2_9-.Ltmp5, $4  }
0x2fe: {  	v40 =	vmul.f32 v46, v17;
	v17 =	vmovc v32;
	v30 =	vadd.f32 v34, v30;
	v34 =	vperm.xlane v31, v3  }
0x2ff: {  	v41 =	vperm.xlane v39, v2;
	v44 =	vmul.f32 v46, v11;
	v11 =	vmovc v27;
	v28 =	vmin.f32 v26, $9.999999950e+11;
	[tilespmem:s29+$0xD0] =	vst v29  }
0x300: {  	v32 =	vmul.f32 v33, v45;
	v42 =	vsub.f32 $1.500000000e+00, v50;
	v26 =	vperm.xlane v24, v2;
	[tilespmem:s29+$0xB0] =	vst v40  }
0x301: {  	s1 =	sadd.s32 $0x100, s1;
	v43 =	vperm.xlane v30, v1;
	v27 =	vmul.f32 v49, v25;
	v40 =	vadd.f32 v47, v48;
	[tilespmem:s29+$0xA0] =	vst v44  }
0x302: {  	v23 =	vmul.f32 v28, v23;
	v25 =	vadd.f32 v39, v41;
	v29 =	vmul.f32 v36, v38  }
0x303: {  	v37 =	vmul.f32 v37, v42;
	v54 =	vperm.xlane v35, v2;
	v32 =	vsub.f32 $1.500000000e+00, v32  }
0x304: {  	v21 =	vmul.f32 v28, v21;
	v31 =	vadd.f32 v31, v34;
	v24 =	vadd.f32 v24, v26  }
0x305: {  	v53 =	vperm.xlane v40, v2;
	v30 =	vadd.f32 v30, v43;
	v39 =	vperm.xlane v25, v3  }
0x306: {  	v56 =	vmin.f32 v37, $9.999999950e+11;
	v29 =	vmin.f32 v29, $9.999999950e+11;
	v32 =	vmul.f32 v33, v32  }
0x307: {  	v58 =	vadd.f32 v35, v54;
	v48 =	vperm.xlane v24, v3;
	v57 =	vperm.xlane v30, v2  }
0x308: {  	v49 =	vshra.s32 v31, $0x1;
	v22 =	vmul.f32 v56, v22;
	v4 =	vmul.f32 v29, v4  }
0x309: {  	v55 =	vadd.f32 v40, v53;
	v6 =	vmul.f32 v29, v6;
	v20 =	vmul.f32 v56, v20  }
0x30a: {  	[tilespmem:s30+$0x30] =	vst v21;
	v21 =	vsub.s32 $0x5F3759DF, v49;
	v25 =	vadd.f32 v25, v39;
	v32 =	vmin.f32 v32, $9.999999950e+11  }
0x30b: {  	v35 =	vperm.xlane v58, v3;
	v40 =	vperm.xlane v55, v3;
	v30 =	vadd.f32 v30, v57  }
0x30c: {  	v14 =	vmul.f32 v32, v14;
	v5 =	vmul.f32 v32, v5;
	[tilespmem:s29+$0xF0] =	vst v4;
	v4 =	vadd.f32 v24, v48  }
0x30d: {  	v59 =	vmul.f32 $5.000000000e-01, v25;
	v62 =	vadd.f32 v58, v35;
	v25 =	vshra.s32 v25, $0x1  }
0x30e: {  	v28 =	vadd.f32 v55, v40;
	v63 =	vperm.xlane v30, v3;
	v40 =	vmul.f32 $5.000000000e-01, v31  }
0x30f: {  	v25 =	vsub.s32 $0x5F3759DF, v25;
	v53 =	vmul.f32 $5.000000000e-01, v4;
	v4 =	vshra.s32 v4, $0x1  }
0x310: {  	v41 =	vshra.s32 v62, $0x1;
	v32 =	vmul.f32 $5.000000000e-01, v62;
	v29 =	vmul.f32 v25, v59  }
0x311: {  	v4 =	vsub.s32 $0x5F3759DF, v4;
	v60 =	vshra.s32 v28, $0x1;
	v28 =	vmul.f32 $5.000000000e-01, v28  }
0x312: {  	v42 =	vsub.s32 $0x5F3759DF, v41;
	v52 =	vmul.f32 v21, v40;
	v29 =	vmul.f32 v25, v29  }
0x313: {  	[tilespmem:s29+$0x50] =	vst v14;
	v30 =	vadd.f32 v30, v63;
	v14 =	vmul.f32 v4, v53;
	v32 =	vmul.f32 v42, v32  }
0x314: {  	v61 =	vsub.s32 $0x5F3759DF, v60;
	v54 =	vmul.f32 v21, v52;
	v29 =	vsub.f32 $1.500000000e+00, v29  }
0x315: {  	[tilespmem:s29+$0xC0] =	vst v27;
	v28 =	vmul.f32 v61, v28;
	v43 =	vshra.s32 v30, $0x1;
	v45 =	vmul.f32 v42, v32  }
0x316: {  	[tilespmem:s30+$0x20] =	vst v23;
	v44 =	vmul.f32 $5.000000000e-01, v30;
	v56 =	vsub.f32 $1.500000000e+00, v54;
	v51 =	vmul.f32 v25, v29  }
0x317: {  	[tilespmem:s29+$0x40] =	vst v5;
	v46 =	vsub.s32 $0x5F3759DF, v43;
	v28 =	vmul.f32 v61, v28;
	v5 =	vsub.f32 $1.500000000e+00, v45  }
0x318: {  	[tilespmem:s29+$0xE0] =	vst v6;
	v27 =	vmul.f32 v46, v44;
	v60 =	vmul.f32 v21, v56;
	v6 =	vmin.f32 v51, $9.999999950e+11  }
0x319: {  	[tilespmem:s30+$0x80] =	vst v22;
	v28 =	vsub.f32 $1.500000000e+00, v28;
	v5 =	vmul.f32 v42, v5;
	v10 =	vmul.f32 v6, v10  }
0x31a: {  	[tilespmem:s30+$0x90] =	vst v20;
	v50 =	vmul.f32 v46, v27;
	v6 =	vmul.f32 v6, v15;
	v62 =	vmin.f32 v60, $9.999999950e+11  }
0x31b: {  	v28 =	vmul.f32 v61, v28;
	v5 =	vmin.f32 v5, $9.999999950e+11;
	v63 =	vmul.f32 v62, v7;
	[tilespmem:s30+$0x10] =	vst v10  }
0x31c: {  	v14 =	vmul.f32 v4, v14;
	v22 =	vsub.f32 $1.500000000e+00, v50;
	[tilespmem:s30+$0x0] =	vst v6;
	v59 =	vmul.f32 v5, v17  }
0x31d: {  	v47 =	vmin.f32 v28, $9.999999950e+11;
	v5 =	vmul.f32 v5, v11;
	[tilespmem:s30+$0xE0] =	vst v63  }
0x31e: {  	v14 =	vsub.f32 $1.500000000e+00, v14;
	v55 =	vmul.f32 v46, v22;
	v18 =	vmul.f32 v47, v18;
	[tilespmem:s30+$0xB0] =	vst v59  }
0x31f: {  	v19 =	vmul.f32 v47, v19;
	[tilespmem:s30+$0xA0] =	vst v5  }
0x320: {  	v4 =	vmul.f32 v4, v14;
	v57 =	vmin.f32 v55, $9.999999950e+11;
	v5 =	vmul.f32 v62, v8;
	[tilespmem:s30+$0x60] =	vst v18  }
0x321: {  	s0 =	smul.u32 $0x280, s28;
	[tilespmem:s30+$0x70] =	vst v19;
	v58 =	vmul.f32 v57, v13  }
0x322: {  	v4 =	vmin.f32 v4, $9.999999950e+11;
	v61 =	vmul.f32 v57, v12;
	[tilespmem:s30+$0xF0] =	vst v5  }
.Ltmp6:
0x323: {  	s0 =	sadd.s32 s4, s0;
	v5 =	vmul.f32 v4, v16;
	[tilespmem:s30+$0xD0] =	vst v58;
	(pc) =	sbr.rel @p0 .LBB2_12-.Ltmp6, $4  }
0x324: {  	s0 =	sshll.u32 s0, $0x2;
	v4 =	vmul.f32 v4, v9;
	[tilespmem:s30+$0xC0] =	vst v61  }
0x325: {  	s0 =	sand.u32 $0x1FFFFE00, s0;
	[tilespmem:s30+$0x50] =	vst v5  }
0x326: {  	s0 =	sadd.s32 s2, s0;
	[tilespmem:s30+$0x40] =	vst v4  }
0x327: {  	[hbm4b:s0+s3] =	stream.linear.scatter [tilespmem:s17], [sflag:$0x8], $0x5000, $0x38;
	[tilespmem:$0x1A400] =	vst v63  }
0x328: {  	s0 =	smul.u32 $0x2800, s26  }
.Ltmp7:
0x329: {  	_ = 	snop;
	(pc) =	sbr.rel .LBB2_2-.Ltmp7, $4  }
0x32a: {  	_ =	swait.ge [sflag:s23], $0x5000  }
0x32b: {  	[sflag:s23] =	ssyncset.done $0x0;
	s0 =	sshra.s32 s0, $0x2  }
0x32c: {  	s26 =	sadd.s32 $0x1, s26;
	[sflag:s23] =	ssyncadd.s32 $0xFFFFB000;
	s0 =	sadd.s32 $0xF00, s0  }
0x32d: {  	[tilespmem:s15], [sflag:$0x3] =	stream.indirect.gather [hbm4b:s5+s11], $0x20, s0, s11, $0xb8;
	[tilespmem:$0x1A400] =	vst v63  }
.LBB2_13:
0x32e: {  	_ =	sfence.sel $0x180000  }
0x32f: {  	[bflag:$0x0] =	sbarrier.arrive $0xFFFF  }
0x330: {  	_ =	strace $0x90000047  }
0x331: {  	s0 =	stileid.u32;
	[bflag:$0x2] =	sbarrier.arrive $0xFFFF  }
0x332: {  	p0 =	sne.s32 s0, $0x0;
	s0 =	rddreg [dreg:$0x2]  }
0x333: {  	s0 =	sadd.s32 @!p0 $0x100000, s0  }
0x334: {  	[sflag:s0] =	ssyncadd.tile.s32 @!p0 $0x1;
	_ =	shalt  }
.Lfunc_end2:
_tile_overlayer_lowered:
.L_overlay_start_2:
0x335: {  	(tag) =	ssettag $0x2  }
0x336: {  	s0 =	rddreg [dreg:$0x0];
	s2 =	stileid.u32  }
0x337: {  	s1 =	rddreg [dreg:$0x1];
	p0 =	sne.s32 s2, $0x0  }
0x338: {  	s3 =	rddreg [dreg:$0x2];
	[bflag:$0x3] =	sbarrier.arrive $0xFFFF;
	s2 =	simm.s32 @!p0 $0x1C09  }
0x339: {  	[timem:s3], [sflag:s2] =	dma.local @!p0 [hbm:s0], s1  }
0x33a: {  	s0 =	simm.s32 @!p0 $0x9  }
0x33b: {  	_ =	swait.ge @!p0 [sflag:s0], s1  }
0x33c: {  	s1 =	ssub.s32 @!p0 $0x0, s1;
	[sflag:s0] =	ssyncset.done @!p0 $0x0  }
0x33d: {  	[sflag:s0] =	ssyncadd.s32 @!p0 s1  }
0x33e: {  	[bflag:$0x3] =	sbarrier.arrive $0xFFFF  }
0x33f: {  	_ =	shalt  }

// kernel: sparse-core-data-format-call.cloned.1.call-start
scs
called_computation_lowered:
.L_overlay_start_0:
0x0: {  	s2 =	sld [smem:$0x3FD9]  }
0x1: {  	s3 =	sld [smem:$0x3FFE];
	_ =	sdelay $0x1  }
0x2: {  	s1 =	srdreg.scid  }
0x3: {  	s0 =	sand.u32 $0x1, s1  }
0x4: {  	s18 =	sshll.u32 s0, $0xA;
	s2 =	sadd.s32 s3, s2  }
0x5: {  	s2 =	sadd.s32 s2, s18  }
0x6: {  	[smem:$0x3FC6] =	sst s2  }
0x7: {  	_ = 	snop  }
0x8: {  	s2 =	sld [smem:$0x3FD0];
	(tm) =	ssettm $0x1  }
0x9: {  	s19 =	sld [smem:$0x3FFB];
	_ =	sdelay $0x3  }
0xa: {  	_ =	strace s19  }
0xb: {  	s3 =	sld [smem:$0x3FFC];
	_ =	sdelay $0x3  }
0xc: {  	_ =	strace s3  }
0xd: {  	s3 =	sld [smem:$0x3FFD];
	_ =	sdelay $0x3  }
0xe: {  	_ =	strace s3  }
0xf: {  	_ =	strace $0x8FFFFFFF  }
0x10: {  	s20 =	sld [smem:$0x3FDB];
	_ =	sdelay $0x1  }
0x11: {  	s4 =	simm.s32 $_scs_section_size  }
0x12: {  	s5 =	simm.s32 $_size__tile_overlayer_lowered;
	s6 =	simm.s32 $_tile_overlayer_lowered  }
0x13: {  	s23 =	simm.s32 $0x1BFF;
	s22 =	sshll.u32 s6, $0x1;
	s3 =	sadd.s32 s4, s20  }
0x14: {  	s7 =	simm.s32 $0x0;
	s21 =	sshll.u32 s5, $0x1;
	s5 =	sadd.s32 s22, s3  }
0x15: {  	[timem:s7], [sflag:s23] =	dma.local [hbm:s5], s21  }
0x16: {  	_ =	swait.ge [sflag:s23], s21  }
0x17: {  	s4 =	ssub.s32 $0x0, s21;
	[sflag:s23] =	ssyncset.done $0x0  }
0x18: {  	[sflag:s23] =	ssyncadd.s32 s4;
	_ =	sdelay $0x1  }
0x19: {  	s24 =	simm.s32 $0x1B8B  }
0x1a: {  	_ =	swait.ge [sflag:s24], $0x1  }
0x1b: {  	[sflag:s24] =	ssyncset.done $0x0  }
0x1c: {  	s26 =	simm.s32 $0x1B8E;
	s25 =	sld [smem:$0x3FFE];
	[sflag:s24] =	ssyncadd.s32 $0xFFFFFFFF  }
0x1d: {  	s27 =	simm.s32 $execute0_lowered;
	[smem:$0x3FD2] =	sst s26  }
0x1e: {  	s5 =	sshll.u32 s27, $0x1;
	_ =	strace $0x80000049;
	[dreg:$0x1] =	wrdreg $0xFFFFFFFF  }
0x1f: {  	s28 =	simm.s32 $_size_execute0_lowered;
	s3 =	sadd.s32 s3, s5;
	[dreg:$0x0] =	wrdreg $0x0  }
0x20: {  	s5 =	sshll.u32 s28, $0x1;
	[dreg:$0x2] =	wrdreg s3  }
0x21: {  	[dreg:$0x3] =	wrdreg s5  }
0x22: {  	[dreg:$0x4] =	wrdreg $0xC0  }
0x23: {  	_ =	task [dreg:s7], $0x5FFFF  }
0x24: {  	[dreg:$0x1] =	wrdreg $0xFFFFFFFF  }
0x25: {  	[dreg:$0x0] =	wrdreg $0x60  }
0x26: {  	[dreg:$0x2] =	wrdreg s25  }
0x27: {  	[dreg:$0x3] =	wrdreg s2  }
0x28: {  	[dreg:$0x4] =	wrdreg $0x9  }
0x29: {  	_ =	task.clear_ibuf [dreg:s7], $0x5FFFF;
	_ =	strace $0x90000049  }
0x2a: {  	s29 =	simm.s32 $0x9;
	_ =	strace $0x8000004B  }
0x2b: {  	_ =	swait.ge [sflag:s29], $0x1  }
0x2c: {  	[sflag:s29] =	ssyncadd.s32 $0xFFFFFFFF  }
0x2d: {  	_ =	strace $0x9000004B  }
0x2e: {  	_ =	sfence  }
0x2f: {  	s30 =	sld [smem:$0x0];
	_ =	sdelay $0x2  }
0x30: {  	s31 =	sshll.u32 s1, $0xD;
	s1 =	sshrl.u32 s1, $0x2  }
0x31: {  	s3 =	sand.u32 $0x4000, s31;
	s1 =	sadd.s32 s1, s30  }
0x32: {  	s0 =	sor.u32 s3, s0;
	s1 =	sshll.u32 s1, $0x11  }
0x33: {  	s0 =	sor.u32 s1, s0  }
0x34: {  	s0 =	sadd.s32 $0x8F2B, s0  }
0x35: {  	[sflag:s0] =	ssyncadd.remote.s32 $0x1  }
0x36: {  	_ =	sfence.sel $0xFFFF  }
0x37: {  	[dreg:$0x0] =	wrdreg $0xFFFFFFFF;
	(pc) =	sbr.abs _section_cstart, $3  }
0x38: {  	[dreg:$0x1] =	wrdreg $0xFFFFFFFF  }
0x39: {  	_ =	task.clear_ibuf [dreg:s7], $0x2FFFF;
	_ =	strace $0x9FFFFFFF  }
0x3a: {  	(tm) =	ssettm $0x7FFFFFFF  }
0x3b: {  	_ =	shalt  }
tec
execute0_lowered:
.L_overlay_start_1:
0x0: {  	(tag) =	ssettag $0x1  }
0x1: {  	s0 =	srdreg.scid  }
0x2: {  	s1 =	sshll.u32 s0, $0x4  }
0x3: {  	s0 =	stileid.u32;
	s1 =	sand.u32 $0x10, s1  }
0x4: {  	s1 =	sor.u32 s0, s1  }
0x5: {  	s6 =	rddreg [dreg:$0x0];
	s4 =	simm.s32 $0x1;
	s2 =	sshll.u32 s1, $0x7  }
0x6: {  	s7 =	simm.s32 $0x2;
	s12 =	simm.s32 $0x0;
	s1 =	ssub.s32 $0x1000, s2  }
0x7: {  	s8 =	simm.s32 $0x8000;
	s13 =	simm.s32 $0x0;
	s3 =	sand.u32 $0xF80, s1  }
0x8: {  	s9 =	simm.s32 $0x0;
	s5 =	sshrl.u32 s1, $0xC;
	p0 =	sne.s32 s3, $0x0  }
.Ltmp0:
0x9: {  	s1 =	rddreg [dreg:$0x2];
	s4 =	simm.s32 @!p0 $0x0;
	(pc) =	sbr.rel .LBB1_1-.Ltmp0, $4  }
0xa: {  	s11 =	simm.s32 $0x0;
	s3 =	rddreg [dreg:$0x1];
	s5 =	sadd.s32 s4, s5  }
0xb: {  	_ =	strace $0x8000004A;
	s4 =	simm.s32 $0x1;
	s5 =	smul.u32 $0xC8, s5  }
0xc: {  	s6 =	sadd.s32 $0xA00, s6;
	s10 =	smov.u32 s2;
	[sflag:s4] =	ssyncpa.u1 $0x0  }
0xd: {  	p0 =	por $0x0, $0x0;
	[sflag:s7] =	ssyncpa.u1 $0x0;
	s7 =	sor.u32 $0x1, s5  }
.LBB1_4:
0xe: {  	s16 =	sshll.u32 s13, $0x3;
	s17 =	sand.u32 $0x78, s13  }
0xf: {  	s30 =	sand.u32 $0x3E00, s13;
	s12 =	sshll.u32 s12, $0xE;
	s16 =	sand.u32 $0xC00, s16  }
0x10: {  	s31 =	sand.u32 $0x7, s13;
	s16 =	sor.u32 s17, s16;
	s17 =	sadd.s32 s3, s30  }
0x11: {  	s13 =	sshll.u32 s31, $0x12;
	s16 =	sshrl.u32 s16, $0x3;
	s12 =	sadd.s32 s12, s17  }
0x12: {  	[tilespmem:s15+$0x0 ss:$0x81] =	vst.msk $0xffff, v0;
	s13 =	sor.u32 $0x400, s13;
	s12 =	sadd.s32 s16, s12  }
0x13: {  	[hbm4b:s12+s13] =	stream.strided.scatter [tilespmem:s14], [sflag:$0x2], $0x1000, s8, s13, $0x20;
	[tilespmem:$0x4040] =	vst v63  }
.LBB1_5:
0x14: {  	s14 =	sadd.s32 $0x1, s9  }
0x15: {  	s12 =	sadd.s32 $0x1000, s10;
	s16 =	smov.u32 s10;
	p2 =	sgt.s32 s14, $0xC7  }
0x16: {  	s16 =	smov.u32 @p2 s12  }
0x17: {  	s14 =	simm.s32 @p2 $0x0;
	p2 =	sgt.s32 s16, $0xFFF  }
0x18: {  	s16 =	smov.u32 @p2 s2;
	p2 =	sne.s32 s11, s7  }
.Ltmp1:
0x19: {  	p1 =	slt.u32 s11, $0x2;
	(pc) =	sbr.rel @!p2 .LBB1_6-.Ltmp1, $4  }
0x1a: {  	s15 =	simm.s32 @!p1 $0x2  }
0x1b: {  	s13 =	smov.u32 s10;
	p0 =	por !p0, !p0;
	_ =	swait.ge @!p1 [sflag:s15], $0x1000  }
0x1c: {  	s12 =	smov.u32 s9;
	[sflag:s15] =	ssyncset.done @!p1 $0x0;
	s9 =	smov.u32 s14  }
0x1d: {  	s11 =	sadd.s32 $0x1, s11;
	[sflag:s15] =	ssyncadd.s32 @!p1 $0xFFFFF000;
	s10 =	smov.u32 s16  }
.LBB1_1:
0x1e: {  	p1 =	sge.u32 s11, s5  }
0x1f: {  	s14 =	sand.u32 @!p1 $0x1FFFFFF, s9  }
0x20: {  	s15 =	smulhi.u32 @!p1 $0x147AE15, s14;
	_ =	sdelay $0x1  }
0x21: {  	s15 =	smul.u32 @!p1 $0xC8, s15  }
0x22: {  	s16 =	sxor.u32 @!p1 $0xFFFFFFFF, s11;
	s17 =	smul.u32 @!p1 $0xC80, s10  }
0x23: {  	s31 =	sadd.s32 $0xFFFFFFFF, s11;
	s16 =	sshll.u32 @!p1 s16, $0xC;
	s14 =	ssub.s32 @!p1 s14, s15  }
0x24: {  	s15 =	sand.u32 @!p1 $0x1000, s16;
	s16 =	sadd.s32 @!p1 s6, s17;
	s14 =	sshll.u32 @!p1 s14, $0x4  }
0x25: {  	s17 =	simm.s32 @!p1 $0x6400;
	s14 =	sadd.s32 @!p1 s14, s16;
	s16 =	simm.s32 @!p1 $0x20  }
0x26: {  	[tilespmem:s15], [sflag:$0x1] =	stream.strided.gather @!p1 [hbm4b:s14+s16], $0x1000, s17, s16, $0x38;
	[tilespmem:$0x4040] =	vst v63  }
0x27: {  	p1 =	sge.u32 s31, s5  }
.Ltmp2:
0x28: {  	_ = 	snop;
	(pc) =	sbr.rel @p1 .LBB1_5-.Ltmp2, $1  }
0x29: {  	_ =	sdelay $0x3  }
0x2a: {  	s14 =	simm.s32 $0x1  }
0x2b: {  	_ =	swait.ge [sflag:s4], $0x1000;
	s14 =	simm.s32 @!p0 $0x0  }
0x2c: {  	[sflag:s4] =	ssyncset.done $0x0;
	s15 =	sshll.u32 s14, $0xC  }
0x2d: {  	[sflag:s4] =	ssyncadd.s32 $0xFFFFF000;
	s18 =	sor.u32 $0x10, s15  }
0x2e: {  	s14 =	smul.u32 $0x4080, s14;
	v1 =	vld [tilespmem:s18+$0x0]  }
0x2f: {  	s30 =	sand.u32 $0x1, s11;
	v0 =	vld [tilespmem:s18+$0xFFFFFFF0]  }
0x30: {  	s15 =	smul.u32 $0x4080, s30;
	s14 =	sshrl.u32 s14, $0x2  }
0x31: {  	s16 =	sor.u32 $0x2000, s14  }
0x32: {  	s31 =	sshrl.u32 s15, $0x2;
	s15 =	sadd.s32 $0x0, s16  }
0x33: {  	s17 =	simm.s32 $0x4;
	s18 =	sadd.s32 $0x20, s18;
	s14 =	sor.u32 $0x2000, s31;
	[tilespmem:s15+$0x810 ss:$0x81] =	vst.msk $0xffff, v1  }
.LBB1_3:
0x34: {  	v1 =	vld [tilespmem:s18+$0x0];
	p1 =	sne.s32 s17, $0x1FC;
	[tilespmem:s15+$0x0 ss:$0x81] =	vst.msk $0xffff, v0;
	s15 =	smov.u32 s17;
	s17 =	sadd.s32 $0x4, s17  }
.Ltmp3:
0x35: {  	v0 =	vld [tilespmem:s18+$0xFFFFFFF0];
	(pc) =	sbr.rel @p1 .LBB1_3-.Ltmp3, $4  }
0x36: {  	_ = 	snop  }
0x37: {  	s15 =	sshra.s32 s15, $0x2  }
0x38: {  	s15 =	sadd.s32 s15, s16  }
0x39: {  	s18 =	sadd.s32 $0x20, s18;
	[tilespmem:s15+$0x810 ss:$0x81] =	vst.msk $0xffff, v1  }
.Ltmp4:
0x3a: {  	_ = 	snop;
	(pc) =	sbr.rel .LBB1_4-.Ltmp4, $1  }
0x3b: {  	_ =	sdelay $0x3  }
.LBB1_6:
0x3c: {  	_ =	sfence.sel $0x180000  }
0x3d: {  	s2 =	simm.s32 $0x1;
	[bflag:$0x0] =	sbarrier.arrive $0xFFFF  }
0x3e: {  	s31 =	simm.s32 $0x2;
	[sflag:s2] =	ssyncpa.u1 $0x1  }
0x3f: {  	[sflag:s31] =	ssyncpa.u1 $0x1  }
0x40: {  	p0 =	sne.s32 s0, $0x0;
	_ =	strace $0x9000004A  }
0x41: {  	s0 =	sadd.s32 @!p0 $0x100000, s1;
	[bflag:$0x2] =	sbarrier.arrive $0xFFFF  }
0x42: {  	[sflag:s0] =	ssyncadd.tile.s32 @!p0 $0x1;
	_ =	shalt  }
.Lfunc_end1:
_tile_overlayer_lowered:
.L_overlay_start_2:
0x43: {  	(tag) =	ssettag $0x2  }
0x44: {  	s0 =	rddreg [dreg:$0x0];
	s2 =	stileid.u32  }
0x45: {  	s1 =	rddreg [dreg:$0x1];
	p0 =	sne.s32 s2, $0x0  }
0x46: {  	s3 =	rddreg [dreg:$0x2];
	[bflag:$0x3] =	sbarrier.arrive $0xFFFF;
	s2 =	simm.s32 @!p0 $0x1C01  }
0x47: {  	[timem:s3], [sflag:s2] =	dma.local @!p0 [hbm:s0], s1  }
0x48: {  	s0 =	simm.s32 @!p0 $0x1  }
0x49: {  	_ =	swait.ge @!p0 [sflag:s0], s1  }
0x4a: {  	s1 =	ssub.s32 @!p0 $0x0, s1;
	[sflag:s0] =	ssyncset.done @!p0 $0x0  }
0x4b: {  	[sflag:s0] =	ssyncadd.s32 @!p0 s1  }
0x4c: {  	[bflag:$0x3] =	sbarrier.arrive $0xFFFF  }
0x4d: {  	_ =	shalt  }

</sc_bundles>
